<compile_context>
chip_gen: v7x
topology: tpu7x:2x2x1
jax: 0.10.2.dev20260603
libtpu: 0.0.44.dev20260713+nightly
codegen_flags: <defaults>
</compile_context>

<pallas_src>
import functools

import jax
import jax.numpy as jnp
from jax import lax
from jax.experimental import pallas as pl
from jax.experimental.pallas import tpu as pltpu
from jax.experimental.pallas import tpu_sc as plsc


def _tc_body(table_ref, w_ref, b_ref, mt_ref):
    mt = jnp.tanh(
        lax.dot_general(
            w_ref[...], table_ref[...],
            (((1,), (1,)), ((), ())),
            preferred_element_type=jnp.float32,
        )
        + b_ref[...].reshape(-1, 1)
    )
    pad = 128 - mt.shape[1]
    mt_ref[...] = jnp.concatenate(
        [mt, jnp.zeros((mt.shape[0], pad), jnp.float32)], axis=1
    )


@functools.lru_cache(maxsize=None)
def _make_sc_gather(B, D):
    info = plsc.get_sparse_core_info()
    nw = info.num_cores * info.num_subcores
    per_w = B // nw
    groups = per_w // 16
    g_per_blk = 8
    mesh = plsc.VectorSubcoreMesh(core_axis_name="c", subcore_axis_name="s")

    @functools.partial(
        pl.kernel,
        mesh=mesh,
        out_type=jax.ShapeDtypeStruct((D, B), jnp.float32),
        scratch_types=[
            pltpu.VMEM((D, 128), jnp.float32),
            pltpu.VMEM((per_w,), jnp.int32),
            pltpu.VMEM((D, per_w), jnp.float32),
            pltpu.SemaphoreType.DMA,
        ],
        compiler_params=pltpu.CompilerParams(needs_layout_passes=False),
    )
    def sc_gather(mt_hbm, idx_hbm, out_hbm, mt_v, idx_v, pout_v, sem):
        wid = lax.axis_index("s") * info.num_cores + lax.axis_index("c")
        base = wid * per_w
        pltpu.sync_copy(mt_hbm, mt_v)
        pltpu.sync_copy(idx_hbm.at[pl.ds(base, per_w)], idx_v)

        half = per_w // 2
        dmas = []
        for h in range(2):
            @plsc.parallel_loop(h * groups // 2, (h + 1) * groups // 2,
                                unroll=4)
            def _gather_body(g):
                xg = idx_v[pl.ds(g * 16, 16)]
                for c in range(D):
                    row = jnp.full((16,), c, jnp.int32)
                    pout_v[c, pl.ds(g * 16, 16)] = plsc.load_gather(
                        mt_v, [row, xg]
                    )

            dmas.append(
                pltpu.async_copy(
                    pout_v.at[pl.ds(0, D), pl.ds(h * half, half)],
                    out_hbm.at[pl.ds(0, D), pl.ds(base + h * half, half)],
                    sem,
                )
            )
        for dma in dmas:
            dma.wait()

    return sc_gather


def kernel(x, table, W, b):
    B = x.shape[0]
    D = W.shape[0]
    mt = pl.pallas_call(
        _tc_body,
        out_shape=jax.ShapeDtypeStruct((D, 128), jnp.float32),
    )(table, W, b)
    idx = x.astype(jnp.int32)
    out_t = _make_sc_gather(B, D)(mt, idx)
    return out_t.T

# --- scband reference (transcript-rebuilt; emitter-appended) ---
"""Pipeline reference for scband-message-net-84464826843434 (READ-ONLY COPY).

The authoritative reference and input builder live on the scoring server;
editing this copy changes nothing except your own understanding.
"""

import jax, jax.numpy as jnp
import numpy as np


def setup_inputs(seed: int = 0) -> dict:
    key = jax.random.key(seed)
    k1, k2, k3, k4 = jax.random.split(key, 4)
    B = 16384
    msg_dim = 64
    x = jax.random.randint(k1, (B,), 0, 10, dtype=jnp.int64)
    # nn.Embedding(10, 128) weight
    table = jax.random.normal(k2, (10, 128), dtype=jnp.float32)
    # nn.Linear(128, msg_dim): weight [msg_dim, 128], bias [msg_dim]
    bound = 1.0 / np.sqrt(128.0)
    W = jax.random.uniform(k3, (msg_dim, 128), dtype=jnp.float32, minval=-bound, maxval=bound)
    b = jax.random.uniform(k4, (msg_dim,), dtype=jnp.float32, minval=-bound, maxval=bound)
    return {"x": x, "table": table, "W": W, "b": b}


def reference(x, table, W, b):
    # x: int64[B] -> embedding lookup -> [B, 128]
    emb = jnp.take(table, x, axis=0)
    # Flatten(start_dim=1) on [B,128] is identity
    flat = emb.reshape(emb.shape[0], -1)
    # Linear + Tanh
    out = jnp.tanh(flat @ W.T + b)
    return out

if __name__ == "__main__":
    import jax
    _d = setup_inputs()
    print(jax.jit(kernel)(*tuple(_d.values())))

</pallas_src>

<mosaic_0001>
#map = affine_map<(d0, d1) -> (0, 0)>
#map1 = affine_map<(d0, d1) -> (0)>
module attributes {stable_mosaic.version = 14 : i64} {
  func.func @sc_gather(%arg0: i32, %arg1: i32, %arg2: memref<64x128xf32, #tpu.memory_space<hbm>>, %arg3: memref<16384xi32, #tpu.memory_space<hbm>>, %arg4: memref<64x16384xf32, #tpu.memory_space<hbm>>, %arg5: memref<64x128xf32, #tpu.memory_space<vmem>>, %arg6: memref<512xi32, #tpu.memory_space<vmem>>, %arg7: memref<64x512xf32, #tpu.memory_space<vmem>>, %arg8: memref<!tpu.dma_semaphore, #tpu.memory_space<semaphore_mem>>) attributes {dimension_semantics = [#tpu.dimension_semantics<core_parallel>, #tpu.dimension_semantics<subcore_parallel>], iteration_bounds = array<i64: 2, 16>, scalar_prefetch = 0 : i64, scratch_operands = 4 : i64, tpu.core_type = #tpu.core_type<sc_vector_subcore>, window_params = [{transform_indices = #map}, {transform_indices = #map1}, {transform_indices = #map}]} {
    %mul3A = arith.constant 2 : i32
    %mul3A_0 = arith.muli %arg1, %mul3A : i32
    %add3A = arith.addi %mul3A_0, %arg0 : i32
    %mul3A_1 = arith.constant 512 : i32
    %mul3A_2 = arith.muli %add3A, %mul3A_1 : i32
    "tpu.region"() ({
      %run_scoped3A = tpu.sem_alloc : memref<!tpu.dma_semaphore, #tpu.memory_space<semaphore_mem>>
      tpu.enqueue_dma source(%arg2 : memref<64x128xf32, #tpu.memory_space<hbm>>) target(%arg5 : memref<64x128xf32, #tpu.memory_space<vmem>>) target_semaphore(%run_scoped3A : memref<!tpu.dma_semaphore, #tpu.memory_space<semaphore_mem>>)
      tpu.wait_dma2 semaphore(%run_scoped3A : memref<!tpu.dma_semaphore, #tpu.memory_space<semaphore_mem>>) src(%arg2 : memref<64x128xf32, #tpu.memory_space<hbm>>) dst(%arg5 : memref<64x128xf32, #tpu.memory_space<vmem>>)
      tpu.yield
    }) : () -> ()
    "tpu.region"() ({
      %run_scoped3A = tpu.sem_alloc : memref<!tpu.dma_semaphore, #tpu.memory_space<semaphore_mem>>
      %dma_start3A_50 = tpu.memref_slice %arg3[%mul3A_2] : memref<16384xi32, #tpu.memory_space<hbm>> -> memref<512xi32, #tpu.memory_space<hbm>>
      %dma_start3A_51 = tpu.memref_slice %arg3[%mul3A_2] : memref<16384xi32, #tpu.memory_space<hbm>> -> memref<512xi32, #tpu.memory_space<hbm>>
      tpu.enqueue_dma source(%dma_start3A_51 : memref<512xi32, #tpu.memory_space<hbm>>) target(%arg6 : memref<512xi32, #tpu.memory_space<vmem>>) target_semaphore(%run_scoped3A : memref<!tpu.dma_semaphore, #tpu.memory_space<semaphore_mem>>)
      %dma_wait3A_52 = tpu.memref_slice %arg3[%mul3A_2] : memref<16384xi32, #tpu.memory_space<hbm>> -> memref<512xi32, #tpu.memory_space<hbm>>
      %dma_wait3A_53 = tpu.memref_slice %arg3[%mul3A_2] : memref<16384xi32, #tpu.memory_space<hbm>> -> memref<512xi32, #tpu.memory_space<hbm>>
      tpu.wait_dma2 semaphore(%run_scoped3A : memref<!tpu.dma_semaphore, #tpu.memory_space<semaphore_mem>>) src(%dma_wait3A_53 : memref<512xi32, #tpu.memory_space<hbm>>) dst(%arg6 : memref<512xi32, #tpu.memory_space<vmem>>)
      tpu.yield
    }) : () -> ()
    %parallel_loop3A = arith.constant 0 : i32
    %parallel_loop3A_3 = arith.constant 16 : i32
    %parallel_loop3A_4 = arith.constant 1 : i32
    scf.for %parallel_loop3A_50 = %parallel_loop3A to %parallel_loop3A_3 step %parallel_loop3A_4  : i32 {
      %parallel_loop3A_51 = arith.constant 16 : i32
      %parallel_loop3A_52 = arith.muli %parallel_loop3A_50, %parallel_loop3A_51 : i32
      %parallel_loop3A_53 = arith.index_cast %parallel_loop3A_52 : i32 to index
      %parallel_loop3A_54 = tpu.vector_load %arg6[%parallel_loop3A_53] {strides = array<i32>} : memref<512xi32, #tpu.memory_space<vmem>>, vector<16xi32>,
      %parallel_loop3A_55 = arith.constant 0 : i32
      %parallel_loop3A_56 = vector.broadcast %parallel_loop3A_55 : i32 to vector<16xi32>
      %parallel_loop3A_57 = tpu.vector_load_idx %arg5[%parallel_loop3A_56, %parallel_loop3A_54] : memref<64x128xf32, #tpu.memory_space<vmem>>[vector<16xi32>, vector<16xi32>], vector<16xf32>,
      %parallel_loop3A_58 = arith.constant 16 : i32
      %parallel_loop3A_59 = arith.muli %parallel_loop3A_50, %parallel_loop3A_58 : i32
      %parallel_loop3A_60 = arith.constant 0 : i32
      %parallel_loop3A_61 = arith.index_cast %parallel_loop3A_60 : i32 to index
      %parallel_loop3A_62 = arith.index_cast %parallel_loop3A_59 : i32 to index
      %parallel_loop3A_63 = tpu.vector_load %arg7[%parallel_loop3A_61, %parallel_loop3A_62] {strides = array<i32>} : memref<64x512xf32, #tpu.memory_space<vmem>>, vector<16xf32>,
      tpu.vector_store %arg7[%parallel_loop3A_61, %parallel_loop3A_62], %parallel_loop3A_57 {strides = array<i32>} : memref<64x512xf32, #tpu.memory_space<vmem>>, vector<16xf32>,
      %parallel_loop3A_64 = arith.constant 1 : i32
      %parallel_loop3A_65 = vector.broadcast %parallel_loop3A_64 : i32 to vector<16xi32>
      %parallel_loop3A_66 = tpu.vector_load_idx %arg5[%parallel_loop3A_65, %parallel_loop3A_54] : memref<64x128xf32, #tpu.memory_space<vmem>>[vector<16xi32>, vector<16xi32>], vector<16xf32>,
      %parallel_loop3A_67 = arith.constant 16 : i32
      %parallel_loop3A_68 = arith.muli %parallel_loop3A_50, %parallel_loop3A_67 : i32
      %parallel_loop3A_69 = arith.constant 1 : i32
      %parallel_loop3A_70 = arith.index_cast %parallel_loop3A_69 : i32 to index
      %parallel_loop3A_71 = arith.index_cast %parallel_loop3A_68 : i32 to index
      %parallel_loop3A_72 = tpu.vector_load %arg7[%parallel_loop3A_70, %parallel_loop3A_71] {strides = array<i32>} : memref<64x512xf32, #tpu.memory_space<vmem>>, vector<16xf32>,
      tpu.vector_store %arg7[%parallel_loop3A_70, %parallel_loop3A_71], %parallel_loop3A_66 {strides = array<i32>} : memref<64x512xf32, #tpu.memory_space<vmem>>, vector<16xf32>,
      %parallel_loop3A_73 = arith.constant 2 : i32
      %parallel_loop3A_74 = vector.broadcast %parallel_loop3A_73 : i32 to vector<16xi32>
      %parallel_loop3A_75 = tpu.vector_load_idx %arg5[%parallel_loop3A_74, %parallel_loop3A_54] : memref<64x128xf32, #tpu.memory_space<vmem>>[vector<16xi32>, vector<16xi32>], vector<16xf32>,
      %parallel_loop3A_76 = arith.constant 16 : i32
      %parallel_loop3A_77 = arith.muli %parallel_loop3A_50, %parallel_loop3A_76 : i32
      %parallel_loop3A_78 = arith.constant 2 : i32
      %parallel_loop3A_79 = arith.index_cast %parallel_loop3A_78 : i32 to index
      %parallel_loop3A_80 = arith.index_cast %parallel_loop3A_77 : i32 to index
      %parallel_loop3A_81 = tpu.vector_load %arg7[%parallel_loop3A_79, %parallel_loop3A_80] {strides = array<i32>} : memref<64x512xf32, #tpu.memory_space<vmem>>, vector<16xf32>,
      tpu.vector_store %arg7[%parallel_loop3A_79, %parallel_loop3A_80], %parallel_loop3A_75 {strides = array<i32>} : memref<64x512xf32, #tpu.memory_space<vmem>>, vector<16xf32>,
      %parallel_loop3A_82 = arith.constant 3 : i32
      %parallel_loop3A_83 = vector.broadcast %parallel_loop3A_82 : i32 to vector<16xi32>
      %parallel_loop3A_84 = tpu.vector_load_idx %arg5[%parallel_loop3A_83, %parallel_loop3A_54] : memref<64x128xf32, #tpu.memory_space<vmem>>[vector<16xi32>, vector<16xi32>], vector<16xf32>,
      %parallel_loop3A_85 = arith.constant 16 : i32
      %parallel_loop3A_86 = arith.muli %parallel_loop3A_50, %parallel_loop3A_85 : i32
      %parallel_loop3A_87 = arith.constant 3 : i32
      %parallel_loop3A_88 = arith.index_cast %parallel_loop3A_87 : i32 to index
      %parallel_loop3A_89 = arith.index_cast %parallel_loop3A_86 : i32 to index
      %parallel_loop3A_90 = tpu.vector_load %arg7[%parallel_loop3A_88, %parallel_loop3A_89] {strides = array<i32>} : memref<64x512xf32, #tpu.memory_space<vmem>>, vector<16xf32>,
      tpu.vector_store %arg7[%parallel_loop3A_88, %parallel_loop3A_89], %parallel_loop3A_84 {strides = array<i32>} : memref<64x512xf32, #tpu.memory_space<vmem>>, vector<16xf32>,
      %parallel_loop3A_91 = arith.constant 4 : i32
      %parallel_loop3A_92 = vector.broadcast %parallel_loop3A_91 : i32 to vector<16xi32>
      %parallel_loop3A_93 = tpu.vector_load_idx %arg5[%parallel_loop3A_92, %parallel_loop3A_54] : memref<64x128xf32, #tpu.memory_space<vmem>>[vector<16xi32>, vector<16xi32>], vector<16xf32>,
      %parallel_loop3A_94 = arith.constant 16 : i32
      %parallel_loop3A_95 = arith.muli %parallel_loop3A_50, %parallel_loop3A_94 : i32
      %parallel_loop3A_96 = arith.constant 4 : i32
      %parallel_loop3A_97 = arith.index_cast %parallel_loop3A_96 : i32 to index
      %parallel_loop3A_98 = arith.index_cast %parallel_loop3A_95 : i32 to index
      %parallel_loop3A_99 = tpu.vector_load %arg7[%parallel_loop3A_97, %parallel_loop3A_98] {strides = array<i32>} : memref<64x512xf32, #tpu.memory_space<vmem>>, vector<16xf32>,
      tpu.vector_store %arg7[%parallel_loop3A_97, %parallel_loop3A_98], %parallel_loop3A_93 {strides = array<i32>} : memref<64x512xf32, #tpu.memory_space<vmem>>, vector<16xf32>,
      %parallel_loop3A_100 = arith.constant 5 : i32
      %parallel_loop3A_101 = vector.broadcast %parallel_loop3A_100 : i32 to vector<16xi32>
      %parallel_loop3A_102 = tpu.vector_load_idx %arg5[%parallel_loop3A_101, %parallel_loop3A_54] : memref<64x128xf32, #tpu.memory_space<vmem>>[vector<16xi32>, vector<16xi32>], vector<16xf32>,
      %parallel_loop3A_103 = arith.constant 16 : i32
      %parallel_loop3A_104 = arith.muli %parallel_loop3A_50, %parallel_loop3A_103 : i32
      %parallel_loop3A_105 = arith.constant 5 : i32
      %parallel_loop3A_106 = arith.index_cast %parallel_loop3A_105 : i32 to index
      %parallel_loop3A_107 = arith.index_cast %parallel_loop3A_104 : i32 to index
      %parallel_loop3A_108 = tpu.vector_load %arg7[%parallel_loop3A_106, %parallel_loop3A_107] {strides = array<i32>} : memref<64x512xf32, #tpu.memory_space<vmem>>, vector<16xf32>,
      tpu.vector_store %arg7[%parallel_loop3A_106, %parallel_loop3A_107], %parallel_loop3A_102 {strides = array<i32>} : memref<64x512xf32, #tpu.memory_space<vmem>>, vector<16xf32>,
      %parallel_loop3A_109 = arith.constant 6 : i32
      %parallel_loop3A_110 = vector.broadcast %parallel_loop3A_109 : i32 to vector<16xi32>
      %parallel_loop3A_111 = tpu.vector_load_idx %arg5[%parallel_loop3A_110, %parallel_loop3A_54] : memref<64x128xf32, #tpu.memory_space<vmem>>[vector<16xi32>, vector<16xi32>], vector<16xf32>,
      %parallel_loop3A_112 = arith.constant 16 : i32
      %parallel_loop3A_113 = arith.muli %parallel_loop3A_50, %parallel_loop3A_112 : i32
      %parallel_loop3A_114 = arith.constant 6 : i32
      %parallel_loop3A_115 = arith.index_cast %parallel_loop3A_114 : i32 to index
      %parallel_loop3A_116 = arith.index_cast %parallel_loop3A_113 : i32 to index
      %parallel_loop3A_117 = tpu.vector_load %arg7[%parallel_loop3A_115, %parallel_loop3A_116] {strides = array<i32>} : memref<64x512xf32, #tpu.memory_space<vmem>>, vector<16xf32>,
      tpu.vector_store %arg7[%parallel_loop3A_115, %parallel_loop3A_116], %parallel_loop3A_111 {strides = array<i32>} : memref<64x512xf32, #tpu.memory_space<vmem>>, vector<16xf32>,
      %parallel_loop3A_118 = arith.constant 7 : i32
      %parallel_loop3A_119 = vector.broadcast %parallel_loop3A_118 : i32 to vector<16xi32>
      %parallel_loop3A_120 = tpu.vector_load_idx %arg5[%parallel_loop3A_119, %parallel_loop3A_54] : memref<64x128xf32, #tpu.memory_space<vmem>>[vector<16xi32>, vector<16xi32>], vector<16xf32>,
      %parallel_loop3A_121 = arith.constant 16 : i32
      %parallel_loop3A_122 = arith.muli %parallel_loop3A_50, %parallel_loop3A_121 : i32
      %parallel_loop3A_123 = arith.constant 7 : i32
      %parallel_loop3A_124 = arith.index_cast %parallel_loop3A_123 : i32 to index
      %parallel_loop3A_125 = arith.index_cast %parallel_loop3A_122 : i32 to index
      %parallel_loop3A_126 = tpu.vector_load %arg7[%parallel_loop3A_124, %parallel_loop3A_125] {strides = array<i32>} : memref<64x512xf32, #tpu.memory_space<vmem>>, vector<16xf32>,
      tpu.vector_store %arg7[%parallel_loop3A_124, %parallel_loop3A_125], %parallel_loop3A_120 {strides = array<i32>} : memref<64x512xf32, #tpu.memory_space<vmem>>, vector<16xf32>,
      %parallel_loop3A_127 = arith.constant 8 : i32
      %parallel_loop3A_128 = vector.broadcast %parallel_loop3A_127 : i32 to vector<16xi32>
      %parallel_loop3A_129 = tpu.vector_load_idx %arg5[%parallel_loop3A_128, %parallel_loop3A_54] : memref<64x128xf32, #tpu.memory_space<vmem>>[vector<16xi32>, vector<16xi32>], vector<16xf32>,
      %parallel_loop3A_130 = arith.constant 16 : i32
      %parallel_loop3A_131 = arith.muli %parallel_loop3A_50, %parallel_loop3A_130 : i32
      %parallel_loop3A_132 = arith.constant 8 : i32
      %parallel_loop3A_133 = arith.index_cast %parallel_loop3A_132 : i32 to index
      %parallel_loop3A_134 = arith.index_cast %parallel_loop3A_131 : i32 to index
      %parallel_loop3A_135 = tpu.vector_load %arg7[%parallel_loop3A_133, %parallel_loop3A_134] {strides = array<i32>} : memref<64x512xf32, #tpu.memory_space<vmem>>, vector<16xf32>,
      tpu.vector_store %arg7[%parallel_loop3A_133, %parallel_loop3A_134], %parallel_loop3A_129 {strides = array<i32>} : memref<64x512xf32, #tpu.memory_space<vmem>>, vector<16xf32>,
      %parallel_loop3A_136 = arith.constant 9 : i32
      %parallel_loop3A_137 = vector.broadcast %parallel_loop3A_136 : i32 to vector<16xi32>
      %parallel_loop3A_138 = tpu.vector_load_idx %arg5[%parallel_loop3A_137, %parallel_loop3A_54] : memref<64x128xf32, #tpu.memory_space<vmem>>[vector<16xi32>, vector<16xi32>], vector<16xf32>,
      %parallel_loop3A_139 = arith.constant 16 : i32
      %parallel_loop3A_140 = arith.muli %parallel_loop3A_50, %parallel_loop3A_139 : i32
      %parallel_loop3A_141 = arith.constant 9 : i32
      %parallel_loop3A_142 = arith.index_cast %parallel_loop3A_141 : i32 to index
      %parallel_loop3A_143 = arith.index_cast %parallel_loop3A_140 : i32 to index
      %parallel_loop3A_144 = tpu.vector_load %arg7[%parallel_loop3A_142, %parallel_loop3A_143] {strides = array<i32>} : memref<64x512xf32, #tpu.memory_space<vmem>>, vector<16xf32>,
      tpu.vector_store %arg7[%parallel_loop3A_142, %parallel_loop3A_143], %parallel_loop3A_138 {strides = array<i32>} : memref<64x512xf32, #tpu.memory_space<vmem>>, vector<16xf32>,
      %parallel_loop3A_145 = arith.constant 10 : i32
      %parallel_loop3A_146 = vector.broadcast %parallel_loop3A_145 : i32 to vector<16xi32>
      %parallel_loop3A_147 = tpu.vector_load_idx %arg5[%parallel_loop3A_146, %parallel_loop3A_54] : memref<64x128xf32, #tpu.memory_space<vmem>>[vector<16xi32>, vector<16xi32>], vector<16xf32>,
      %parallel_loop3A_148 = arith.constant 16 : i32
      %parallel_loop3A_149 = arith.muli %parallel_loop3A_50, %parallel_loop3A_148 : i32
      %parallel_loop3A_150 = arith.constant 10 : i32
      %parallel_loop3A_151 = arith.index_cast %parallel_loop3A_150 : i32 to index
      %parallel_loop3A_152 = arith.index_cast %parallel_loop3A_149 : i32 to index
      %parallel_loop3A_153 = tpu.vector_load %arg7[%parallel_loop3A_151, %parallel_loop3A_152] {strides = array<i32>} : memref<64x512xf32, #tpu.memory_space<vmem>>, vector<16xf32>,
      tpu.vector_store %arg7[%parallel_loop3A_151, %parallel_loop3A_152], %parallel_loop3A_147 {strides = array<i32>} : memref<64x512xf32, #tpu.memory_space<vmem>>, vector<16xf32>,
      %parallel_loop3A_154 = arith.constant 11 : i32
      %parallel_loop3A_155 = vector.broadcast %parallel_loop3A_154 : i32 to vector<16xi32>
      %parallel_loop3A_156 = tpu.vector_load_idx %arg5[%parallel_loop3A_155, %parallel_loop3A_54] : memref<64x128xf32, #tpu.memory_space<vmem>>[vector<16xi32>, vector<16xi32>], vector<16xf32>,
      %parallel_loop3A_157 = arith.constant 16 : i32
      %parallel_loop3A_158 = arith.muli %parallel_loop3A_50, %parallel_loop3A_157 : i32
      %parallel_loop3A_159 = arith.constant 11 : i32
      %parallel_loop3A_160 = arith.index_cast %parallel_loop3A_159 : i32 to index
      %parallel_loop3A_161 = arith.index_cast %parallel_loop3A_158 : i32 to index
      %parallel_loop3A_162 = tpu.vector_load %arg7[%parallel_loop3A_160, %parallel_loop3A_161] {strides = array<i32>} : memref<64x512xf32, #tpu.memory_space<vmem>>, vector<16xf32>,
      tpu.vector_store %arg7[%parallel_loop3A_160, %parallel_loop3A_161], %parallel_loop3A_156 {strides = array<i32>} : memref<64x512xf32, #tpu.memory_space<vmem>>, vector<16xf32>,
      %parallel_loop3A_163 = arith.constant 12 : i32
      %parallel_loop3A_164 = vector.broadcast %parallel_loop3A_163 : i32 to vector<16xi32>
      %parallel_loop3A_165 = tpu.vector_load_idx %arg5[%parallel_loop3A_164, %parallel_loop3A_54] : memref<64x128xf32, #tpu.memory_space<vmem>>[vector<16xi32>, vector<16xi32>], vector<16xf32>,
      %parallel_loop3A_166 = arith.constant 16 : i32
      %parallel_loop3A_167 = arith.muli %parallel_loop3A_50, %parallel_loop3A_166 : i32
      %parallel_loop3A_168 = arith.constant 12 : i32
      %parallel_loop3A_169 = arith.index_cast %parallel_loop3A_168 : i32 to index
      %parallel_loop3A_170 = arith.index_cast %parallel_loop3A_167 : i32 to index
      %parallel_loop3A_171 = tpu.vector_load %arg7[%parallel_loop3A_169, %parallel_loop3A_170] {strides = array<i32>} : memref<64x512xf32, #tpu.memory_space<vmem>>, vector<16xf32>,
      tpu.vector_store %arg7[%parallel_loop3A_169, %parallel_loop3A_170], %parallel_loop3A_165 {strides = array<i32>} : memref<64x512xf32, #tpu.memory_space<vmem>>, vector<16xf32>,
      %parallel_loop3A_172 = arith.constant 13 : i32
      %parallel_loop3A_173 = vector.broadcast %parallel_loop3A_172 : i32 to vector<16xi32>
      %parallel_loop3A_174 = tpu.vector_load_idx %arg5[%parallel_loop3A_173, %parallel_loop3A_54] : memref<64x128xf32, #tpu.memory_space<vmem>>[vector<16xi32>, vector<16xi32>], vector<16xf32>,
      %parallel_loop3A_175 = arith.constant 16 : i32
      %parallel_loop3A_176 = arith.muli %parallel_loop3A_50, %parallel_loop3A_175 : i32
      %parallel_loop3A_177 = arith.constant 13 : i32
      %parallel_loop3A_178 = arith.index_cast %parallel_loop3A_177 : i32 to index
      %parallel_loop3A_179 = arith.index_cast %parallel_loop3A_176 : i32 to index
      %parallel_loop3A_180 = tpu.vector_load %arg7[%parallel_loop3A_178, %parallel_loop3A_179] {strides = array<i32>} : memref<64x512xf32, #tpu.memory_space<vmem>>, vector<16xf32>,
      tpu.vector_store %arg7[%parallel_loop3A_178, %parallel_loop3A_179], %parallel_loop3A_174 {strides = array<i32>} : memref<64x512xf32, #tpu.memory_space<vmem>>, vector<16xf32>,
      %parallel_loop3A_181 = arith.constant 14 : i32
      %parallel_loop3A_182 = vector.broadcast %parallel_loop3A_181 : i32 to vector<16xi32>
      %parallel_loop3A_183 = tpu.vector_load_idx %arg5[%parallel_loop3A_182, %parallel_loop3A_54] : memref<64x128xf32, #tpu.memory_space<vmem>>[vector<16xi32>, vector<16xi32>], vector<16xf32>,
      %parallel_loop3A_184 = arith.constant 16 : i32
      %parallel_loop3A_185 = arith.muli %parallel_loop3A_50, %parallel_loop3A_184 : i32
      %parallel_loop3A_186 = arith.constant 14 : i32
      %parallel_loop3A_187 = arith.index_cast %parallel_loop3A_186 : i32 to index
      %parallel_loop3A_188 = arith.index_cast %parallel_loop3A_185 : i32 to index
      %parallel_loop3A_189 = tpu.vector_load %arg7[%parallel_loop3A_187, %parallel_loop3A_188] {strides = array<i32>} : memref<64x512xf32, #tpu.memory_space<vmem>>, vector<16xf32>,
      tpu.vector_store %arg7[%parallel_loop3A_187, %parallel_loop3A_188], %parallel_loop3A_183 {strides = array<i32>} : memref<64x512xf32, #tpu.memory_space<vmem>>, vector<16xf32>,
      %parallel_loop3A_190 = arith.constant 15 : i32
      %parallel_loop3A_191 = vector.broadcast %parallel_loop3A_190 : i32 to vector<16xi32>
      %parallel_loop3A_192 = tpu.vector_load_idx %arg5[%parallel_loop3A_191, %parallel_loop3A_54] : memref<64x128xf32, #tpu.memory_space<vmem>>[vector<16xi32>, vector<16xi32>], vector<16xf32>,
      %parallel_loop3A_193 = arith.constant 16 : i32
      %parallel_loop3A_194 = arith.muli %parallel_loop3A_50, %parallel_loop3A_193 : i32
      %parallel_loop3A_195 = arith.constant 15 : i32
      %parallel_loop3A_196 = arith.index_cast %parallel_loop3A_195 : i32 to index
      %parallel_loop3A_197 = arith.index_cast %parallel_loop3A_194 : i32 to index
      %parallel_loop3A_198 = tpu.vector_load %arg7[%parallel_loop3A_196, %parallel_loop3A_197] {strides = array<i32>} : memref<64x512xf32, #tpu.memory_space<vmem>>, vector<16xf32>,
      tpu.vector_store %arg7[%parallel_loop3A_196, %parallel_loop3A_197], %parallel_loop3A_192 {strides = array<i32>} : memref<64x512xf32, #tpu.memory_space<vmem>>, vector<16xf32>,
      %parallel_loop3A_199 = arith.constant 16 : i32
      %parallel_loop3A_200 = vector.broadcast %parallel_loop3A_199 : i32 to vector<16xi32>
      %parallel_loop3A_201 = tpu.vector_load_idx %arg5[%parallel_loop3A_200, %parallel_loop3A_54] : memref<64x128xf32, #tpu.memory_space<vmem>>[vector<16xi32>, vector<16xi32>], vector<16xf32>,
      %parallel_loop3A_202 = arith.constant 16 : i32
      %parallel_loop3A_203 = arith.muli %parallel_loop3A_50, %parallel_loop3A_202 : i32
      %parallel_loop3A_204 = arith.constant 16 : i32
      %parallel_loop3A_205 = arith.index_cast %parallel_loop3A_204 : i32 to index
      %parallel_loop3A_206 = arith.index_cast %parallel_loop3A_203 : i32 to index
      %parallel_loop3A_207 = tpu.vector_load %arg7[%parallel_loop3A_205, %parallel_loop3A_206] {strides = array<i32>} : memref<64x512xf32, #tpu.memory_space<vmem>>, vector<16xf32>,
      tpu.vector_store %arg7[%parallel_loop3A_205, %parallel_loop3A_206], %parallel_loop3A_201 {strides = array<i32>} : memref<64x512xf32, #tpu.memory_space<vmem>>, vector<16xf32>,
      %parallel_loop3A_208 = arith.constant 17 : i32
      %parallel_loop3A_209 = vector.broadcast %parallel_loop3A_208 : i32 to vector<16xi32>
      %parallel_loop3A_210 = tpu.vector_load_idx %arg5[%parallel_loop3A_209, %parallel_loop3A_54] : memref<64x128xf32, #tpu.memory_space<vmem>>[vector<16xi32>, vector<16xi32>], vector<16xf32>,
      %parallel_loop3A_211 = arith.constant 16 : i32
      %parallel_loop3A_212 = arith.muli %parallel_loop3A_50, %parallel_loop3A_211 : i32
      %parallel_loop3A_213 = arith.constant 17 : i32
      %parallel_loop3A_214 = arith.index_cast %parallel_loop3A_213 : i32 to index
      %parallel_loop3A_215 = arith.index_cast %parallel_loop3A_212 : i32 to index
      %parallel_loop3A_216 = tpu.vector_load %arg7[%parallel_loop3A_214, %parallel_loop3A_215] {strides = array<i32>} : memref<64x512xf32, #tpu.memory_space<vmem>>, vector<16xf32>,
      tpu.vector_store %arg7[%parallel_loop3A_214, %parallel_loop3A_215], %parallel_loop3A_210 {strides = array<i32>} : memref<64x512xf32, #tpu.memory_space<vmem>>, vector<16xf32>,
      %parallel_loop3A_217 = arith.constant 18 : i32
      %parallel_loop3A_218 = vector.broadcast %parallel_loop3A_217 : i32 to vector<16xi32>
      %parallel_loop3A_219 = tpu.vector_load_idx %arg5[%parallel_loop3A_218, %parallel_loop3A_54] : memref<64x128xf32, #tpu.memory_space<vmem>>[vector<16xi32>, vector<16xi32>], vector<16xf32>,
      %parallel_loop3A_220 = arith.constant 16 : i32
      %parallel_loop3A_221 = arith.muli %parallel_loop3A_50, %parallel_loop3A_220 : i32
      %parallel_loop3A_222 = arith.constant 18 : i32
      %parallel_loop3A_223 = arith.index_cast %parallel_loop3A_222 : i32 to index
      %parallel_loop3A_224 = arith.index_cast %parallel_loop3A_221 : i32 to index
      %parallel_loop3A_225 = tpu.vector_load %arg7[%parallel_loop3A_223, %parallel_loop3A_224] {strides = array<i32>} : memref<64x512xf32, #tpu.memory_space<vmem>>, vector<16xf32>,
      tpu.vector_store %arg7[%parallel_loop3A_223, %parallel_loop3A_224], %parallel_loop3A_219 {strides = array<i32>} : memref<64x512xf32, #tpu.memory_space<vmem>>, vector<16xf32>,
      %parallel_loop3A_226 = arith.constant 19 : i32
      %parallel_loop3A_227 = vector.broadcast %parallel_loop3A_226 : i32 to vector<16xi32>
      %parallel_loop3A_228 = tpu.vector_load_idx %arg5[%parallel_loop3A_227, %parallel_loop3A_54] : memref<64x128xf32, #tpu.memory_space<vmem>>[vector<16xi32>, vector<16xi32>], vector<16xf32>,
      %parallel_loop3A_229 = arith.constant 16 : i32
      %parallel_loop3A_230 = arith.muli %parallel_loop3A_50, %parallel_loop3A_229 : i32
      %parallel_loop3A_231 = arith.constant 19 : i32
      %parallel_loop3A_232 = arith.index_cast %parallel_loop3A_231 : i32 to index
      %parallel_loop3A_233 = arith.index_cast %parallel_loop3A_230 : i32 to index
      %parallel_loop3A_234 = tpu.vector_load %arg7[%parallel_loop3A_232, %parallel_loop3A_233] {strides = array<i32>} : memref<64x512xf32, #tpu.memory_space<vmem>>, vector<16xf32>,
      tpu.vector_store %arg7[%parallel_loop3A_232, %parallel_loop3A_233], %parallel_loop3A_228 {strides = array<i32>} : memref<64x512xf32, #tpu.memory_space<vmem>>, vector<16xf32>,
      %parallel_loop3A_235 = arith.constant 20 : i32
      %parallel_loop3A_236 = vector.broadcast %parallel_loop3A_235 : i32 to vector<16xi32>
      %parallel_loop3A_237 = tpu.vector_load_idx %arg5[%parallel_loop3A_236, %parallel_loop3A_54] : memref<64x128xf32, #tpu.memory_space<vmem>>[vector<16xi32>, vector<16xi32>], vector<16xf32>,
      %parallel_loop3A_238 = arith.constant 16 : i32
      %parallel_loop3A_239 = arith.muli %parallel_loop3A_50, %parallel_loop3A_238 : i32
      %parallel_loop3A_240 = arith.constant 20 : i32
      %parallel_loop3A_241 = arith.index_cast %parallel_loop3A_240 : i32 to index
      %parallel_loop3A_242 = arith.index_cast %parallel_loop3A_239 : i32 to index
      %parallel_loop3A_243 = tpu.vector_load %arg7[%parallel_loop3A_241, %parallel_loop3A_242] {strides = array<i32>} : memref<64x512xf32, #tpu.memory_space<vmem>>, vector<16xf32>,
      tpu.vector_store %arg7[%parallel_loop3A_241, %parallel_loop3A_242], %parallel_loop3A_237 {strides = array<i32>} : memref<64x512xf32, #tpu.memory_space<vmem>>, vector<16xf32>,
      %parallel_loop3A_244 = arith.constant 21 : i32
      %parallel_loop3A_245 = vector.broadcast %parallel_loop3A_244 : i32 to vector<16xi32>
      %parallel_loop3A_246 = tpu.vector_load_idx %arg5[%parallel_loop3A_245, %parallel_loop3A_54] : memref<64x128xf32, #tpu.memory_space<vmem>>[vector<16xi32>, vector<16xi32>], vector<16xf32>,
      %parallel_loop3A_247 = arith.constant 16 : i32
      %parallel_loop3A_248 = arith.muli %parallel_loop3A_50, %parallel_loop3A_247 : i32
      %parallel_loop3A_249 = arith.constant 21 : i32
      %parallel_loop3A_250 = arith.index_cast %parallel_loop3A_249 : i32 to index
      %parallel_loop3A_251 = arith.index_cast %parallel_loop3A_248 : i32 to index
      %parallel_loop3A_252 = tpu.vector_load %arg7[%parallel_loop3A_250, %parallel_loop3A_251] {strides = array<i32>} : memref<64x512xf32, #tpu.memory_space<vmem>>, vector<16xf32>,
      tpu.vector_store %arg7[%parallel_loop3A_250, %parallel_loop3A_251], %parallel_loop3A_246 {strides = array<i32>} : memref<64x512xf32, #tpu.memory_space<vmem>>, vector<16xf32>,
      %parallel_loop3A_253 = arith.constant 22 : i32
      %parallel_loop3A_254 = vector.broadcast %parallel_loop3A_253 : i32 to vector<16xi32>
      %parallel_loop3A_255 = tpu.vector_load_idx %arg5[%parallel_loop3A_254, %parallel_loop3A_54] : memref<64x128xf32, #tpu.memory_space<vmem>>[vector<16xi32>, vector<16xi32>], vector<16xf32>,
      %parallel_loop3A_256 = arith.constant 16 : i32
      %parallel_loop3A_257 = arith.muli %parallel_loop3A_50, %parallel_loop3A_256 : i32
      %parallel_loop3A_258 = arith.constant 22 : i32
      %parallel_loop3A_259 = arith.index_cast %parallel_loop3A_258 : i32 to index
      %parallel_loop3A_260 = arith.index_cast %parallel_loop3A_257 : i32 to index
      %parallel_loop3A_261 = tpu.vector_load %arg7[%parallel_loop3A_259, %parallel_loop3A_260] {strides = array<i32>} : memref<64x512xf32, #tpu.memory_space<vmem>>, vector<16xf32>,
      tpu.vector_store %arg7[%parallel_loop3A_259, %parallel_loop3A_260], %parallel_loop3A_255 {strides = array<i32>} : memref<64x512xf32, #tpu.memory_space<vmem>>, vector<16xf32>,
      %parallel_loop3A_262 = arith.constant 23 : i32
      %parallel_loop3A_263 = vector.broadcast %parallel_loop3A_262 : i32 to vector<16xi32>
      %parallel_loop3A_264 = tpu.vector_load_idx %arg5[%parallel_loop3A_263, %parallel_loop3A_54] : memref<64x128xf32, #tpu.memory_space<vmem>>[vector<16xi32>, vector<16xi32>], vector<16xf32>,
      %parallel_loop3A_265 = arith.constant 16 : i32
      %parallel_loop3A_266 = arith.muli %parallel_loop3A_50, %parallel_loop3A_265 : i32
      %parallel_loop3A_267 = arith.constant 23 : i32
      %parallel_loop3A_268 = arith.index_cast %parallel_loop3A_267 : i32 to index
      %parallel_loop3A_269 = arith.index_cast %parallel_loop3A_266 : i32 to index
      %parallel_loop3A_270 = tpu.vector_load %arg7[%parallel_loop3A_268, %parallel_loop3A_269] {strides = array<i32>} : memref<64x512xf32, #tpu.memory_space<vmem>>, vector<16xf32>,
      tpu.vector_store %arg7[%parallel_loop3A_268, %parallel_loop3A_269], %parallel_loop3A_264 {strides = array<i32>} : memref<64x512xf32, #tpu.memory_space<vmem>>, vector<16xf32>,
      %parallel_loop3A_271 = arith.constant 24 : i32
      %parallel_loop3A_272 = vector.broadcast %parallel_loop3A_271 : i32 to vector<16xi32>
      %parallel_loop3A_273 = tpu.vector_load_idx %arg5[%parallel_loop3A_272, %parallel_loop3A_54] : memref<64x128xf32, #tpu.memory_space<vmem>>[vector<16xi32>, vector<16xi32>], vector<16xf32>,
      %parallel_loop3A_274 = arith.constant 16 : i32
      %parallel_loop3A_275 = arith.muli %parallel_loop3A_50, %parallel_loop3A_274 : i32
      %parallel_loop3A_276 = arith.constant 24 : i32
      %parallel_loop3A_277 = arith.index_cast %parallel_loop3A_276 : i32 to index
      %parallel_loop3A_278 = arith.index_cast %parallel_loop3A_275 : i32 to index
      %parallel_loop3A_279 = tpu.vector_load %arg7[%parallel_loop3A_277, %parallel_loop3A_278] {strides = array<i32>} : memref<64x512xf32, #tpu.memory_space<vmem>>, vector<16xf32>,
      tpu.vector_store %arg7[%parallel_loop3A_277, %parallel_loop3A_278], %parallel_loop3A_273 {strides = array<i32>} : memref<64x512xf32, #tpu.memory_space<vmem>>, vector<16xf32>,
      %parallel_loop3A_280 = arith.constant 25 : i32
      %parallel_loop3A_281 = vector.broadcast %parallel_loop3A_280 : i32 to vector<16xi32>
      %parallel_loop3A_282 = tpu.vector_load_idx %arg5[%parallel_loop3A_281, %parallel_loop3A_54] : memref<64x128xf32, #tpu.memory_space<vmem>>[vector<16xi32>, vector<16xi32>], vector<16xf32>,
      %parallel_loop3A_283 = arith.constant 16 : i32
      %parallel_loop3A_284 = arith.muli %parallel_loop3A_50, %parallel_loop3A_283 : i32
      %parallel_loop3A_285 = arith.constant 25 : i32
      %parallel_loop3A_286 = arith.index_cast %parallel_loop3A_285 : i32 to index
      %parallel_loop3A_287 = arith.index_cast %parallel_loop3A_284 : i32 to index
      %parallel_loop3A_288 = tpu.vector_load %arg7[%parallel_loop3A_286, %parallel_loop3A_287] {strides = array<i32>} : memref<64x512xf32, #tpu.memory_space<vmem>>, vector<16xf32>,
      tpu.vector_store %arg7[%parallel_loop3A_286, %parallel_loop3A_287], %parallel_loop3A_282 {strides = array<i32>} : memref<64x512xf32, #tpu.memory_space<vmem>>, vector<16xf32>,
      %parallel_loop3A_289 = arith.constant 26 : i32
      %parallel_loop3A_290 = vector.broadcast %parallel_loop3A_289 : i32 to vector<16xi32>
      %parallel_loop3A_291 = tpu.vector_load_idx %arg5[%parallel_loop3A_290, %parallel_loop3A_54] : memref<64x128xf32, #tpu.memory_space<vmem>>[vector<16xi32>, vector<16xi32>], vector<16xf32>,
      %parallel_loop3A_292 = arith.constant 16 : i32
      %parallel_loop3A_293 = arith.muli %parallel_loop3A_50, %parallel_loop3A_292 : i32
      %parallel_loop3A_294 = arith.constant 26 : i32
      %parallel_loop3A_295 = arith.index_cast %parallel_loop3A_294 : i32 to index
      %parallel_loop3A_296 = arith.index_cast %parallel_loop3A_293 : i32 to index
      %parallel_loop3A_297 = tpu.vector_load %arg7[%parallel_loop3A_295, %parallel_loop3A_296] {strides = array<i32>} : memref<64x512xf32, #tpu.memory_space<vmem>>, vector<16xf32>,
      tpu.vector_store %arg7[%parallel_loop3A_295, %parallel_loop3A_296], %parallel_loop3A_291 {strides = array<i32>} : memref<64x512xf32, #tpu.memory_space<vmem>>, vector<16xf32>,
      %parallel_loop3A_298 = arith.constant 27 : i32
      %parallel_loop3A_299 = vector.broadcast %parallel_loop3A_298 : i32 to vector<16xi32>
      %parallel_loop3A_300 = tpu.vector_load_idx %arg5[%parallel_loop3A_299, %parallel_loop3A_54] : memref<64x128xf32, #tpu.memory_space<vmem>>[vector<16xi32>, vector<16xi32>], vector<16xf32>,
      %parallel_loop3A_301 = arith.constant 16 : i32
      %parallel_loop3A_302 = arith.muli %parallel_loop3A_50, %parallel_loop3A_301 : i32
      %parallel_loop3A_303 = arith.constant 27 : i32
      %parallel_loop3A_304 = arith.index_cast %parallel_loop3A_303 : i32 to index
      %parallel_loop3A_305 = arith.index_cast %parallel_loop3A_302 : i32 to index
      %parallel_loop3A_306 = tpu.vector_load %arg7[%parallel_loop3A_304, %parallel_loop3A_305] {strides = array<i32>} : memref<64x512xf32, #tpu.memory_space<vmem>>, vector<16xf32>,
      tpu.vector_store %arg7[%parallel_loop3A_304, %parallel_loop3A_305], %parallel_loop3A_300 {strides = array<i32>} : memref<64x512xf32, #tpu.memory_space<vmem>>, vector<16xf32>,
      %parallel_loop3A_307 = arith.constant 28 : i32
      %parallel_loop3A_308 = vector.broadcast %parallel_loop3A_307 : i32 to vector<16xi32>
      %parallel_loop3A_309 = tpu.vector_load_idx %arg5[%parallel_loop3A_308, %parallel_loop3A_54] : memref<64x128xf32, #tpu.memory_space<vmem>>[vector<16xi32>, vector<16xi32>], vector<16xf32>,
      %parallel_loop3A_310 = arith.constant 16 : i32
      %parallel_loop3A_311 = arith.muli %parallel_loop3A_50, %parallel_loop3A_310 : i32
      %parallel_loop3A_312 = arith.constant 28 : i32
      %parallel_loop3A_313 = arith.index_cast %parallel_loop3A_312 : i32 to index
      %parallel_loop3A_314 = arith.index_cast %parallel_loop3A_311 : i32 to index
      %parallel_loop3A_315 = tpu.vector_load %arg7[%parallel_loop3A_313, %parallel_loop3A_314] {strides = array<i32>} : memref<64x512xf32, #tpu.memory_space<vmem>>, vector<16xf32>,
      tpu.vector_store %arg7[%parallel_loop3A_313, %parallel_loop3A_314], %parallel_loop3A_309 {strides = array<i32>} : memref<64x512xf32, #tpu.memory_space<vmem>>, vector<16xf32>,
      %parallel_loop3A_316 = arith.constant 29 : i32
      %parallel_loop3A_317 = vector.broadcast %parallel_loop3A_316 : i32 to vector<16xi32>
      %parallel_loop3A_318 = tpu.vector_load_idx %arg5[%parallel_loop3A_317, %parallel_loop3A_54] : memref<64x128xf32, #tpu.memory_space<vmem>>[vector<16xi32>, vector<16xi32>], vector<16xf32>,
      %parallel_loop3A_319 = arith.constant 16 : i32
      %parallel_loop3A_320 = arith.muli %parallel_loop3A_50, %parallel_loop3A_319 : i32
      %parallel_loop3A_321 = arith.constant 29 : i32
      %parallel_loop3A_322 = arith.index_cast %parallel_loop3A_321 : i32 to index
      %parallel_loop3A_323 = arith.index_cast %parallel_loop3A_320 : i32 to index
      %parallel_loop3A_324 = tpu.vector_load %arg7[%parallel_loop3A_322, %parallel_loop3A_323] {strides = array<i32>} : memref<64x512xf32, #tpu.memory_space<vmem>>, vector<16xf32>,
      tpu.vector_store %arg7[%parallel_loop3A_322, %parallel_loop3A_323], %parallel_loop3A_318 {strides = array<i32>} : memref<64x512xf32, #tpu.memory_space<vmem>>, vector<16xf32>,
      %parallel_loop3A_325 = arith.constant 30 : i32
      %parallel_loop3A_326 = vector.broadcast %parallel_loop3A_325 : i32 to vector<16xi32>
      %parallel_loop3A_327 = tpu.vector_load_idx %arg5[%parallel_loop3A_326, %parallel_loop3A_54] : memref<64x128xf32, #tpu.memory_space<vmem>>[vector<16xi32>, vector<16xi32>], vector<16xf32>,
      %parallel_loop3A_328 = arith.constant 16 : i32
      %parallel_loop3A_329 = arith.muli %parallel_loop3A_50, %parallel_loop3A_328 : i32
      %parallel_loop3A_330 = arith.constant 30 : i32
      %parallel_loop3A_331 = arith.index_cast %parallel_loop3A_330 : i32 to index
      %parallel_loop3A_332 = arith.index_cast %parallel_loop3A_329 : i32 to index
      %parallel_loop3A_333 = tpu.vector_load %arg7[%parallel_loop3A_331, %parallel_loop3A_332] {strides = array<i32>} : memref<64x512xf32, #tpu.memory_space<vmem>>, vector<16xf32>,
      tpu.vector_store %arg7[%parallel_loop3A_331, %parallel_loop3A_332], %parallel_loop3A_327 {strides = array<i32>} : memref<64x512xf32, #tpu.memory_space<vmem>>, vector<16xf32>,
      %parallel_loop3A_334 = arith.constant 31 : i32
      %parallel_loop3A_335 = vector.broadcast %parallel_loop3A_334 : i32 to vector<16xi32>
      %parallel_loop3A_336 = tpu.vector_load_idx %arg5[%parallel_loop3A_335, %parallel_loop3A_54] : memref<64x128xf32, #tpu.memory_space<vmem>>[vector<16xi32>, vector<16xi32>], vector<16xf32>,
      %parallel_loop3A_337 = arith.constant 16 : i32
      %parallel_loop3A_338 = arith.muli %parallel_loop3A_50, %parallel_loop3A_337 : i32
      %parallel_loop3A_339 = arith.constant 31 : i32
      %parallel_loop3A_340 = arith.index_cast %parallel_loop3A_339 : i32 to index
      %parallel_loop3A_341 = arith.index_cast %parallel_loop3A_338 : i32 to index
      %parallel_loop3A_342 = tpu.vector_load %arg7[%parallel_loop3A_340, %parallel_loop3A_341] {strides = array<i32>} : memref<64x512xf32, #tpu.memory_space<vmem>>, vector<16xf32>,
      tpu.vector_store %arg7[%parallel_loop3A_340, %parallel_loop3A_341], %parallel_loop3A_336 {strides = array<i32>} : memref<64x512xf32, #tpu.memory_space<vmem>>, vector<16xf32>,
      %parallel_loop3A_343 = arith.constant 32 : i32
      %parallel_loop3A_344 = vector.broadcast %parallel_loop3A_343 : i32 to vector<16xi32>
      %parallel_loop3A_345 = tpu.vector_load_idx %arg5[%parallel_loop3A_344, %parallel_loop3A_54] : memref<64x128xf32, #tpu.memory_space<vmem>>[vector<16xi32>, vector<16xi32>], vector<16xf32>,
      %parallel_loop3A_346 = arith.constant 16 : i32
      %parallel_loop3A_347 = arith.muli %parallel_loop3A_50, %parallel_loop3A_346 : i32
      %parallel_loop3A_348 = arith.constant 32 : i32
      %parallel_loop3A_349 = arith.index_cast %parallel_loop3A_348 : i32 to index
      %parallel_loop3A_350 = arith.index_cast %parallel_loop3A_347 : i32 to index
      %parallel_loop3A_351 = tpu.vector_load %arg7[%parallel_loop3A_349, %parallel_loop3A_350] {strides = array<i32>} : memref<64x512xf32, #tpu.memory_space<vmem>>, vector<16xf32>,
      tpu.vector_store %arg7[%parallel_loop3A_349, %parallel_loop3A_350], %parallel_loop3A_345 {strides = array<i32>} : memref<64x512xf32, #tpu.memory_space<vmem>>, vector<16xf32>,
      %parallel_loop3A_352 = arith.constant 33 : i32
      %parallel_loop3A_353 = vector.broadcast %parallel_loop3A_352 : i32 to vector<16xi32>
      %parallel_loop3A_354 = tpu.vector_load_idx %arg5[%parallel_loop3A_353, %parallel_loop3A_54] : memref<64x128xf32, #tpu.memory_space<vmem>>[vector<16xi32>, vector<16xi32>], vector<16xf32>,
      %parallel_loop3A_355 = arith.constant 16 : i32
      %parallel_loop3A_356 = arith.muli %parallel_loop3A_50, %parallel_loop3A_355 : i32
      %parallel_loop3A_357 = arith.constant 33 : i32
      %parallel_loop3A_358 = arith.index_cast %parallel_loop3A_357 : i32 to index
      %parallel_loop3A_359 = arith.index_cast %parallel_loop3A_356 : i32 to index
      %parallel_loop3A_360 = tpu.vector_load %arg7[%parallel_loop3A_358, %parallel_loop3A_359] {strides = array<i32>} : memref<64x512xf32, #tpu.memory_space<vmem>>, vector<16xf32>,
      tpu.vector_store %arg7[%parallel_loop3A_358, %parallel_loop3A_359], %parallel_loop3A_354 {strides = array<i32>} : memref<64x512xf32, #tpu.memory_space<vmem>>, vector<16xf32>,
      %parallel_loop3A_361 = arith.constant 34 : i32
      %parallel_loop3A_362 = vector.broadcast %parallel_loop3A_361 : i32 to vector<16xi32>
      %parallel_loop3A_363 = tpu.vector_load_idx %arg5[%parallel_loop3A_362, %parallel_loop3A_54] : memref<64x128xf32, #tpu.memory_space<vmem>>[vector<16xi32>, vector<16xi32>], vector<16xf32>,
      %parallel_loop3A_364 = arith.constant 16 : i32
      %parallel_loop3A_365 = arith.muli %parallel_loop3A_50, %parallel_loop3A_364 : i32
      %parallel_loop3A_366 = arith.constant 34 : i32
      %parallel_loop3A_367 = arith.index_cast %parallel_loop3A_366 : i32 to index
      %parallel_loop3A_368 = arith.index_cast %parallel_loop3A_365 : i32 to index
      %parallel_loop3A_369 = tpu.vector_load %arg7[%parallel_loop3A_367, %parallel_loop3A_368] {strides = array<i32>} : memref<64x512xf32, #tpu.memory_space<vmem>>, vector<16xf32>,
      tpu.vector_store %arg7[%parallel_loop3A_367, %parallel_loop3A_368], %parallel_loop3A_363 {strides = array<i32>} : memref<64x512xf32, #tpu.memory_space<vmem>>, vector<16xf32>,
      %parallel_loop3A_370 = arith.constant 35 : i32
      %parallel_loop3A_371 = vector.broadcast %parallel_loop3A_370 : i32 to vector<16xi32>
      %parallel_loop3A_372 = tpu.vector_load_idx %arg5[%parallel_loop3A_371, %parallel_loop3A_54] : memref<64x128xf32, #tpu.memory_space<vmem>>[vector<16xi32>, vector<16xi32>], vector<16xf32>,
      %parallel_loop3A_373 = arith.constant 16 : i32
      %parallel_loop3A_374 = arith.muli %parallel_loop3A_50, %parallel_loop3A_373 : i32
      %parallel_loop3A_375 = arith.constant 35 : i32
      %parallel_loop3A_376 = arith.index_cast %parallel_loop3A_375 : i32 to index
      %parallel_loop3A_377 = arith.index_cast %parallel_loop3A_374 : i32 to index
      %parallel_loop3A_378 = tpu.vector_load %arg7[%parallel_loop3A_376, %parallel_loop3A_377] {strides = array<i32>} : memref<64x512xf32, #tpu.memory_space<vmem>>, vector<16xf32>,
      tpu.vector_store %arg7[%parallel_loop3A_376, %parallel_loop3A_377], %parallel_loop3A_372 {strides = array<i32>} : memref<64x512xf32, #tpu.memory_space<vmem>>, vector<16xf32>,
      %parallel_loop3A_379 = arith.constant 36 : i32
      %parallel_loop3A_380 = vector.broadcast %parallel_loop3A_379 : i32 to vector<16xi32>
      %parallel_loop3A_381 = tpu.vector_load_idx %arg5[%parallel_loop3A_380, %parallel_loop3A_54] : memref<64x128xf32, #tpu.memory_space<vmem>>[vector<16xi32>, vector<16xi32>], vector<16xf32>,
      %parallel_loop3A_382 = arith.constant 16 : i32
      %parallel_loop3A_383 = arith.muli %parallel_loop3A_50, %parallel_loop3A_382 : i32
      %parallel_loop3A_384 = arith.constant 36 : i32
      %parallel_loop3A_385 = arith.index_cast %parallel_loop3A_384 : i32 to index
      %parallel_loop3A_386 = arith.index_cast %parallel_loop3A_383 : i32 to index
      %parallel_loop3A_387 = tpu.vector_load %arg7[%parallel_loop3A_385, %parallel_loop3A_386] {strides = array<i32>} : memref<64x512xf32, #tpu.memory_space<vmem>>, vector<16xf32>,
      tpu.vector_store %arg7[%parallel_loop3A_385, %parallel_loop3A_386], %parallel_loop3A_381 {strides = array<i32>} : memref<64x512xf32, #tpu.memory_space<vmem>>, vector<16xf32>,
      %parallel_loop3A_388 = arith.constant 37 : i32
      %parallel_loop3A_389 = vector.broadcast %parallel_loop3A_388 : i32 to vector<16xi32>
      %parallel_loop3A_390 = tpu.vector_load_idx %arg5[%parallel_loop3A_389, %parallel_loop3A_54] : memref<64x128xf32, #tpu.memory_space<vmem>>[vector<16xi32>, vector<16xi32>], vector<16xf32>,
      %parallel_loop3A_391 = arith.constant 16 : i32
      %parallel_loop3A_392 = arith.muli %parallel_loop3A_50, %parallel_loop3A_391 : i32
      %parallel_loop3A_393 = arith.constant 37 : i32
      %parallel_loop3A_394 = arith.index_cast %parallel_loop3A_393 : i32 to index
      %parallel_loop3A_395 = arith.index_cast %parallel_loop3A_392 : i32 to index
      %parallel_loop3A_396 = tpu.vector_load %arg7[%parallel_loop3A_394, %parallel_loop3A_395] {strides = array<i32>} : memref<64x512xf32, #tpu.memory_space<vmem>>, vector<16xf32>,
      tpu.vector_store %arg7[%parallel_loop3A_394, %parallel_loop3A_395], %parallel_loop3A_390 {strides = array<i32>} : memref<64x512xf32, #tpu.memory_space<vmem>>, vector<16xf32>,
      %parallel_loop3A_397 = arith.constant 38 : i32
      %parallel_loop3A_398 = vector.broadcast %parallel_loop3A_397 : i32 to vector<16xi32>
      %parallel_loop3A_399 = tpu.vector_load_idx %arg5[%parallel_loop3A_398, %parallel_loop3A_54] : memref<64x128xf32, #tpu.memory_space<vmem>>[vector<16xi32>, vector<16xi32>], vector<16xf32>,
      %parallel_loop3A_400 = arith.constant 16 : i32
      %parallel_loop3A_401 = arith.muli %parallel_loop3A_50, %parallel_loop3A_400 : i32
      %parallel_loop3A_402 = arith.constant 38 : i32
      %parallel_loop3A_403 = arith.index_cast %parallel_loop3A_402 : i32 to index
      %parallel_loop3A_404 = arith.index_cast %parallel_loop3A_401 : i32 to index
      %parallel_loop3A_405 = tpu.vector_load %arg7[%parallel_loop3A_403, %parallel_loop3A_404] {strides = array<i32>} : memref<64x512xf32, #tpu.memory_space<vmem>>, vector<16xf32>,
      tpu.vector_store %arg7[%parallel_loop3A_403, %parallel_loop3A_404], %parallel_loop3A_399 {strides = array<i32>} : memref<64x512xf32, #tpu.memory_space<vmem>>, vector<16xf32>,
      %parallel_loop3A_406 = arith.constant 39 : i32
      %parallel_loop3A_407 = vector.broadcast %parallel_loop3A_406 : i32 to vector<16xi32>
      %parallel_loop3A_408 = tpu.vector_load_idx %arg5[%parallel_loop3A_407, %parallel_loop3A_54] : memref<64x128xf32, #tpu.memory_space<vmem>>[vector<16xi32>, vector<16xi32>], vector<16xf32>,
      %parallel_loop3A_409 = arith.constant 16 : i32
      %parallel_loop3A_410 = arith.muli %parallel_loop3A_50, %parallel_loop3A_409 : i32
      %parallel_loop3A_411 = arith.constant 39 : i32
      %parallel_loop3A_412 = arith.index_cast %parallel_loop3A_411 : i32 to index
      %parallel_loop3A_413 = arith.index_cast %parallel_loop3A_410 : i32 to index
      %parallel_loop3A_414 = tpu.vector_load %arg7[%parallel_loop3A_412, %parallel_loop3A_413] {strides = array<i32>} : memref<64x512xf32, #tpu.memory_space<vmem>>, vector<16xf32>,
      tpu.vector_store %arg7[%parallel_loop3A_412, %parallel_loop3A_413], %parallel_loop3A_408 {strides = array<i32>} : memref<64x512xf32, #tpu.memory_space<vmem>>, vector<16xf32>,
      %parallel_loop3A_415 = arith.constant 40 : i32
      %parallel_loop3A_416 = vector.broadcast %parallel_loop3A_415 : i32 to vector<16xi32>
      %parallel_loop3A_417 = tpu.vector_load_idx %arg5[%parallel_loop3A_416, %parallel_loop3A_54] : memref<64x128xf32, #tpu.memory_space<vmem>>[vector<16xi32>, vector<16xi32>], vector<16xf32>,
      %parallel_loop3A_418 = arith.constant 16 : i32
      %parallel_loop3A_419 = arith.muli %parallel_loop3A_50, %parallel_loop3A_418 : i32
      %parallel_loop3A_420 = arith.constant 40 : i32
      %parallel_loop3A_421 = arith.index_cast %parallel_loop3A_420 : i32 to index
      %parallel_loop3A_422 = arith.index_cast %parallel_loop3A_419 : i32 to index
      %parallel_loop3A_423 = tpu.vector_load %arg7[%parallel_loop3A_421, %parallel_loop3A_422] {strides = array<i32>} : memref<64x512xf32, #tpu.memory_space<vmem>>, vector<16xf32>,
      tpu.vector_store %arg7[%parallel_loop3A_421, %parallel_loop3A_422], %parallel_loop3A_417 {strides = array<i32>} : memref<64x512xf32, #tpu.memory_space<vmem>>, vector<16xf32>,
      %parallel_loop3A_424 = arith.constant 41 : i32
      %parallel_loop3A_425 = vector.broadcast %parallel_loop3A_424 : i32 to vector<16xi32>
      %parallel_loop3A_426 = tpu.vector_load_idx %arg5[%parallel_loop3A_425, %parallel_loop3A_54] : memref<64x128xf32, #tpu.memory_space<vmem>>[vector<16xi32>, vector<16xi32>], vector<16xf32>,
      %parallel_loop3A_427 = arith.constant 16 : i32
      %parallel_loop3A_428 = arith.muli %parallel_loop3A_50, %parallel_loop3A_427 : i32
      %parallel_loop3A_429 = arith.constant 41 : i32
      %parallel_loop3A_430 = arith.index_cast %parallel_loop3A_429 : i32 to index
      %parallel_loop3A_431 = arith.index_cast %parallel_loop3A_428 : i32 to index
      %parallel_loop3A_432 = tpu.vector_load %arg7[%parallel_loop3A_430, %parallel_loop3A_431] {strides = array<i32>} : memref<64x512xf32, #tpu.memory_space<vmem>>, vector<16xf32>,
      tpu.vector_store %arg7[%parallel_loop3A_430, %parallel_loop3A_431], %parallel_loop3A_426 {strides = array<i32>} : memref<64x512xf32, #tpu.memory_space<vmem>>, vector<16xf32>,
      %parallel_loop3A_433 = arith.constant 42 : i32
      %parallel_loop3A_434 = vector.broadcast %parallel_loop3A_433 : i32 to vector<16xi32>
      %parallel_loop3A_435 = tpu.vector_load_idx %arg5[%parallel_loop3A_434, %parallel_loop3A_54] : memref<64x128xf32, #tpu.memory_space<vmem>>[vector<16xi32>, vector<16xi32>], vector<16xf32>,
      %parallel_loop3A_436 = arith.constant 16 : i32
      %parallel_loop3A_437 = arith.muli %parallel_loop3A_50, %parallel_loop3A_436 : i32
      %parallel_loop3A_438 = arith.constant 42 : i32
      %parallel_loop3A_439 = arith.index_cast %parallel_loop3A_438 : i32 to index
      %parallel_loop3A_440 = arith.index_cast %parallel_loop3A_437 : i32 to index
      %parallel_loop3A_441 = tpu.vector_load %arg7[%parallel_loop3A_439, %parallel_loop3A_440] {strides = array<i32>} : memref<64x512xf32, #tpu.memory_space<vmem>>, vector<16xf32>,
      tpu.vector_store %arg7[%parallel_loop3A_439, %parallel_loop3A_440], %parallel_loop3A_435 {strides = array<i32>} : memref<64x512xf32, #tpu.memory_space<vmem>>, vector<16xf32>,
      %parallel_loop3A_442 = arith.constant 43 : i32
      %parallel_loop3A_443 = vector.broadcast %parallel_loop3A_442 : i32 to vector<16xi32>
      %parallel_loop3A_444 = tpu.vector_load_idx %arg5[%parallel_loop3A_443, %parallel_loop3A_54] : memref<64x128xf32, #tpu.memory_space<vmem>>[vector<16xi32>, vector<16xi32>], vector<16xf32>,
      %parallel_loop3A_445 = arith.constant 16 : i32
      %parallel_loop3A_446 = arith.muli %parallel_loop3A_50, %parallel_loop3A_445 : i32
      %parallel_loop3A_447 = arith.constant 43 : i32
      %parallel_loop3A_448 = arith.index_cast %parallel_loop3A_447 : i32 to index
      %parallel_loop3A_449 = arith.index_cast %parallel_loop3A_446 : i32 to index
      %parallel_loop3A_450 = tpu.vector_load %arg7[%parallel_loop3A_448, %parallel_loop3A_449] {strides = array<i32>} : memref<64x512xf32, #tpu.memory_space<vmem>>, vector<16xf32>,
      tpu.vector_store %arg7[%parallel_loop3A_448, %parallel_loop3A_449], %parallel_loop3A_444 {strides = array<i32>} : memref<64x512xf32, #tpu.memory_space<vmem>>, vector<16xf32>,
      %parallel_loop3A_451 = arith.constant 44 : i32
      %parallel_loop3A_452 = vector.broadcast %parallel_loop3A_451 : i32 to vector<16xi32>
      %parallel_loop3A_453 = tpu.vector_load_idx %arg5[%parallel_loop3A_452, %parallel_loop3A_54] : memref<64x128xf32, #tpu.memory_space<vmem>>[vector<16xi32>, vector<16xi32>], vector<16xf32>,
      %parallel_loop3A_454 = arith.constant 16 : i32
      %parallel_loop3A_455 = arith.muli %parallel_loop3A_50, %parallel_loop3A_454 : i32
      %parallel_loop3A_456 = arith.constant 44 : i32
      %parallel_loop3A_457 = arith.index_cast %parallel_loop3A_456 : i32 to index
      %parallel_loop3A_458 = arith.index_cast %parallel_loop3A_455 : i32 to index
      %parallel_loop3A_459 = tpu.vector_load %arg7[%parallel_loop3A_457, %parallel_loop3A_458] {strides = array<i32>} : memref<64x512xf32, #tpu.memory_space<vmem>>, vector<16xf32>,
      tpu.vector_store %arg7[%parallel_loop3A_457, %parallel_loop3A_458], %parallel_loop3A_453 {strides = array<i32>} : memref<64x512xf32, #tpu.memory_space<vmem>>, vector<16xf32>,
      %parallel_loop3A_460 = arith.constant 45 : i32
      %parallel_loop3A_461 = vector.broadcast %parallel_loop3A_460 : i32 to vector<16xi32>
      %parallel_loop3A_462 = tpu.vector_load_idx %arg5[%parallel_loop3A_461, %parallel_loop3A_54] : memref<64x128xf32, #tpu.memory_space<vmem>>[vector<16xi32>, vector<16xi32>], vector<16xf32>,
      %parallel_loop3A_463 = arith.constant 16 : i32
      %parallel_loop3A_464 = arith.muli %parallel_loop3A_50, %parallel_loop3A_463 : i32
      %parallel_loop3A_465 = arith.constant 45 : i32
      %parallel_loop3A_466 = arith.index_cast %parallel_loop3A_465 : i32 to index
      %parallel_loop3A_467 = arith.index_cast %parallel_loop3A_464 : i32 to index
      %parallel_loop3A_468 = tpu.vector_load %arg7[%parallel_loop3A_466, %parallel_loop3A_467] {strides = array<i32>} : memref<64x512xf32, #tpu.memory_space<vmem>>, vector<16xf32>,
      tpu.vector_store %arg7[%parallel_loop3A_466, %parallel_loop3A_467], %parallel_loop3A_462 {strides = array<i32>} : memref<64x512xf32, #tpu.memory_space<vmem>>, vector<16xf32>,
      %parallel_loop3A_469 = arith.constant 46 : i32
      %parallel_loop3A_470 = vector.broadcast %parallel_loop3A_469 : i32 to vector<16xi32>
      %parallel_loop3A_471 = tpu.vector_load_idx %arg5[%parallel_loop3A_470, %parallel_loop3A_54] : memref<64x128xf32, #tpu.memory_space<vmem>>[vector<16xi32>, vector<16xi32>], vector<16xf32>,
      %parallel_loop3A_472 = arith.constant 16 : i32
      %parallel_loop3A_473 = arith.muli %parallel_loop3A_50, %parallel_loop3A_472 : i32
      %parallel_loop3A_474 = arith.constant 46 : i32
      %parallel_loop3A_475 = arith.index_cast %parallel_loop3A_474 : i32 to index
      %parallel_loop3A_476 = arith.index_cast %parallel_loop3A_473 : i32 to index
      %parallel_loop3A_477 = tpu.vector_load %arg7[%parallel_loop3A_475, %parallel_loop3A_476] {strides = array<i32>} : memref<64x512xf32, #tpu.memory_space<vmem>>, vector<16xf32>,
      tpu.vector_store %arg7[%parallel_loop3A_475, %parallel_loop3A_476], %parallel_loop3A_471 {strides = array<i32>} : memref<64x512xf32, #tpu.memory_space<vmem>>, vector<16xf32>,
      %parallel_loop3A_478 = arith.constant 47 : i32
      %parallel_loop3A_479 = vector.broadcast %parallel_loop3A_478 : i32 to vector<16xi32>
      %parallel_loop3A_480 = tpu.vector_load_idx %arg5[%parallel_loop3A_479, %parallel_loop3A_54] : memref<64x128xf32, #tpu.memory_space<vmem>>[vector<16xi32>, vector<16xi32>], vector<16xf32>,
      %parallel_loop3A_481 = arith.constant 16 : i32
      %parallel_loop3A_482 = arith.muli %parallel_loop3A_50, %parallel_loop3A_481 : i32
      %parallel_loop3A_483 = arith.constant 47 : i32
      %parallel_loop3A_484 = arith.index_cast %parallel_loop3A_483 : i32 to index
      %parallel_loop3A_485 = arith.index_cast %parallel_loop3A_482 : i32 to index
      %parallel_loop3A_486 = tpu.vector_load %arg7[%parallel_loop3A_484, %parallel_loop3A_485] {strides = array<i32>} : memref<64x512xf32, #tpu.memory_space<vmem>>, vector<16xf32>,
      tpu.vector_store %arg7[%parallel_loop3A_484, %parallel_loop3A_485], %parallel_loop3A_480 {strides = array<i32>} : memref<64x512xf32, #tpu.memory_space<vmem>>, vector<16xf32>,
      %parallel_loop3A_487 = arith.constant 48 : i32
      %parallel_loop3A_488 = vector.broadcast %parallel_loop3A_487 : i32 to vector<16xi32>
      %parallel_loop3A_489 = tpu.vector_load_idx %arg5[%parallel_loop3A_488, %parallel_loop3A_54] : memref<64x128xf32, #tpu.memory_space<vmem>>[vector<16xi32>, vector<16xi32>], vector<16xf32>,
      %parallel_loop3A_490 = arith.constant 16 : i32
      %parallel_loop3A_491 = arith.muli %parallel_loop3A_50, %parallel_loop3A_490 : i32
      %parallel_loop3A_492 = arith.constant 48 : i32
      %parallel_loop3A_493 = arith.index_cast %parallel_loop3A_492 : i32 to index
      %parallel_loop3A_494 = arith.index_cast %parallel_loop3A_491 : i32 to index
      %parallel_loop3A_495 = tpu.vector_load %arg7[%parallel_loop3A_493, %parallel_loop3A_494] {strides = array<i32>} : memref<64x512xf32, #tpu.memory_space<vmem>>, vector<16xf32>,
      tpu.vector_store %arg7[%parallel_loop3A_493, %parallel_loop3A_494], %parallel_loop3A_489 {strides = array<i32>} : memref<64x512xf32, #tpu.memory_space<vmem>>, vector<16xf32>,
      %parallel_loop3A_496 = arith.constant 49 : i32
      %parallel_loop3A_497 = vector.broadcast %parallel_loop3A_496 : i32 to vector<16xi32>
      %parallel_loop3A_498 = tpu.vector_load_idx %arg5[%parallel_loop3A_497, %parallel_loop3A_54] : memref<64x128xf32, #tpu.memory_space<vmem>>[vector<16xi32>, vector<16xi32>], vector<16xf32>,
      %parallel_loop3A_499 = arith.constant 16 : i32
      %parallel_loop3A_500 = arith.muli %parallel_loop3A_50, %parallel_loop3A_499 : i32
      %parallel_loop3A_501 = arith.constant 49 : i32
      %parallel_loop3A_502 = arith.index_cast %parallel_loop3A_501 : i32 to index
      %parallel_loop3A_503 = arith.index_cast %parallel_loop3A_500 : i32 to index
      %parallel_loop3A_504 = tpu.vector_load %arg7[%parallel_loop3A_502, %parallel_loop3A_503] {strides = array<i32>} : memref<64x512xf32, #tpu.memory_space<vmem>>, vector<16xf32>,
      tpu.vector_store %arg7[%parallel_loop3A_502, %parallel_loop3A_503], %parallel_loop3A_498 {strides = array<i32>} : memref<64x512xf32, #tpu.memory_space<vmem>>, vector<16xf32>,
      %parallel_loop3A_505 = arith.constant 50 : i32
      %parallel_loop3A_506 = vector.broadcast %parallel_loop3A_505 : i32 to vector<16xi32>
      %parallel_loop3A_507 = tpu.vector_load_idx %arg5[%parallel_loop3A_506, %parallel_loop3A_54] : memref<64x128xf32, #tpu.memory_space<vmem>>[vector<16xi32>, vector<16xi32>], vector<16xf32>,
      %parallel_loop3A_508 = arith.constant 16 : i32
      %parallel_loop3A_509 = arith.muli %parallel_loop3A_50, %parallel_loop3A_508 : i32
      %parallel_loop3A_510 = arith.constant 50 : i32
      %parallel_loop3A_511 = arith.index_cast %parallel_loop3A_510 : i32 to index
      %parallel_loop3A_512 = arith.index_cast %parallel_loop3A_509 : i32 to index
      %parallel_loop3A_513 = tpu.vector_load %arg7[%parallel_loop3A_511, %parallel_loop3A_512] {strides = array<i32>} : memref<64x512xf32, #tpu.memory_space<vmem>>, vector<16xf32>,
      tpu.vector_store %arg7[%parallel_loop3A_511, %parallel_loop3A_512], %parallel_loop3A_507 {strides = array<i32>} : memref<64x512xf32, #tpu.memory_space<vmem>>, vector<16xf32>,
      %parallel_loop3A_514 = arith.constant 51 : i32
      %parallel_loop3A_515 = vector.broadcast %parallel_loop3A_514 : i32 to vector<16xi32>
      %parallel_loop3A_516 = tpu.vector_load_idx %arg5[%parallel_loop3A_515, %parallel_loop3A_54] : memref<64x128xf32, #tpu.memory_space<vmem>>[vector<16xi32>, vector<16xi32>], vector<16xf32>,
      %parallel_loop3A_517 = arith.constant 16 : i32
      %parallel_loop3A_518 = arith.muli %parallel_loop3A_50, %parallel_loop3A_517 : i32
      %parallel_loop3A_519 = arith.constant 51 : i32
      %parallel_loop3A_520 = arith.index_cast %parallel_loop3A_519 : i32 to index
      %parallel_loop3A_521 = arith.index_cast %parallel_loop3A_518 : i32 to index
      %parallel_loop3A_522 = tpu.vector_load %arg7[%parallel_loop3A_520, %parallel_loop3A_521] {strides = array<i32>} : memref<64x512xf32, #tpu.memory_space<vmem>>, vector<16xf32>,
      tpu.vector_store %arg7[%parallel_loop3A_520, %parallel_loop3A_521], %parallel_loop3A_516 {strides = array<i32>} : memref<64x512xf32, #tpu.memory_space<vmem>>, vector<16xf32>,
      %parallel_loop3A_523 = arith.constant 52 : i32
      %parallel_loop3A_524 = vector.broadcast %parallel_loop3A_523 : i32 to vector<16xi32>
      %parallel_loop3A_525 = tpu.vector_load_idx %arg5[%parallel_loop3A_524, %parallel_loop3A_54] : memref<64x128xf32, #tpu.memory_space<vmem>>[vector<16xi32>, vector<16xi32>], vector<16xf32>,
      %parallel_loop3A_526 = arith.constant 16 : i32
      %parallel_loop3A_527 = arith.muli %parallel_loop3A_50, %parallel_loop3A_526 : i32
      %parallel_loop3A_528 = arith.constant 52 : i32
      %parallel_loop3A_529 = arith.index_cast %parallel_loop3A_528 : i32 to index
      %parallel_loop3A_530 = arith.index_cast %parallel_loop3A_527 : i32 to index
      %parallel_loop3A_531 = tpu.vector_load %arg7[%parallel_loop3A_529, %parallel_loop3A_530] {strides = array<i32>} : memref<64x512xf32, #tpu.memory_space<vmem>>, vector<16xf32>,
      tpu.vector_store %arg7[%parallel_loop3A_529, %parallel_loop3A_530], %parallel_loop3A_525 {strides = array<i32>} : memref<64x512xf32, #tpu.memory_space<vmem>>, vector<16xf32>,
      %parallel_loop3A_532 = arith.constant 53 : i32
      %parallel_loop3A_533 = vector.broadcast %parallel_loop3A_532 : i32 to vector<16xi32>
      %parallel_loop3A_534 = tpu.vector_load_idx %arg5[%parallel_loop3A_533, %parallel_loop3A_54] : memref<64x128xf32, #tpu.memory_space<vmem>>[vector<16xi32>, vector<16xi32>], vector<16xf32>,
      %parallel_loop3A_535 = arith.constant 16 : i32
      %parallel_loop3A_536 = arith.muli %parallel_loop3A_50, %parallel_loop3A_535 : i32
      %parallel_loop3A_537 = arith.constant 53 : i32
      %parallel_loop3A_538 = arith.index_cast %parallel_loop3A_537 : i32 to index
      %parallel_loop3A_539 = arith.index_cast %parallel_loop3A_536 : i32 to index
      %parallel_loop3A_540 = tpu.vector_load %arg7[%parallel_loop3A_538, %parallel_loop3A_539] {strides = array<i32>} : memref<64x512xf32, #tpu.memory_space<vmem>>, vector<16xf32>,
      tpu.vector_store %arg7[%parallel_loop3A_538, %parallel_loop3A_539], %parallel_loop3A_534 {strides = array<i32>} : memref<64x512xf32, #tpu.memory_space<vmem>>, vector<16xf32>,
      %parallel_loop3A_541 = arith.constant 54 : i32
      %parallel_loop3A_542 = vector.broadcast %parallel_loop3A_541 : i32 to vector<16xi32>
      %parallel_loop3A_543 = tpu.vector_load_idx %arg5[%parallel_loop3A_542, %parallel_loop3A_54] : memref<64x128xf32, #tpu.memory_space<vmem>>[vector<16xi32>, vector<16xi32>], vector<16xf32>,
      %parallel_loop3A_544 = arith.constant 16 : i32
      %parallel_loop3A_545 = arith.muli %parallel_loop3A_50, %parallel_loop3A_544 : i32
      %parallel_loop3A_546 = arith.constant 54 : i32
      %parallel_loop3A_547 = arith.index_cast %parallel_loop3A_546 : i32 to index
      %parallel_loop3A_548 = arith.index_cast %parallel_loop3A_545 : i32 to index
      %parallel_loop3A_549 = tpu.vector_load %arg7[%parallel_loop3A_547, %parallel_loop3A_548] {strides = array<i32>} : memref<64x512xf32, #tpu.memory_space<vmem>>, vector<16xf32>,
      tpu.vector_store %arg7[%parallel_loop3A_547, %parallel_loop3A_548], %parallel_loop3A_543 {strides = array<i32>} : memref<64x512xf32, #tpu.memory_space<vmem>>, vector<16xf32>,
      %parallel_loop3A_550 = arith.constant 55 : i32
      %parallel_loop3A_551 = vector.broadcast %parallel_loop3A_550 : i32 to vector<16xi32>
      %parallel_loop3A_552 = tpu.vector_load_idx %arg5[%parallel_loop3A_551, %parallel_loop3A_54] : memref<64x128xf32, #tpu.memory_space<vmem>>[vector<16xi32>, vector<16xi32>], vector<16xf32>,
      %parallel_loop3A_553 = arith.constant 16 : i32
      %parallel_loop3A_554 = arith.muli %parallel_loop3A_50, %parallel_loop3A_553 : i32
      %parallel_loop3A_555 = arith.constant 55 : i32
      %parallel_loop3A_556 = arith.index_cast %parallel_loop3A_555 : i32 to index
      %parallel_loop3A_557 = arith.index_cast %parallel_loop3A_554 : i32 to index
      %parallel_loop3A_558 = tpu.vector_load %arg7[%parallel_loop3A_556, %parallel_loop3A_557] {strides = array<i32>} : memref<64x512xf32, #tpu.memory_space<vmem>>, vector<16xf32>,
      tpu.vector_store %arg7[%parallel_loop3A_556, %parallel_loop3A_557], %parallel_loop3A_552 {strides = array<i32>} : memref<64x512xf32, #tpu.memory_space<vmem>>, vector<16xf32>,
      %parallel_loop3A_559 = arith.constant 56 : i32
      %parallel_loop3A_560 = vector.broadcast %parallel_loop3A_559 : i32 to vector<16xi32>
      %parallel_loop3A_561 = tpu.vector_load_idx %arg5[%parallel_loop3A_560, %parallel_loop3A_54] : memref<64x128xf32, #tpu.memory_space<vmem>>[vector<16xi32>, vector<16xi32>], vector<16xf32>,
      %parallel_loop3A_562 = arith.constant 16 : i32
      %parallel_loop3A_563 = arith.muli %parallel_loop3A_50, %parallel_loop3A_562 : i32
      %parallel_loop3A_564 = arith.constant 56 : i32
      %parallel_loop3A_565 = arith.index_cast %parallel_loop3A_564 : i32 to index
      %parallel_loop3A_566 = arith.index_cast %parallel_loop3A_563 : i32 to index
      %parallel_loop3A_567 = tpu.vector_load %arg7[%parallel_loop3A_565, %parallel_loop3A_566] {strides = array<i32>} : memref<64x512xf32, #tpu.memory_space<vmem>>, vector<16xf32>,
      tpu.vector_store %arg7[%parallel_loop3A_565, %parallel_loop3A_566], %parallel_loop3A_561 {strides = array<i32>} : memref<64x512xf32, #tpu.memory_space<vmem>>, vector<16xf32>,
      %parallel_loop3A_568 = arith.constant 57 : i32
      %parallel_loop3A_569 = vector.broadcast %parallel_loop3A_568 : i32 to vector<16xi32>
      %parallel_loop3A_570 = tpu.vector_load_idx %arg5[%parallel_loop3A_569, %parallel_loop3A_54] : memref<64x128xf32, #tpu.memory_space<vmem>>[vector<16xi32>, vector<16xi32>], vector<16xf32>,
      %parallel_loop3A_571 = arith.constant 16 : i32
      %parallel_loop3A_572 = arith.muli %parallel_loop3A_50, %parallel_loop3A_571 : i32
      %parallel_loop3A_573 = arith.constant 57 : i32
      %parallel_loop3A_574 = arith.index_cast %parallel_loop3A_573 : i32 to index
      %parallel_loop3A_575 = arith.index_cast %parallel_loop3A_572 : i32 to index
      %parallel_loop3A_576 = tpu.vector_load %arg7[%parallel_loop3A_574, %parallel_loop3A_575] {strides = array<i32>} : memref<64x512xf32, #tpu.memory_space<vmem>>, vector<16xf32>,
      tpu.vector_store %arg7[%parallel_loop3A_574, %parallel_loop3A_575], %parallel_loop3A_570 {strides = array<i32>} : memref<64x512xf32, #tpu.memory_space<vmem>>, vector<16xf32>,
      %parallel_loop3A_577 = arith.constant 58 : i32
      %parallel_loop3A_578 = vector.broadcast %parallel_loop3A_577 : i32 to vector<16xi32>
      %parallel_loop3A_579 = tpu.vector_load_idx %arg5[%parallel_loop3A_578, %parallel_loop3A_54] : memref<64x128xf32, #tpu.memory_space<vmem>>[vector<16xi32>, vector<16xi32>], vector<16xf32>,
      %parallel_loop3A_580 = arith.constant 16 : i32
      %parallel_loop3A_581 = arith.muli %parallel_loop3A_50, %parallel_loop3A_580 : i32
      %parallel_loop3A_582 = arith.constant 58 : i32
      %parallel_loop3A_583 = arith.index_cast %parallel_loop3A_582 : i32 to index
      %parallel_loop3A_584 = arith.index_cast %parallel_loop3A_581 : i32 to index
      %parallel_loop3A_585 = tpu.vector_load %arg7[%parallel_loop3A_583, %parallel_loop3A_584] {strides = array<i32>} : memref<64x512xf32, #tpu.memory_space<vmem>>, vector<16xf32>,
      tpu.vector_store %arg7[%parallel_loop3A_583, %parallel_loop3A_584], %parallel_loop3A_579 {strides = array<i32>} : memref<64x512xf32, #tpu.memory_space<vmem>>, vector<16xf32>,
      %parallel_loop3A_586 = arith.constant 59 : i32
      %parallel_loop3A_587 = vector.broadcast %parallel_loop3A_586 : i32 to vector<16xi32>
      %parallel_loop3A_588 = tpu.vector_load_idx %arg5[%parallel_loop3A_587, %parallel_loop3A_54] : memref<64x128xf32, #tpu.memory_space<vmem>>[vector<16xi32>, vector<16xi32>], vector<16xf32>,
      %parallel_loop3A_589 = arith.constant 16 : i32
      %parallel_loop3A_590 = arith.muli %parallel_loop3A_50, %parallel_loop3A_589 : i32
      %parallel_loop3A_591 = arith.constant 59 : i32
      %parallel_loop3A_592 = arith.index_cast %parallel_loop3A_591 : i32 to index
      %parallel_loop3A_593 = arith.index_cast %parallel_loop3A_590 : i32 to index
      %parallel_loop3A_594 = tpu.vector_load %arg7[%parallel_loop3A_592, %parallel_loop3A_593] {strides = array<i32>} : memref<64x512xf32, #tpu.memory_space<vmem>>, vector<16xf32>,
      tpu.vector_store %arg7[%parallel_loop3A_592, %parallel_loop3A_593], %parallel_loop3A_588 {strides = array<i32>} : memref<64x512xf32, #tpu.memory_space<vmem>>, vector<16xf32>,
      %parallel_loop3A_595 = arith.constant 60 : i32
      %parallel_loop3A_596 = vector.broadcast %parallel_loop3A_595 : i32 to vector<16xi32>
      %parallel_loop3A_597 = tpu.vector_load_idx %arg5[%parallel_loop3A_596, %parallel_loop3A_54] : memref<64x128xf32, #tpu.memory_space<vmem>>[vector<16xi32>, vector<16xi32>], vector<16xf32>,
      %parallel_loop3A_598 = arith.constant 16 : i32
      %parallel_loop3A_599 = arith.muli %parallel_loop3A_50, %parallel_loop3A_598 : i32
      %parallel_loop3A_600 = arith.constant 60 : i32
      %parallel_loop3A_601 = arith.index_cast %parallel_loop3A_600 : i32 to index
      %parallel_loop3A_602 = arith.index_cast %parallel_loop3A_599 : i32 to index
      %parallel_loop3A_603 = tpu.vector_load %arg7[%parallel_loop3A_601, %parallel_loop3A_602] {strides = array<i32>} : memref<64x512xf32, #tpu.memory_space<vmem>>, vector<16xf32>,
      tpu.vector_store %arg7[%parallel_loop3A_601, %parallel_loop3A_602], %parallel_loop3A_597 {strides = array<i32>} : memref<64x512xf32, #tpu.memory_space<vmem>>, vector<16xf32>,
      %parallel_loop3A_604 = arith.constant 61 : i32
      %parallel_loop3A_605 = vector.broadcast %parallel_loop3A_604 : i32 to vector<16xi32>
      %parallel_loop3A_606 = tpu.vector_load_idx %arg5[%parallel_loop3A_605, %parallel_loop3A_54] : memref<64x128xf32, #tpu.memory_space<vmem>>[vector<16xi32>, vector<16xi32>], vector<16xf32>,
      %parallel_loop3A_607 = arith.constant 16 : i32
      %parallel_loop3A_608 = arith.muli %parallel_loop3A_50, %parallel_loop3A_607 : i32
      %parallel_loop3A_609 = arith.constant 61 : i32
      %parallel_loop3A_610 = arith.index_cast %parallel_loop3A_609 : i32 to index
      %parallel_loop3A_611 = arith.index_cast %parallel_loop3A_608 : i32 to index
      %parallel_loop3A_612 = tpu.vector_load %arg7[%parallel_loop3A_610, %parallel_loop3A_611] {strides = array<i32>} : memref<64x512xf32, #tpu.memory_space<vmem>>, vector<16xf32>,
      tpu.vector_store %arg7[%parallel_loop3A_610, %parallel_loop3A_611], %parallel_loop3A_606 {strides = array<i32>} : memref<64x512xf32, #tpu.memory_space<vmem>>, vector<16xf32>,
      %parallel_loop3A_613 = arith.constant 62 : i32
      %parallel_loop3A_614 = vector.broadcast %parallel_loop3A_613 : i32 to vector<16xi32>
      %parallel_loop3A_615 = tpu.vector_load_idx %arg5[%parallel_loop3A_614, %parallel_loop3A_54] : memref<64x128xf32, #tpu.memory_space<vmem>>[vector<16xi32>, vector<16xi32>], vector<16xf32>,
      %parallel_loop3A_616 = arith.constant 16 : i32
      %parallel_loop3A_617 = arith.muli %parallel_loop3A_50, %parallel_loop3A_616 : i32
      %parallel_loop3A_618 = arith.constant 62 : i32
      %parallel_loop3A_619 = arith.index_cast %parallel_loop3A_618 : i32 to index
      %parallel_loop3A_620 = arith.index_cast %parallel_loop3A_617 : i32 to index
      %parallel_loop3A_621 = tpu.vector_load %arg7[%parallel_loop3A_619, %parallel_loop3A_620] {strides = array<i32>} : memref<64x512xf32, #tpu.memory_space<vmem>>, vector<16xf32>,
      tpu.vector_store %arg7[%parallel_loop3A_619, %parallel_loop3A_620], %parallel_loop3A_615 {strides = array<i32>} : memref<64x512xf32, #tpu.memory_space<vmem>>, vector<16xf32>,
      %parallel_loop3A_622 = arith.constant 63 : i32
      %parallel_loop3A_623 = vector.broadcast %parallel_loop3A_622 : i32 to vector<16xi32>
      %parallel_loop3A_624 = tpu.vector_load_idx %arg5[%parallel_loop3A_623, %parallel_loop3A_54] : memref<64x128xf32, #tpu.memory_space<vmem>>[vector<16xi32>, vector<16xi32>], vector<16xf32>,
      %parallel_loop3A_625 = arith.constant 16 : i32
      %parallel_loop3A_626 = arith.muli %parallel_loop3A_50, %parallel_loop3A_625 : i32
      %parallel_loop3A_627 = arith.constant 63 : i32
      %parallel_loop3A_628 = arith.index_cast %parallel_loop3A_627 : i32 to index
      %parallel_loop3A_629 = arith.index_cast %parallel_loop3A_626 : i32 to index
      %parallel_loop3A_630 = tpu.vector_load %arg7[%parallel_loop3A_628, %parallel_loop3A_629] {strides = array<i32>} : memref<64x512xf32, #tpu.memory_space<vmem>>, vector<16xf32>,
      tpu.vector_store %arg7[%parallel_loop3A_628, %parallel_loop3A_629], %parallel_loop3A_624 {strides = array<i32>} : memref<64x512xf32, #tpu.memory_space<vmem>>, vector<16xf32>,
    } {sc.loop_unroll_factor = 4 : i64, sc.parallel_access}
    %add3A_5 = arith.constant 0 : i32
    %add3A_6 = arith.addi %mul3A_2, %add3A_5 : i32
    %dma_start3A = arith.constant 0 : i32
    %dma_start3A_7 = arith.constant 0 : i32
    %dma_start3A_8 = tpu.memref_slice %arg7[%dma_start3A, %dma_start3A_7] : memref<64x512xf32, #tpu.memory_space<vmem>> -> memref<64x256xf32, #tpu.memory_space<vmem>>
    %dma_start3A_9 = arith.constant 0 : i32
    %dma_start3A_10 = tpu.memref_slice %arg4[%dma_start3A_9, %add3A_6] : memref<64x16384xf32, #tpu.memory_space<hbm>> -> memref<64x256xf32, #tpu.memory_space<hbm>>
    %dma_start3A_11 = arith.constant 0 : i32
    %dma_start3A_12 = tpu.memref_slice %arg4[%dma_start3A_11, %add3A_6] : memref<64x16384xf32, #tpu.memory_space<hbm>> -> memref<64x256xf32, #tpu.memory_space<hbm>>
    %dma_start3A_13 = arith.constant 0 : i32
    %dma_start3A_14 = arith.constant 0 : i32
    %dma_start3A_15 = tpu.memref_slice %arg7[%dma_start3A_13, %dma_start3A_14] : memref<64x512xf32, #tpu.memory_space<vmem>> -> memref<64x256xf32, #tpu.memory_space<vmem>>
    tpu.enqueue_dma source(%dma_start3A_15 : memref<64x256xf32, #tpu.memory_space<vmem>>) target(%dma_start3A_12 : memref<64x256xf32, #tpu.memory_space<hbm>>) target_semaphore(%arg8 : memref<!tpu.dma_semaphore, #tpu.memory_space<semaphore_mem>>)
    %parallel_loop3A_16 = arith.constant 16 : i32
    %parallel_loop3A_17 = arith.constant 32 : i32
    %parallel_loop3A_18 = arith.constant 1 : i32
    scf.for %parallel_loop3A_50 = %parallel_loop3A_16 to %parallel_loop3A_17 step %parallel_loop3A_18  : i32 {
      %parallel_loop3A_51 = arith.constant 16 : i32
      %parallel_loop3A_52 = arith.muli %parallel_loop3A_50, %parallel_loop3A_51 : i32
      %parallel_loop3A_53 = arith.index_cast %parallel_loop3A_52 : i32 to index
      %parallel_loop3A_54 = tpu.vector_load %arg6[%parallel_loop3A_53] {strides = array<i32>} : memref<512xi32, #tpu.memory_space<vmem>>, vector<16xi32>,
      %parallel_loop3A_55 = arith.constant 0 : i32
      %parallel_loop3A_56 = vector.broadcast %parallel_loop3A_55 : i32 to vector<16xi32>
      %parallel_loop3A_57 = tpu.vector_load_idx %arg5[%parallel_loop3A_56, %parallel_loop3A_54] : memref<64x128xf32, #tpu.memory_space<vmem>>[vector<16xi32>, vector<16xi32>], vector<16xf32>,
      %parallel_loop3A_58 = arith.constant 16 : i32
      %parallel_loop3A_59 = arith.muli %parallel_loop3A_50, %parallel_loop3A_58 : i32
      %parallel_loop3A_60 = arith.constant 0 : i32
      %parallel_loop3A_61 = arith.index_cast %parallel_loop3A_60 : i32 to index
      %parallel_loop3A_62 = arith.index_cast %parallel_loop3A_59 : i32 to index
      %parallel_loop3A_63 = tpu.vector_load %arg7[%parallel_loop3A_61, %parallel_loop3A_62] {strides = array<i32>} : memref<64x512xf32, #tpu.memory_space<vmem>>, vector<16xf32>,
      tpu.vector_store %arg7[%parallel_loop3A_61, %parallel_loop3A_62], %parallel_loop3A_57 {strides = array<i32>} : memref<64x512xf32, #tpu.memory_space<vmem>>, vector<16xf32>,
      %parallel_loop3A_64 = arith.constant 1 : i32
      %parallel_loop3A_65 = vector.broadcast %parallel_loop3A_64 : i32 to vector<16xi32>
      %parallel_loop3A_66 = tpu.vector_load_idx %arg5[%parallel_loop3A_65, %parallel_loop3A_54] : memref<64x128xf32, #tpu.memory_space<vmem>>[vector<16xi32>, vector<16xi32>], vector<16xf32>,
      %parallel_loop3A_67 = arith.constant 16 : i32
      %parallel_loop3A_68 = arith.muli %parallel_loop3A_50, %parallel_loop3A_67 : i32
      %parallel_loop3A_69 = arith.constant 1 : i32
      %parallel_loop3A_70 = arith.index_cast %parallel_loop3A_69 : i32 to index
      %parallel_loop3A_71 = arith.index_cast %parallel_loop3A_68 : i32 to index
      %parallel_loop3A_72 = tpu.vector_load %arg7[%parallel_loop3A_70, %parallel_loop3A_71] {strides = array<i32>} : memref<64x512xf32, #tpu.memory_space<vmem>>, vector<16xf32>,
      tpu.vector_store %arg7[%parallel_loop3A_70, %parallel_loop3A_71], %parallel_loop3A_66 {strides = array<i32>} : memref<64x512xf32, #tpu.memory_space<vmem>>, vector<16xf32>,
      %parallel_loop3A_73 = arith.constant 2 : i32
      %parallel_loop3A_74 = vector.broadcast %parallel_loop3A_73 : i32 to vector<16xi32>
      %parallel_loop3A_75 = tpu.vector_load_idx %arg5[%parallel_loop3A_74, %parallel_loop3A_54] : memref<64x128xf32, #tpu.memory_space<vmem>>[vector<16xi32>, vector<16xi32>], vector<16xf32>,
      %parallel_loop3A_76 = arith.constant 16 : i32
      %parallel_loop3A_77 = arith.muli %parallel_loop3A_50, %parallel_loop3A_76 : i32
      %parallel_loop3A_78 = arith.constant 2 : i32
      %parallel_loop3A_79 = arith.index_cast %parallel_loop3A_78 : i32 to index
      %parallel_loop3A_80 = arith.index_cast %parallel_loop3A_77 : i32 to index
      %parallel_loop3A_81 = tpu.vector_load %arg7[%parallel_loop3A_79, %parallel_loop3A_80] {strides = array<i32>} : memref<64x512xf32, #tpu.memory_space<vmem>>, vector<16xf32>,
      tpu.vector_store %arg7[%parallel_loop3A_79, %parallel_loop3A_80], %parallel_loop3A_75 {strides = array<i32>} : memref<64x512xf32, #tpu.memory_space<vmem>>, vector<16xf32>,
      %parallel_loop3A_82 = arith.constant 3 : i32
      %parallel_loop3A_83 = vector.broadcast %parallel_loop3A_82 : i32 to vector<16xi32>
      %parallel_loop3A_84 = tpu.vector_load_idx %arg5[%parallel_loop3A_83, %parallel_loop3A_54] : memref<64x128xf32, #tpu.memory_space<vmem>>[vector<16xi32>, vector<16xi32>], vector<16xf32>,
      %parallel_loop3A_85 = arith.constant 16 : i32
      %parallel_loop3A_86 = arith.muli %parallel_loop3A_50, %parallel_loop3A_85 : i32
      %parallel_loop3A_87 = arith.constant 3 : i32
      %parallel_loop3A_88 = arith.index_cast %parallel_loop3A_87 : i32 to index
      %parallel_loop3A_89 = arith.index_cast %parallel_loop3A_86 : i32 to index
      %parallel_loop3A_90 = tpu.vector_load %arg7[%parallel_loop3A_88, %parallel_loop3A_89] {strides = array<i32>} : memref<64x512xf32, #tpu.memory_space<vmem>>, vector<16xf32>,
      tpu.vector_store %arg7[%parallel_loop3A_88, %parallel_loop3A_89], %parallel_loop3A_84 {strides = array<i32>} : memref<64x512xf32, #tpu.memory_space<vmem>>, vector<16xf32>,
      %parallel_loop3A_91 = arith.constant 4 : i32
      %parallel_loop3A_92 = vector.broadcast %parallel_loop3A_91 : i32 to vector<16xi32>
      %parallel_loop3A_93 = tpu.vector_load_idx %arg5[%parallel_loop3A_92, %parallel_loop3A_54] : memref<64x128xf32, #tpu.memory_space<vmem>>[vector<16xi32>, vector<16xi32>], vector<16xf32>,
      %parallel_loop3A_94 = arith.constant 16 : i32
      %parallel_loop3A_95 = arith.muli %parallel_loop3A_50, %parallel_loop3A_94 : i32
      %parallel_loop3A_96 = arith.constant 4 : i32
      %parallel_loop3A_97 = arith.index_cast %parallel_loop3A_96 : i32 to index
      %parallel_loop3A_98 = arith.index_cast %parallel_loop3A_95 : i32 to index
      %parallel_loop3A_99 = tpu.vector_load %arg7[%parallel_loop3A_97, %parallel_loop3A_98] {strides = array<i32>} : memref<64x512xf32, #tpu.memory_space<vmem>>, vector<16xf32>,
      tpu.vector_store %arg7[%parallel_loop3A_97, %parallel_loop3A_98], %parallel_loop3A_93 {strides = array<i32>} : memref<64x512xf32, #tpu.memory_space<vmem>>, vector<16xf32>,
      %parallel_loop3A_100 = arith.constant 5 : i32
      %parallel_loop3A_101 = vector.broadcast %parallel_loop3A_100 : i32 to vector<16xi32>
      %parallel_loop3A_102 = tpu.vector_load_idx %arg5[%parallel_loop3A_101, %parallel_loop3A_54] : memref<64x128xf32, #tpu.memory_space<vmem>>[vector<16xi32>, vector<16xi32>], vector<16xf32>,
      %parallel_loop3A_103 = arith.constant 16 : i32
      %parallel_loop3A_104 = arith.muli %parallel_loop3A_50, %parallel_loop3A_103 : i32
      %parallel_loop3A_105 = arith.constant 5 : i32
      %parallel_loop3A_106 = arith.index_cast %parallel_loop3A_105 : i32 to index
      %parallel_loop3A_107 = arith.index_cast %parallel_loop3A_104 : i32 to index
      %parallel_loop3A_108 = tpu.vector_load %arg7[%parallel_loop3A_106, %parallel_loop3A_107] {strides = array<i32>} : memref<64x512xf32, #tpu.memory_space<vmem>>, vector<16xf32>,
      tpu.vector_store %arg7[%parallel_loop3A_106, %parallel_loop3A_107], %parallel_loop3A_102 {strides = array<i32>} : memref<64x512xf32, #tpu.memory_space<vmem>>, vector<16xf32>,
      %parallel_loop3A_109 = arith.constant 6 : i32
      %parallel_loop3A_110 = vector.broadcast %parallel_loop3A_109 : i32 to vector<16xi32>
      %parallel_loop3A_111 = tpu.vector_load_idx %arg5[%parallel_loop3A_110, %parallel_loop3A_54] : memref<64x128xf32, #tpu.memory_space<vmem>>[vector<16xi32>, vector<16xi32>], vector<16xf32>,
      %parallel_loop3A_112 = arith.constant 16 : i32
      %parallel_loop3A_113 = arith.muli %parallel_loop3A_50, %parallel_loop3A_112 : i32
      %parallel_loop3A_114 = arith.constant 6 : i32
      %parallel_loop3A_115 = arith.index_cast %parallel_loop3A_114 : i32 to index
      %parallel_loop3A_116 = arith.index_cast %parallel_loop3A_113 : i32 to index
      %parallel_loop3A_117 = tpu.vector_load %arg7[%parallel_loop3A_115, %parallel_loop3A_116] {strides = array<i32>} : memref<64x512xf32, #tpu.memory_space<vmem>>, vector<16xf32>,
      tpu.vector_store %arg7[%parallel_loop3A_115, %parallel_loop3A_116], %parallel_loop3A_111 {strides = array<i32>} : memref<64x512xf32, #tpu.memory_space<vmem>>, vector<16xf32>,
      %parallel_loop3A_118 = arith.constant 7 : i32
      %parallel_loop3A_119 = vector.broadcast %parallel_loop3A_118 : i32 to vector<16xi32>
      %parallel_loop3A_120 = tpu.vector_load_idx %arg5[%parallel_loop3A_119, %parallel_loop3A_54] : memref<64x128xf32, #tpu.memory_space<vmem>>[vector<16xi32>, vector<16xi32>], vector<16xf32>,
      %parallel_loop3A_121 = arith.constant 16 : i32
      %parallel_loop3A_122 = arith.muli %parallel_loop3A_50, %parallel_loop3A_121 : i32
      %parallel_loop3A_123 = arith.constant 7 : i32
      %parallel_loop3A_124 = arith.index_cast %parallel_loop3A_123 : i32 to index
      %parallel_loop3A_125 = arith.index_cast %parallel_loop3A_122 : i32 to index
      %parallel_loop3A_126 = tpu.vector_load %arg7[%parallel_loop3A_124, %parallel_loop3A_125] {strides = array<i32>} : memref<64x512xf32, #tpu.memory_space<vmem>>, vector<16xf32>,
      tpu.vector_store %arg7[%parallel_loop3A_124, %parallel_loop3A_125], %parallel_loop3A_120 {strides = array<i32>} : memref<64x512xf32, #tpu.memory_space<vmem>>, vector<16xf32>,
      %parallel_loop3A_127 = arith.constant 8 : i32
      %parallel_loop3A_128 = vector.broadcast %parallel_loop3A_127 : i32 to vector<16xi32>
      %parallel_loop3A_129 = tpu.vector_load_idx %arg5[%parallel_loop3A_128, %parallel_loop3A_54] : memref<64x128xf32, #tpu.memory_space<vmem>>[vector<16xi32>, vector<16xi32>], vector<16xf32>,
      %parallel_loop3A_130 = arith.constant 16 : i32
      %parallel_loop3A_131 = arith.muli %parallel_loop3A_50, %parallel_loop3A_130 : i32
      %parallel_loop3A_132 = arith.constant 8 : i32
      %parallel_loop3A_133 = arith.index_cast %parallel_loop3A_132 : i32 to index
      %parallel_loop3A_134 = arith.index_cast %parallel_loop3A_131 : i32 to index
      %parallel_loop3A_135 = tpu.vector_load %arg7[%parallel_loop3A_133, %parallel_loop3A_134] {strides = array<i32>} : memref<64x512xf32, #tpu.memory_space<vmem>>, vector<16xf32>,
      tpu.vector_store %arg7[%parallel_loop3A_133, %parallel_loop3A_134], %parallel_loop3A_129 {strides = array<i32>} : memref<64x512xf32, #tpu.memory_space<vmem>>, vector<16xf32>,
      %parallel_loop3A_136 = arith.constant 9 : i32
      %parallel_loop3A_137 = vector.broadcast %parallel_loop3A_136 : i32 to vector<16xi32>
      %parallel_loop3A_138 = tpu.vector_load_idx %arg5[%parallel_loop3A_137, %parallel_loop3A_54] : memref<64x128xf32, #tpu.memory_space<vmem>>[vector<16xi32>, vector<16xi32>], vector<16xf32>,
      %parallel_loop3A_139 = arith.constant 16 : i32
      %parallel_loop3A_140 = arith.muli %parallel_loop3A_50, %parallel_loop3A_139 : i32
      %parallel_loop3A_141 = arith.constant 9 : i32
      %parallel_loop3A_142 = arith.index_cast %parallel_loop3A_141 : i32 to index
      %parallel_loop3A_143 = arith.index_cast %parallel_loop3A_140 : i32 to index
      %parallel_loop3A_144 = tpu.vector_load %arg7[%parallel_loop3A_142, %parallel_loop3A_143] {strides = array<i32>} : memref<64x512xf32, #tpu.memory_space<vmem>>, vector<16xf32>,
      tpu.vector_store %arg7[%parallel_loop3A_142, %parallel_loop3A_143], %parallel_loop3A_138 {strides = array<i32>} : memref<64x512xf32, #tpu.memory_space<vmem>>, vector<16xf32>,
      %parallel_loop3A_145 = arith.constant 10 : i32
      %parallel_loop3A_146 = vector.broadcast %parallel_loop3A_145 : i32 to vector<16xi32>
      %parallel_loop3A_147 = tpu.vector_load_idx %arg5[%parallel_loop3A_146, %parallel_loop3A_54] : memref<64x128xf32, #tpu.memory_space<vmem>>[vector<16xi32>, vector<16xi32>], vector<16xf32>,
      %parallel_loop3A_148 = arith.constant 16 : i32
      %parallel_loop3A_149 = arith.muli %parallel_loop3A_50, %parallel_loop3A_148 : i32
      %parallel_loop3A_150 = arith.constant 10 : i32
      %parallel_loop3A_151 = arith.index_cast %parallel_loop3A_150 : i32 to index
      %parallel_loop3A_152 = arith.index_cast %parallel_loop3A_149 : i32 to index
      %parallel_loop3A_153 = tpu.vector_load %arg7[%parallel_loop3A_151, %parallel_loop3A_152] {strides = array<i32>} : memref<64x512xf32, #tpu.memory_space<vmem>>, vector<16xf32>,
      tpu.vector_store %arg7[%parallel_loop3A_151, %parallel_loop3A_152], %parallel_loop3A_147 {strides = array<i32>} : memref<64x512xf32, #tpu.memory_space<vmem>>, vector<16xf32>,
      %parallel_loop3A_154 = arith.constant 11 : i32
      %parallel_loop3A_155 = vector.broadcast %parallel_loop3A_154 : i32 to vector<16xi32>
      %parallel_loop3A_156 = tpu.vector_load_idx %arg5[%parallel_loop3A_155, %parallel_loop3A_54] : memref<64x128xf32, #tpu.memory_space<vmem>>[vector<16xi32>, vector<16xi32>], vector<16xf32>,
      %parallel_loop3A_157 = arith.constant 16 : i32
      %parallel_loop3A_158 = arith.muli %parallel_loop3A_50, %parallel_loop3A_157 : i32
      %parallel_loop3A_159 = arith.constant 11 : i32
      %parallel_loop3A_160 = arith.index_cast %parallel_loop3A_159 : i32 to index
      %parallel_loop3A_161 = arith.index_cast %parallel_loop3A_158 : i32 to index
      %parallel_loop3A_162 = tpu.vector_load %arg7[%parallel_loop3A_160, %parallel_loop3A_161] {strides = array<i32>} : memref<64x512xf32, #tpu.memory_space<vmem>>, vector<16xf32>,
      tpu.vector_store %arg7[%parallel_loop3A_160, %parallel_loop3A_161], %parallel_loop3A_156 {strides = array<i32>} : memref<64x512xf32, #tpu.memory_space<vmem>>, vector<16xf32>,
      %parallel_loop3A_163 = arith.constant 12 : i32
      %parallel_loop3A_164 = vector.broadcast %parallel_loop3A_163 : i32 to vector<16xi32>
      %parallel_loop3A_165 = tpu.vector_load_idx %arg5[%parallel_loop3A_164, %parallel_loop3A_54] : memref<64x128xf32, #tpu.memory_space<vmem>>[vector<16xi32>, vector<16xi32>], vector<16xf32>,
      %parallel_loop3A_166 = arith.constant 16 : i32
      %parallel_loop3A_167 = arith.muli %parallel_loop3A_50, %parallel_loop3A_166 : i32
      %parallel_loop3A_168 = arith.constant 12 : i32
      %parallel_loop3A_169 = arith.index_cast %parallel_loop3A_168 : i32 to index
      %parallel_loop3A_170 = arith.index_cast %parallel_loop3A_167 : i32 to index
      %parallel_loop3A_171 = tpu.vector_load %arg7[%parallel_loop3A_169, %parallel_loop3A_170] {strides = array<i32>} : memref<64x512xf32, #tpu.memory_space<vmem>>, vector<16xf32>,
      tpu.vector_store %arg7[%parallel_loop3A_169, %parallel_loop3A_170], %parallel_loop3A_165 {strides = array<i32>} : memref<64x512xf32, #tpu.memory_space<vmem>>, vector<16xf32>,
      %parallel_loop3A_172 = arith.constant 13 : i32
      %parallel_loop3A_173 = vector.broadcast %parallel_loop3A_172 : i32 to vector<16xi32>
      %parallel_loop3A_174 = tpu.vector_load_idx %arg5[%parallel_loop3A_173, %parallel_loop3A_54] : memref<64x128xf32, #tpu.memory_space<vmem>>[vector<16xi32>, vector<16xi32>], vector<16xf32>,
      %parallel_loop3A_175 = arith.constant 16 : i32
      %parallel_loop3A_176 = arith.muli %parallel_loop3A_50, %parallel_loop3A_175 : i32
      %parallel_loop3A_177 = arith.constant 13 : i32
      %parallel_loop3A_178 = arith.index_cast %parallel_loop3A_177 : i32 to index
      %parallel_loop3A_179 = arith.index_cast %parallel_loop3A_176 : i32 to index
      %parallel_loop3A_180 = tpu.vector_load %arg7[%parallel_loop3A_178, %parallel_loop3A_179] {strides = array<i32>} : memref<64x512xf32, #tpu.memory_space<vmem>>, vector<16xf32>,
      tpu.vector_store %arg7[%parallel_loop3A_178, %parallel_loop3A_179], %parallel_loop3A_174 {strides = array<i32>} : memref<64x512xf32, #tpu.memory_space<vmem>>, vector<16xf32>,
      %parallel_loop3A_181 = arith.constant 14 : i32
      %parallel_loop3A_182 = vector.broadcast %parallel_loop3A_181 : i32 to vector<16xi32>
      %parallel_loop3A_183 = tpu.vector_load_idx %arg5[%parallel_loop3A_182, %parallel_loop3A_54] : memref<64x128xf32, #tpu.memory_space<vmem>>[vector<16xi32>, vector<16xi32>], vector<16xf32>,
      %parallel_loop3A_184 = arith.constant 16 : i32
      %parallel_loop3A_185 = arith.muli %parallel_loop3A_50, %parallel_loop3A_184 : i32
      %parallel_loop3A_186 = arith.constant 14 : i32
      %parallel_loop3A_187 = arith.index_cast %parallel_loop3A_186 : i32 to index
      %parallel_loop3A_188 = arith.index_cast %parallel_loop3A_185 : i32 to index
      %parallel_loop3A_189 = tpu.vector_load %arg7[%parallel_loop3A_187, %parallel_loop3A_188] {strides = array<i32>} : memref<64x512xf32, #tpu.memory_space<vmem>>, vector<16xf32>,
      tpu.vector_store %arg7[%parallel_loop3A_187, %parallel_loop3A_188], %parallel_loop3A_183 {strides = array<i32>} : memref<64x512xf32, #tpu.memory_space<vmem>>, vector<16xf32>,
      %parallel_loop3A_190 = arith.constant 15 : i32
      %parallel_loop3A_191 = vector.broadcast %parallel_loop3A_190 : i32 to vector<16xi32>
      %parallel_loop3A_192 = tpu.vector_load_idx %arg5[%parallel_loop3A_191, %parallel_loop3A_54] : memref<64x128xf32, #tpu.memory_space<vmem>>[vector<16xi32>, vector<16xi32>], vector<16xf32>,
      %parallel_loop3A_193 = arith.constant 16 : i32
      %parallel_loop3A_194 = arith.muli %parallel_loop3A_50, %parallel_loop3A_193 : i32
      %parallel_loop3A_195 = arith.constant 15 : i32
      %parallel_loop3A_196 = arith.index_cast %parallel_loop3A_195 : i32 to index
      %parallel_loop3A_197 = arith.index_cast %parallel_loop3A_194 : i32 to index
      %parallel_loop3A_198 = tpu.vector_load %arg7[%parallel_loop3A_196, %parallel_loop3A_197] {strides = array<i32>} : memref<64x512xf32, #tpu.memory_space<vmem>>, vector<16xf32>,
      tpu.vector_store %arg7[%parallel_loop3A_196, %parallel_loop3A_197], %parallel_loop3A_192 {strides = array<i32>} : memref<64x512xf32, #tpu.memory_space<vmem>>, vector<16xf32>,
      %parallel_loop3A_199 = arith.constant 16 : i32
      %parallel_loop3A_200 = vector.broadcast %parallel_loop3A_199 : i32 to vector<16xi32>
      %parallel_loop3A_201 = tpu.vector_load_idx %arg5[%parallel_loop3A_200, %parallel_loop3A_54] : memref<64x128xf32, #tpu.memory_space<vmem>>[vector<16xi32>, vector<16xi32>], vector<16xf32>,
      %parallel_loop3A_202 = arith.constant 16 : i32
      %parallel_loop3A_203 = arith.muli %parallel_loop3A_50, %parallel_loop3A_202 : i32
      %parallel_loop3A_204 = arith.constant 16 : i32
      %parallel_loop3A_205 = arith.index_cast %parallel_loop3A_204 : i32 to index
      %parallel_loop3A_206 = arith.index_cast %parallel_loop3A_203 : i32 to index
      %parallel_loop3A_207 = tpu.vector_load %arg7[%parallel_loop3A_205, %parallel_loop3A_206] {strides = array<i32>} : memref<64x512xf32, #tpu.memory_space<vmem>>, vector<16xf32>,
      tpu.vector_store %arg7[%parallel_loop3A_205, %parallel_loop3A_206], %parallel_loop3A_201 {strides = array<i32>} : memref<64x512xf32, #tpu.memory_space<vmem>>, vector<16xf32>,
      %parallel_loop3A_208 = arith.constant 17 : i32
      %parallel_loop3A_209 = vector.broadcast %parallel_loop3A_208 : i32 to vector<16xi32>
      %parallel_loop3A_210 = tpu.vector_load_idx %arg5[%parallel_loop3A_209, %parallel_loop3A_54] : memref<64x128xf32, #tpu.memory_space<vmem>>[vector<16xi32>, vector<16xi32>], vector<16xf32>,
      %parallel_loop3A_211 = arith.constant 16 : i32
      %parallel_loop3A_212 = arith.muli %parallel_loop3A_50, %parallel_loop3A_211 : i32
      %parallel_loop3A_213 = arith.constant 17 : i32
      %parallel_loop3A_214 = arith.index_cast %parallel_loop3A_213 : i32 to index
      %parallel_loop3A_215 = arith.index_cast %parallel_loop3A_212 : i32 to index
      %parallel_loop3A_216 = tpu.vector_load %arg7[%parallel_loop3A_214, %parallel_loop3A_215] {strides = array<i32>} : memref<64x512xf32, #tpu.memory_space<vmem>>, vector<16xf32>,
      tpu.vector_store %arg7[%parallel_loop3A_214, %parallel_loop3A_215], %parallel_loop3A_210 {strides = array<i32>} : memref<64x512xf32, #tpu.memory_space<vmem>>, vector<16xf32>,
      %parallel_loop3A_217 = arith.constant 18 : i32
      %parallel_loop3A_218 = vector.broadcast %parallel_loop3A_217 : i32 to vector<16xi32>
      %parallel_loop3A_219 = tpu.vector_load_idx %arg5[%parallel_loop3A_218, %parallel_loop3A_54] : memref<64x128xf32, #tpu.memory_space<vmem>>[vector<16xi32>, vector<16xi32>], vector<16xf32>,
      %parallel_loop3A_220 = arith.constant 16 : i32
      %parallel_loop3A_221 = arith.muli %parallel_loop3A_50, %parallel_loop3A_220 : i32
      %parallel_loop3A_222 = arith.constant 18 : i32
      %parallel_loop3A_223 = arith.index_cast %parallel_loop3A_222 : i32 to index
      %parallel_loop3A_224 = arith.index_cast %parallel_loop3A_221 : i32 to index
      %parallel_loop3A_225 = tpu.vector_load %arg7[%parallel_loop3A_223, %parallel_loop3A_224] {strides = array<i32>} : memref<64x512xf32, #tpu.memory_space<vmem>>, vector<16xf32>,
      tpu.vector_store %arg7[%parallel_loop3A_223, %parallel_loop3A_224], %parallel_loop3A_219 {strides = array<i32>} : memref<64x512xf32, #tpu.memory_space<vmem>>, vector<16xf32>,
      %parallel_loop3A_226 = arith.constant 19 : i32
      %parallel_loop3A_227 = vector.broadcast %parallel_loop3A_226 : i32 to vector<16xi32>
      %parallel_loop3A_228 = tpu.vector_load_idx %arg5[%parallel_loop3A_227, %parallel_loop3A_54] : memref<64x128xf32, #tpu.memory_space<vmem>>[vector<16xi32>, vector<16xi32>], vector<16xf32>,
      %parallel_loop3A_229 = arith.constant 16 : i32
      %parallel_loop3A_230 = arith.muli %parallel_loop3A_50, %parallel_loop3A_229 : i32
      %parallel_loop3A_231 = arith.constant 19 : i32
      %parallel_loop3A_232 = arith.index_cast %parallel_loop3A_231 : i32 to index
      %parallel_loop3A_233 = arith.index_cast %parallel_loop3A_230 : i32 to index
      %parallel_loop3A_234 = tpu.vector_load %arg7[%parallel_loop3A_232, %parallel_loop3A_233] {strides = array<i32>} : memref<64x512xf32, #tpu.memory_space<vmem>>, vector<16xf32>,
      tpu.vector_store %arg7[%parallel_loop3A_232, %parallel_loop3A_233], %parallel_loop3A_228 {strides = array<i32>} : memref<64x512xf32, #tpu.memory_space<vmem>>, vector<16xf32>,
      %parallel_loop3A_235 = arith.constant 20 : i32
      %parallel_loop3A_236 = vector.broadcast %parallel_loop3A_235 : i32 to vector<16xi32>
      %parallel_loop3A_237 = tpu.vector_load_idx %arg5[%parallel_loop3A_236, %parallel_loop3A_54] : memref<64x128xf32, #tpu.memory_space<vmem>>[vector<16xi32>, vector<16xi32>], vector<16xf32>,
      %parallel_loop3A_238 = arith.constant 16 : i32
      %parallel_loop3A_239 = arith.muli %parallel_loop3A_50, %parallel_loop3A_238 : i32
      %parallel_loop3A_240 = arith.constant 20 : i32
      %parallel_loop3A_241 = arith.index_cast %parallel_loop3A_240 : i32 to index
      %parallel_loop3A_242 = arith.index_cast %parallel_loop3A_239 : i32 to index
      %parallel_loop3A_243 = tpu.vector_load %arg7[%parallel_loop3A_241, %parallel_loop3A_242] {strides = array<i32>} : memref<64x512xf32, #tpu.memory_space<vmem>>, vector<16xf32>,
      tpu.vector_store %arg7[%parallel_loop3A_241, %parallel_loop3A_242], %parallel_loop3A_237 {strides = array<i32>} : memref<64x512xf32, #tpu.memory_space<vmem>>, vector<16xf32>,
      %parallel_loop3A_244 = arith.constant 21 : i32
      %parallel_loop3A_245 = vector.broadcast %parallel_loop3A_244 : i32 to vector<16xi32>
      %parallel_loop3A_246 = tpu.vector_load_idx %arg5[%parallel_loop3A_245, %parallel_loop3A_54] : memref<64x128xf32, #tpu.memory_space<vmem>>[vector<16xi32>, vector<16xi32>], vector<16xf32>,
      %parallel_loop3A_247 = arith.constant 16 : i32
      %parallel_loop3A_248 = arith.muli %parallel_loop3A_50, %parallel_loop3A_247 : i32
      %parallel_loop3A_249 = arith.constant 21 : i32
      %parallel_loop3A_250 = arith.index_cast %parallel_loop3A_249 : i32 to index
      %parallel_loop3A_251 = arith.index_cast %parallel_loop3A_248 : i32 to index
      %parallel_loop3A_252 = tpu.vector_load %arg7[%parallel_loop3A_250, %parallel_loop3A_251] {strides = array<i32>} : memref<64x512xf32, #tpu.memory_space<vmem>>, vector<16xf32>,
      tpu.vector_store %arg7[%parallel_loop3A_250, %parallel_loop3A_251], %parallel_loop3A_246 {strides = array<i32>} : memref<64x512xf32, #tpu.memory_space<vmem>>, vector<16xf32>,
      %parallel_loop3A_253 = arith.constant 22 : i32
      %parallel_loop3A_254 = vector.broadcast %parallel_loop3A_253 : i32 to vector<16xi32>
      %parallel_loop3A_255 = tpu.vector_load_idx %arg5[%parallel_loop3A_254, %parallel_loop3A_54] : memref<64x128xf32, #tpu.memory_space<vmem>>[vector<16xi32>, vector<16xi32>], vector<16xf32>,
      %parallel_loop3A_256 = arith.constant 16 : i32
      %parallel_loop3A_257 = arith.muli %parallel_loop3A_50, %parallel_loop3A_256 : i32
      %parallel_loop3A_258 = arith.constant 22 : i32
      %parallel_loop3A_259 = arith.index_cast %parallel_loop3A_258 : i32 to index
      %parallel_loop3A_260 = arith.index_cast %parallel_loop3A_257 : i32 to index
      %parallel_loop3A_261 = tpu.vector_load %arg7[%parallel_loop3A_259, %parallel_loop3A_260] {strides = array<i32>} : memref<64x512xf32, #tpu.memory_space<vmem>>, vector<16xf32>,
      tpu.vector_store %arg7[%parallel_loop3A_259, %parallel_loop3A_260], %parallel_loop3A_255 {strides = array<i32>} : memref<64x512xf32, #tpu.memory_space<vmem>>, vector<16xf32>,
      %parallel_loop3A_262 = arith.constant 23 : i32
      %parallel_loop3A_263 = vector.broadcast %parallel_loop3A_262 : i32 to vector<16xi32>
      %parallel_loop3A_264 = tpu.vector_load_idx %arg5[%parallel_loop3A_263, %parallel_loop3A_54] : memref<64x128xf32, #tpu.memory_space<vmem>>[vector<16xi32>, vector<16xi32>], vector<16xf32>,
      %parallel_loop3A_265 = arith.constant 16 : i32
      %parallel_loop3A_266 = arith.muli %parallel_loop3A_50, %parallel_loop3A_265 : i32
      %parallel_loop3A_267 = arith.constant 23 : i32
      %parallel_loop3A_268 = arith.index_cast %parallel_loop3A_267 : i32 to index
      %parallel_loop3A_269 = arith.index_cast %parallel_loop3A_266 : i32 to index
      %parallel_loop3A_270 = tpu.vector_load %arg7[%parallel_loop3A_268, %parallel_loop3A_269] {strides = array<i32>} : memref<64x512xf32, #tpu.memory_space<vmem>>, vector<16xf32>,
      tpu.vector_store %arg7[%parallel_loop3A_268, %parallel_loop3A_269], %parallel_loop3A_264 {strides = array<i32>} : memref<64x512xf32, #tpu.memory_space<vmem>>, vector<16xf32>,
      %parallel_loop3A_271 = arith.constant 24 : i32
      %parallel_loop3A_272 = vector.broadcast %parallel_loop3A_271 : i32 to vector<16xi32>
      %parallel_loop3A_273 = tpu.vector_load_idx %arg5[%parallel_loop3A_272, %parallel_loop3A_54] : memref<64x128xf32, #tpu.memory_space<vmem>>[vector<16xi32>, vector<16xi32>], vector<16xf32>,
      %parallel_loop3A_274 = arith.constant 16 : i32
      %parallel_loop3A_275 = arith.muli %parallel_loop3A_50, %parallel_loop3A_274 : i32
      %parallel_loop3A_276 = arith.constant 24 : i32
      %parallel_loop3A_277 = arith.index_cast %parallel_loop3A_276 : i32 to index
      %parallel_loop3A_278 = arith.index_cast %parallel_loop3A_275 : i32 to index
      %parallel_loop3A_279 = tpu.vector_load %arg7[%parallel_loop3A_277, %parallel_loop3A_278] {strides = array<i32>} : memref<64x512xf32, #tpu.memory_space<vmem>>, vector<16xf32>,
      tpu.vector_store %arg7[%parallel_loop3A_277, %parallel_loop3A_278], %parallel_loop3A_273 {strides = array<i32>} : memref<64x512xf32, #tpu.memory_space<vmem>>, vector<16xf32>,
      %parallel_loop3A_280 = arith.constant 25 : i32
      %parallel_loop3A_281 = vector.broadcast %parallel_loop3A_280 : i32 to vector<16xi32>
      %parallel_loop3A_282 = tpu.vector_load_idx %arg5[%parallel_loop3A_281, %parallel_loop3A_54] : memref<64x128xf32, #tpu.memory_space<vmem>>[vector<16xi32>, vector<16xi32>], vector<16xf32>,
      %parallel_loop3A_283 = arith.constant 16 : i32
      %parallel_loop3A_284 = arith.muli %parallel_loop3A_50, %parallel_loop3A_283 : i32
      %parallel_loop3A_285 = arith.constant 25 : i32
      %parallel_loop3A_286 = arith.index_cast %parallel_loop3A_285 : i32 to index
      %parallel_loop3A_287 = arith.index_cast %parallel_loop3A_284 : i32 to index
      %parallel_loop3A_288 = tpu.vector_load %arg7[%parallel_loop3A_286, %parallel_loop3A_287] {strides = array<i32>} : memref<64x512xf32, #tpu.memory_space<vmem>>, vector<16xf32>,
      tpu.vector_store %arg7[%parallel_loop3A_286, %parallel_loop3A_287], %parallel_loop3A_282 {strides = array<i32>} : memref<64x512xf32, #tpu.memory_space<vmem>>, vector<16xf32>,
      %parallel_loop3A_289 = arith.constant 26 : i32
      %parallel_loop3A_290 = vector.broadcast %parallel_loop3A_289 : i32 to vector<16xi32>
      %parallel_loop3A_291 = tpu.vector_load_idx %arg5[%parallel_loop3A_290, %parallel_loop3A_54] : memref<64x128xf32, #tpu.memory_space<vmem>>[vector<16xi32>, vector<16xi32>], vector<16xf32>,
      %parallel_loop3A_292 = arith.constant 16 : i32
      %parallel_loop3A_293 = arith.muli %parallel_loop3A_50, %parallel_loop3A_292 : i32
      %parallel_loop3A_294 = arith.constant 26 : i32
      %parallel_loop3A_295 = arith.index_cast %parallel_loop3A_294 : i32 to index
      %parallel_loop3A_296 = arith.index_cast %parallel_loop3A_293 : i32 to index
      %parallel_loop3A_297 = tpu.vector_load %arg7[%parallel_loop3A_295, %parallel_loop3A_296] {strides = array<i32>} : memref<64x512xf32, #tpu.memory_space<vmem>>, vector<16xf32>,
      tpu.vector_store %arg7[%parallel_loop3A_295, %parallel_loop3A_296], %parallel_loop3A_291 {strides = array<i32>} : memref<64x512xf32, #tpu.memory_space<vmem>>, vector<16xf32>,
      %parallel_loop3A_298 = arith.constant 27 : i32
      %parallel_loop3A_299 = vector.broadcast %parallel_loop3A_298 : i32 to vector<16xi32>
      %parallel_loop3A_300 = tpu.vector_load_idx %arg5[%parallel_loop3A_299, %parallel_loop3A_54] : memref<64x128xf32, #tpu.memory_space<vmem>>[vector<16xi32>, vector<16xi32>], vector<16xf32>,
      %parallel_loop3A_301 = arith.constant 16 : i32
      %parallel_loop3A_302 = arith.muli %parallel_loop3A_50, %parallel_loop3A_301 : i32
      %parallel_loop3A_303 = arith.constant 27 : i32
      %parallel_loop3A_304 = arith.index_cast %parallel_loop3A_303 : i32 to index
      %parallel_loop3A_305 = arith.index_cast %parallel_loop3A_302 : i32 to index
      %parallel_loop3A_306 = tpu.vector_load %arg7[%parallel_loop3A_304, %parallel_loop3A_305] {strides = array<i32>} : memref<64x512xf32, #tpu.memory_space<vmem>>, vector<16xf32>,
      tpu.vector_store %arg7[%parallel_loop3A_304, %parallel_loop3A_305], %parallel_loop3A_300 {strides = array<i32>} : memref<64x512xf32, #tpu.memory_space<vmem>>, vector<16xf32>,
      %parallel_loop3A_307 = arith.constant 28 : i32
      %parallel_loop3A_308 = vector.broadcast %parallel_loop3A_307 : i32 to vector<16xi32>
      %parallel_loop3A_309 = tpu.vector_load_idx %arg5[%parallel_loop3A_308, %parallel_loop3A_54] : memref<64x128xf32, #tpu.memory_space<vmem>>[vector<16xi32>, vector<16xi32>], vector<16xf32>,
      %parallel_loop3A_310 = arith.constant 16 : i32
      %parallel_loop3A_311 = arith.muli %parallel_loop3A_50, %parallel_loop3A_310 : i32
      %parallel_loop3A_312 = arith.constant 28 : i32
      %parallel_loop3A_313 = arith.index_cast %parallel_loop3A_312 : i32 to index
      %parallel_loop3A_314 = arith.index_cast %parallel_loop3A_311 : i32 to index
      %parallel_loop3A_315 = tpu.vector_load %arg7[%parallel_loop3A_313, %parallel_loop3A_314] {strides = array<i32>} : memref<64x512xf32, #tpu.memory_space<vmem>>, vector<16xf32>,
      tpu.vector_store %arg7[%parallel_loop3A_313, %parallel_loop3A_314], %parallel_loop3A_309 {strides = array<i32>} : memref<64x512xf32, #tpu.memory_space<vmem>>, vector<16xf32>,
      %parallel_loop3A_316 = arith.constant 29 : i32
      %parallel_loop3A_317 = vector.broadcast %parallel_loop3A_316 : i32 to vector<16xi32>
      %parallel_loop3A_318 = tpu.vector_load_idx %arg5[%parallel_loop3A_317, %parallel_loop3A_54] : memref<64x128xf32, #tpu.memory_space<vmem>>[vector<16xi32>, vector<16xi32>], vector<16xf32>,
      %parallel_loop3A_319 = arith.constant 16 : i32
      %parallel_loop3A_320 = arith.muli %parallel_loop3A_50, %parallel_loop3A_319 : i32
      %parallel_loop3A_321 = arith.constant 29 : i32
      %parallel_loop3A_322 = arith.index_cast %parallel_loop3A_321 : i32 to index
      %parallel_loop3A_323 = arith.index_cast %parallel_loop3A_320 : i32 to index
      %parallel_loop3A_324 = tpu.vector_load %arg7[%parallel_loop3A_322, %parallel_loop3A_323] {strides = array<i32>} : memref<64x512xf32, #tpu.memory_space<vmem>>, vector<16xf32>,
      tpu.vector_store %arg7[%parallel_loop3A_322, %parallel_loop3A_323], %parallel_loop3A_318 {strides = array<i32>} : memref<64x512xf32, #tpu.memory_space<vmem>>, vector<16xf32>,
      %parallel_loop3A_325 = arith.constant 30 : i32
      %parallel_loop3A_326 = vector.broadcast %parallel_loop3A_325 : i32 to vector<16xi32>
      %parallel_loop3A_327 = tpu.vector_load_idx %arg5[%parallel_loop3A_326, %parallel_loop3A_54] : memref<64x128xf32, #tpu.memory_space<vmem>>[vector<16xi32>, vector<16xi32>], vector<16xf32>,
      %parallel_loop3A_328 = arith.constant 16 : i32
      %parallel_loop3A_329 = arith.muli %parallel_loop3A_50, %parallel_loop3A_328 : i32
      %parallel_loop3A_330 = arith.constant 30 : i32
      %parallel_loop3A_331 = arith.index_cast %parallel_loop3A_330 : i32 to index
      %parallel_loop3A_332 = arith.index_cast %parallel_loop3A_329 : i32 to index
      %parallel_loop3A_333 = tpu.vector_load %arg7[%parallel_loop3A_331, %parallel_loop3A_332] {strides = array<i32>} : memref<64x512xf32, #tpu.memory_space<vmem>>, vector<16xf32>,
      tpu.vector_store %arg7[%parallel_loop3A_331, %parallel_loop3A_332], %parallel_loop3A_327 {strides = array<i32>} : memref<64x512xf32, #tpu.memory_space<vmem>>, vector<16xf32>,
      %parallel_loop3A_334 = arith.constant 31 : i32
      %parallel_loop3A_335 = vector.broadcast %parallel_loop3A_334 : i32 to vector<16xi32>
      %parallel_loop3A_336 = tpu.vector_load_idx %arg5[%parallel_loop3A_335, %parallel_loop3A_54] : memref<64x128xf32, #tpu.memory_space<vmem>>[vector<16xi32>, vector<16xi32>], vector<16xf32>,
      %parallel_loop3A_337 = arith.constant 16 : i32
      %parallel_loop3A_338 = arith.muli %parallel_loop3A_50, %parallel_loop3A_337 : i32
      %parallel_loop3A_339 = arith.constant 31 : i32
      %parallel_loop3A_340 = arith.index_cast %parallel_loop3A_339 : i32 to index
      %parallel_loop3A_341 = arith.index_cast %parallel_loop3A_338 : i32 to index
      %parallel_loop3A_342 = tpu.vector_load %arg7[%parallel_loop3A_340, %parallel_loop3A_341] {strides = array<i32>} : memref<64x512xf32, #tpu.memory_space<vmem>>, vector<16xf32>,
      tpu.vector_store %arg7[%parallel_loop3A_340, %parallel_loop3A_341], %parallel_loop3A_336 {strides = array<i32>} : memref<64x512xf32, #tpu.memory_space<vmem>>, vector<16xf32>,
      %parallel_loop3A_343 = arith.constant 32 : i32
      %parallel_loop3A_344 = vector.broadcast %parallel_loop3A_343 : i32 to vector<16xi32>
      %parallel_loop3A_345 = tpu.vector_load_idx %arg5[%parallel_loop3A_344, %parallel_loop3A_54] : memref<64x128xf32, #tpu.memory_space<vmem>>[vector<16xi32>, vector<16xi32>], vector<16xf32>,
      %parallel_loop3A_346 = arith.constant 16 : i32
      %parallel_loop3A_347 = arith.muli %parallel_loop3A_50, %parallel_loop3A_346 : i32
      %parallel_loop3A_348 = arith.constant 32 : i32
      %parallel_loop3A_349 = arith.index_cast %parallel_loop3A_348 : i32 to index
      %parallel_loop3A_350 = arith.index_cast %parallel_loop3A_347 : i32 to index
      %parallel_loop3A_351 = tpu.vector_load %arg7[%parallel_loop3A_349, %parallel_loop3A_350] {strides = array<i32>} : memref<64x512xf32, #tpu.memory_space<vmem>>, vector<16xf32>,
      tpu.vector_store %arg7[%parallel_loop3A_349, %parallel_loop3A_350], %parallel_loop3A_345 {strides = array<i32>} : memref<64x512xf32, #tpu.memory_space<vmem>>, vector<16xf32>,
      %parallel_loop3A_352 = arith.constant 33 : i32
      %parallel_loop3A_353 = vector.broadcast %parallel_loop3A_352 : i32 to vector<16xi32>
      %parallel_loop3A_354 = tpu.vector_load_idx %arg5[%parallel_loop3A_353, %parallel_loop3A_54] : memref<64x128xf32, #tpu.memory_space<vmem>>[vector<16xi32>, vector<16xi32>], vector<16xf32>,
      %parallel_loop3A_355 = arith.constant 16 : i32
      %parallel_loop3A_356 = arith.muli %parallel_loop3A_50, %parallel_loop3A_355 : i32
      %parallel_loop3A_357 = arith.constant 33 : i32
      %parallel_loop3A_358 = arith.index_cast %parallel_loop3A_357 : i32 to index
      %parallel_loop3A_359 = arith.index_cast %parallel_loop3A_356 : i32 to index
      %parallel_loop3A_360 = tpu.vector_load %arg7[%parallel_loop3A_358, %parallel_loop3A_359] {strides = array<i32>} : memref<64x512xf32, #tpu.memory_space<vmem>>, vector<16xf32>,
      tpu.vector_store %arg7[%parallel_loop3A_358, %parallel_loop3A_359], %parallel_loop3A_354 {strides = array<i32>} : memref<64x512xf32, #tpu.memory_space<vmem>>, vector<16xf32>,
      %parallel_loop3A_361 = arith.constant 34 : i32
      %parallel_loop3A_362 = vector.broadcast %parallel_loop3A_361 : i32 to vector<16xi32>
      %parallel_loop3A_363 = tpu.vector_load_idx %arg5[%parallel_loop3A_362, %parallel_loop3A_54] : memref<64x128xf32, #tpu.memory_space<vmem>>[vector<16xi32>, vector<16xi32>], vector<16xf32>,
      %parallel_loop3A_364 = arith.constant 16 : i32
      %parallel_loop3A_365 = arith.muli %parallel_loop3A_50, %parallel_loop3A_364 : i32
      %parallel_loop3A_366 = arith.constant 34 : i32
      %parallel_loop3A_367 = arith.index_cast %parallel_loop3A_366 : i32 to index
      %parallel_loop3A_368 = arith.index_cast %parallel_loop3A_365 : i32 to index
      %parallel_loop3A_369 = tpu.vector_load %arg7[%parallel_loop3A_367, %parallel_loop3A_368] {strides = array<i32>} : memref<64x512xf32, #tpu.memory_space<vmem>>, vector<16xf32>,
      tpu.vector_store %arg7[%parallel_loop3A_367, %parallel_loop3A_368], %parallel_loop3A_363 {strides = array<i32>} : memref<64x512xf32, #tpu.memory_space<vmem>>, vector<16xf32>,
      %parallel_loop3A_370 = arith.constant 35 : i32
      %parallel_loop3A_371 = vector.broadcast %parallel_loop3A_370 : i32 to vector<16xi32>
      %parallel_loop3A_372 = tpu.vector_load_idx %arg5[%parallel_loop3A_371, %parallel_loop3A_54] : memref<64x128xf32, #tpu.memory_space<vmem>>[vector<16xi32>, vector<16xi32>], vector<16xf32>,
      %parallel_loop3A_373 = arith.constant 16 : i32
      %parallel_loop3A_374 = arith.muli %parallel_loop3A_50, %parallel_loop3A_373 : i32
      %parallel_loop3A_375 = arith.constant 35 : i32
      %parallel_loop3A_376 = arith.index_cast %parallel_loop3A_375 : i32 to index
      %parallel_loop3A_377 = arith.index_cast %parallel_loop3A_374 : i32 to index
      %parallel_loop3A_378 = tpu.vector_load %arg7[%parallel_loop3A_376, %parallel_loop3A_377] {strides = array<i32>} : memref<64x512xf32, #tpu.memory_space<vmem>>, vector<16xf32>,
      tpu.vector_store %arg7[%parallel_loop3A_376, %parallel_loop3A_377], %parallel_loop3A_372 {strides = array<i32>} : memref<64x512xf32, #tpu.memory_space<vmem>>, vector<16xf32>,
      %parallel_loop3A_379 = arith.constant 36 : i32
      %parallel_loop3A_380 = vector.broadcast %parallel_loop3A_379 : i32 to vector<16xi32>
      %parallel_loop3A_381 = tpu.vector_load_idx %arg5[%parallel_loop3A_380, %parallel_loop3A_54] : memref<64x128xf32, #tpu.memory_space<vmem>>[vector<16xi32>, vector<16xi32>], vector<16xf32>,
      %parallel_loop3A_382 = arith.constant 16 : i32
      %parallel_loop3A_383 = arith.muli %parallel_loop3A_50, %parallel_loop3A_382 : i32
      %parallel_loop3A_384 = arith.constant 36 : i32
      %parallel_loop3A_385 = arith.index_cast %parallel_loop3A_384 : i32 to index
      %parallel_loop3A_386 = arith.index_cast %parallel_loop3A_383 : i32 to index
      %parallel_loop3A_387 = tpu.vector_load %arg7[%parallel_loop3A_385, %parallel_loop3A_386] {strides = array<i32>} : memref<64x512xf32, #tpu.memory_space<vmem>>, vector<16xf32>,
      tpu.vector_store %arg7[%parallel_loop3A_385, %parallel_loop3A_386], %parallel_loop3A_381 {strides = array<i32>} : memref<64x512xf32, #tpu.memory_space<vmem>>, vector<16xf32>,
      %parallel_loop3A_388 = arith.constant 37 : i32
      %parallel_loop3A_389 = vector.broadcast %parallel_loop3A_388 : i32 to vector<16xi32>
      %parallel_loop3A_390 = tpu.vector_load_idx %arg5[%parallel_loop3A_389, %parallel_loop3A_54] : memref<64x128xf32, #tpu.memory_space<vmem>>[vector<16xi32>, vector<16xi32>], vector<16xf32>,
      %parallel_loop3A_391 = arith.constant 16 : i32
      %parallel_loop3A_392 = arith.muli %parallel_loop3A_50, %parallel_loop3A_391 : i32
      %parallel_loop3A_393 = arith.constant 37 : i32
      %parallel_loop3A_394 = arith.index_cast %parallel_loop3A_393 : i32 to index
      %parallel_loop3A_395 = arith.index_cast %parallel_loop3A_392 : i32 to index
      %parallel_loop3A_396 = tpu.vector_load %arg7[%parallel_loop3A_394, %parallel_loop3A_395] {strides = array<i32>} : memref<64x512xf32, #tpu.memory_space<vmem>>, vector<16xf32>,
      tpu.vector_store %arg7[%parallel_loop3A_394, %parallel_loop3A_395], %parallel_loop3A_390 {strides = array<i32>} : memref<64x512xf32, #tpu.memory_space<vmem>>, vector<16xf32>,
      %parallel_loop3A_397 = arith.constant 38 : i32
      %parallel_loop3A_398 = vector.broadcast %parallel_loop3A_397 : i32 to vector<16xi32>
      %parallel_loop3A_399 = tpu.vector_load_idx %arg5[%parallel_loop3A_398, %parallel_loop3A_54] : memref<64x128xf32, #tpu.memory_space<vmem>>[vector<16xi32>, vector<16xi32>], vector<16xf32>,
      %parallel_loop3A_400 = arith.constant 16 : i32
      %parallel_loop3A_401 = arith.muli %parallel_loop3A_50, %parallel_loop3A_400 : i32
      %parallel_loop3A_402 = arith.constant 38 : i32
      %parallel_loop3A_403 = arith.index_cast %parallel_loop3A_402 : i32 to index
      %parallel_loop3A_404 = arith.index_cast %parallel_loop3A_401 : i32 to index
      %parallel_loop3A_405 = tpu.vector_load %arg7[%parallel_loop3A_403, %parallel_loop3A_404] {strides = array<i32>} : memref<64x512xf32, #tpu.memory_space<vmem>>, vector<16xf32>,
      tpu.vector_store %arg7[%parallel_loop3A_403, %parallel_loop3A_404], %parallel_loop3A_399 {strides = array<i32>} : memref<64x512xf32, #tpu.memory_space<vmem>>, vector<16xf32>,
      %parallel_loop3A_406 = arith.constant 39 : i32
      %parallel_loop3A_407 = vector.broadcast %parallel_loop3A_406 : i32 to vector<16xi32>
      %parallel_loop3A_408 = tpu.vector_load_idx %arg5[%parallel_loop3A_407, %parallel_loop3A_54] : memref<64x128xf32, #tpu.memory_space<vmem>>[vector<16xi32>, vector<16xi32>], vector<16xf32>,
      %parallel_loop3A_409 = arith.constant 16 : i32
      %parallel_loop3A_410 = arith.muli %parallel_loop3A_50, %parallel_loop3A_409 : i32
      %parallel_loop3A_411 = arith.constant 39 : i32
      %parallel_loop3A_412 = arith.index_cast %parallel_loop3A_411 : i32 to index
      %parallel_loop3A_413 = arith.index_cast %parallel_loop3A_410 : i32 to index
      %parallel_loop3A_414 = tpu.vector_load %arg7[%parallel_loop3A_412, %parallel_loop3A_413] {strides = array<i32>} : memref<64x512xf32, #tpu.memory_space<vmem>>, vector<16xf32>,
      tpu.vector_store %arg7[%parallel_loop3A_412, %parallel_loop3A_413], %parallel_loop3A_408 {strides = array<i32>} : memref<64x512xf32, #tpu.memory_space<vmem>>, vector<16xf32>,
      %parallel_loop3A_415 = arith.constant 40 : i32
      %parallel_loop3A_416 = vector.broadcast %parallel_loop3A_415 : i32 to vector<16xi32>
      %parallel_loop3A_417 = tpu.vector_load_idx %arg5[%parallel_loop3A_416, %parallel_loop3A_54] : memref<64x128xf32, #tpu.memory_space<vmem>>[vector<16xi32>, vector<16xi32>], vector<16xf32>,
      %parallel_loop3A_418 = arith.constant 16 : i32
      %parallel_loop3A_419 = arith.muli %parallel_loop3A_50, %parallel_loop3A_418 : i32
      %parallel_loop3A_420 = arith.constant 40 : i32
      %parallel_loop3A_421 = arith.index_cast %parallel_loop3A_420 : i32 to index
      %parallel_loop3A_422 = arith.index_cast %parallel_loop3A_419 : i32 to index
      %parallel_loop3A_423 = tpu.vector_load %arg7[%parallel_loop3A_421, %parallel_loop3A_422] {strides = array<i32>} : memref<64x512xf32, #tpu.memory_space<vmem>>, vector<16xf32>,
      tpu.vector_store %arg7[%parallel_loop3A_421, %parallel_loop3A_422], %parallel_loop3A_417 {strides = array<i32>} : memref<64x512xf32, #tpu.memory_space<vmem>>, vector<16xf32>,
      %parallel_loop3A_424 = arith.constant 41 : i32
      %parallel_loop3A_425 = vector.broadcast %parallel_loop3A_424 : i32 to vector<16xi32>
      %parallel_loop3A_426 = tpu.vector_load_idx %arg5[%parallel_loop3A_425, %parallel_loop3A_54] : memref<64x128xf32, #tpu.memory_space<vmem>>[vector<16xi32>, vector<16xi32>], vector<16xf32>,
      %parallel_loop3A_427 = arith.constant 16 : i32
      %parallel_loop3A_428 = arith.muli %parallel_loop3A_50, %parallel_loop3A_427 : i32
      %parallel_loop3A_429 = arith.constant 41 : i32
      %parallel_loop3A_430 = arith.index_cast %parallel_loop3A_429 : i32 to index
      %parallel_loop3A_431 = arith.index_cast %parallel_loop3A_428 : i32 to index
      %parallel_loop3A_432 = tpu.vector_load %arg7[%parallel_loop3A_430, %parallel_loop3A_431] {strides = array<i32>} : memref<64x512xf32, #tpu.memory_space<vmem>>, vector<16xf32>,
      tpu.vector_store %arg7[%parallel_loop3A_430, %parallel_loop3A_431], %parallel_loop3A_426 {strides = array<i32>} : memref<64x512xf32, #tpu.memory_space<vmem>>, vector<16xf32>,
      %parallel_loop3A_433 = arith.constant 42 : i32
      %parallel_loop3A_434 = vector.broadcast %parallel_loop3A_433 : i32 to vector<16xi32>
      %parallel_loop3A_435 = tpu.vector_load_idx %arg5[%parallel_loop3A_434, %parallel_loop3A_54] : memref<64x128xf32, #tpu.memory_space<vmem>>[vector<16xi32>, vector<16xi32>], vector<16xf32>,
      %parallel_loop3A_436 = arith.constant 16 : i32
      %parallel_loop3A_437 = arith.muli %parallel_loop3A_50, %parallel_loop3A_436 : i32
      %parallel_loop3A_438 = arith.constant 42 : i32
      %parallel_loop3A_439 = arith.index_cast %parallel_loop3A_438 : i32 to index
      %parallel_loop3A_440 = arith.index_cast %parallel_loop3A_437 : i32 to index
      %parallel_loop3A_441 = tpu.vector_load %arg7[%parallel_loop3A_439, %parallel_loop3A_440] {strides = array<i32>} : memref<64x512xf32, #tpu.memory_space<vmem>>, vector<16xf32>,
      tpu.vector_store %arg7[%parallel_loop3A_439, %parallel_loop3A_440], %parallel_loop3A_435 {strides = array<i32>} : memref<64x512xf32, #tpu.memory_space<vmem>>, vector<16xf32>,
      %parallel_loop3A_442 = arith.constant 43 : i32
      %parallel_loop3A_443 = vector.broadcast %parallel_loop3A_442 : i32 to vector<16xi32>
      %parallel_loop3A_444 = tpu.vector_load_idx %arg5[%parallel_loop3A_443, %parallel_loop3A_54] : memref<64x128xf32, #tpu.memory_space<vmem>>[vector<16xi32>, vector<16xi32>], vector<16xf32>,
      %parallel_loop3A_445 = arith.constant 16 : i32
      %parallel_loop3A_446 = arith.muli %parallel_loop3A_50, %parallel_loop3A_445 : i32
      %parallel_loop3A_447 = arith.constant 43 : i32
      %parallel_loop3A_448 = arith.index_cast %parallel_loop3A_447 : i32 to index
      %parallel_loop3A_449 = arith.index_cast %parallel_loop3A_446 : i32 to index
      %parallel_loop3A_450 = tpu.vector_load %arg7[%parallel_loop3A_448, %parallel_loop3A_449] {strides = array<i32>} : memref<64x512xf32, #tpu.memory_space<vmem>>, vector<16xf32>,
      tpu.vector_store %arg7[%parallel_loop3A_448, %parallel_loop3A_449], %parallel_loop3A_444 {strides = array<i32>} : memref<64x512xf32, #tpu.memory_space<vmem>>, vector<16xf32>,
      %parallel_loop3A_451 = arith.constant 44 : i32
      %parallel_loop3A_452 = vector.broadcast %parallel_loop3A_451 : i32 to vector<16xi32>
      %parallel_loop3A_453 = tpu.vector_load_idx %arg5[%parallel_loop3A_452, %parallel_loop3A_54] : memref<64x128xf32, #tpu.memory_space<vmem>>[vector<16xi32>, vector<16xi32>], vector<16xf32>,
      %parallel_loop3A_454 = arith.constant 16 : i32
      %parallel_loop3A_455 = arith.muli %parallel_loop3A_50, %parallel_loop3A_454 : i32
      %parallel_loop3A_456 = arith.constant 44 : i32
      %parallel_loop3A_457 = arith.index_cast %parallel_loop3A_456 : i32 to index
      %parallel_loop3A_458 = arith.index_cast %parallel_loop3A_455 : i32 to index
      %parallel_loop3A_459 = tpu.vector_load %arg7[%parallel_loop3A_457, %parallel_loop3A_458] {strides = array<i32>} : memref<64x512xf32, #tpu.memory_space<vmem>>, vector<16xf32>,
      tpu.vector_store %arg7[%parallel_loop3A_457, %parallel_loop3A_458], %parallel_loop3A_453 {strides = array<i32>} : memref<64x512xf32, #tpu.memory_space<vmem>>, vector<16xf32>,
      %parallel_loop3A_460 = arith.constant 45 : i32
      %parallel_loop3A_461 = vector.broadcast %parallel_loop3A_460 : i32 to vector<16xi32>
      %parallel_loop3A_462 = tpu.vector_load_idx %arg5[%parallel_loop3A_461, %parallel_loop3A_54] : memref<64x128xf32, #tpu.memory_space<vmem>>[vector<16xi32>, vector<16xi32>], vector<16xf32>,
      %parallel_loop3A_463 = arith.constant 16 : i32
      %parallel_loop3A_464 = arith.muli %parallel_loop3A_50, %parallel_loop3A_463 : i32
      %parallel_loop3A_465 = arith.constant 45 : i32
      %parallel_loop3A_466 = arith.index_cast %parallel_loop3A_465 : i32 to index
      %parallel_loop3A_467 = arith.index_cast %parallel_loop3A_464 : i32 to index
      %parallel_loop3A_468 = tpu.vector_load %arg7[%parallel_loop3A_466, %parallel_loop3A_467] {strides = array<i32>} : memref<64x512xf32, #tpu.memory_space<vmem>>, vector<16xf32>,
      tpu.vector_store %arg7[%parallel_loop3A_466, %parallel_loop3A_467], %parallel_loop3A_462 {strides = array<i32>} : memref<64x512xf32, #tpu.memory_space<vmem>>, vector<16xf32>,
      %parallel_loop3A_469 = arith.constant 46 : i32
      %parallel_loop3A_470 = vector.broadcast %parallel_loop3A_469 : i32 to vector<16xi32>
      %parallel_loop3A_471 = tpu.vector_load_idx %arg5[%parallel_loop3A_470, %parallel_loop3A_54] : memref<64x128xf32, #tpu.memory_space<vmem>>[vector<16xi32>, vector<16xi32>], vector<16xf32>,
      %parallel_loop3A_472 = arith.constant 16 : i32
      %parallel_loop3A_473 = arith.muli %parallel_loop3A_50, %parallel_loop3A_472 : i32
      %parallel_loop3A_474 = arith.constant 46 : i32
      %parallel_loop3A_475 = arith.index_cast %parallel_loop3A_474 : i32 to index
      %parallel_loop3A_476 = arith.index_cast %parallel_loop3A_473 : i32 to index
      %parallel_loop3A_477 = tpu.vector_load %arg7[%parallel_loop3A_475, %parallel_loop3A_476] {strides = array<i32>} : memref<64x512xf32, #tpu.memory_space<vmem>>, vector<16xf32>,
      tpu.vector_store %arg7[%parallel_loop3A_475, %parallel_loop3A_476], %parallel_loop3A_471 {strides = array<i32>} : memref<64x512xf32, #tpu.memory_space<vmem>>, vector<16xf32>,
      %parallel_loop3A_478 = arith.constant 47 : i32
      %parallel_loop3A_479 = vector.broadcast %parallel_loop3A_478 : i32 to vector<16xi32>
      %parallel_loop3A_480 = tpu.vector_load_idx %arg5[%parallel_loop3A_479, %parallel_loop3A_54] : memref<64x128xf32, #tpu.memory_space<vmem>>[vector<16xi32>, vector<16xi32>], vector<16xf32>,
      %parallel_loop3A_481 = arith.constant 16 : i32
      %parallel_loop3A_482 = arith.muli %parallel_loop3A_50, %parallel_loop3A_481 : i32
      %parallel_loop3A_483 = arith.constant 47 : i32
      %parallel_loop3A_484 = arith.index_cast %parallel_loop3A_483 : i32 to index
      %parallel_loop3A_485 = arith.index_cast %parallel_loop3A_482 : i32 to index
      %parallel_loop3A_486 = tpu.vector_load %arg7[%parallel_loop3A_484, %parallel_loop3A_485] {strides = array<i32>} : memref<64x512xf32, #tpu.memory_space<vmem>>, vector<16xf32>,
      tpu.vector_store %arg7[%parallel_loop3A_484, %parallel_loop3A_485], %parallel_loop3A_480 {strides = array<i32>} : memref<64x512xf32, #tpu.memory_space<vmem>>, vector<16xf32>,
      %parallel_loop3A_487 = arith.constant 48 : i32
      %parallel_loop3A_488 = vector.broadcast %parallel_loop3A_487 : i32 to vector<16xi32>
      %parallel_loop3A_489 = tpu.vector_load_idx %arg5[%parallel_loop3A_488, %parallel_loop3A_54] : memref<64x128xf32, #tpu.memory_space<vmem>>[vector<16xi32>, vector<16xi32>], vector<16xf32>,
      %parallel_loop3A_490 = arith.constant 16 : i32
      %parallel_loop3A_491 = arith.muli %parallel_loop3A_50, %parallel_loop3A_490 : i32
      %parallel_loop3A_492 = arith.constant 48 : i32
      %parallel_loop3A_493 = arith.index_cast %parallel_loop3A_492 : i32 to index
      %parallel_loop3A_494 = arith.index_cast %parallel_loop3A_491 : i32 to index
      %parallel_loop3A_495 = tpu.vector_load %arg7[%parallel_loop3A_493, %parallel_loop3A_494] {strides = array<i32>} : memref<64x512xf32, #tpu.memory_space<vmem>>, vector<16xf32>,
      tpu.vector_store %arg7[%parallel_loop3A_493, %parallel_loop3A_494], %parallel_loop3A_489 {strides = array<i32>} : memref<64x512xf32, #tpu.memory_space<vmem>>, vector<16xf32>,
      %parallel_loop3A_496 = arith.constant 49 : i32
      %parallel_loop3A_497 = vector.broadcast %parallel_loop3A_496 : i32 to vector<16xi32>
      %parallel_loop3A_498 = tpu.vector_load_idx %arg5[%parallel_loop3A_497, %parallel_loop3A_54] : memref<64x128xf32, #tpu.memory_space<vmem>>[vector<16xi32>, vector<16xi32>], vector<16xf32>,
      %parallel_loop3A_499 = arith.constant 16 : i32
      %parallel_loop3A_500 = arith.muli %parallel_loop3A_50, %parallel_loop3A_499 : i32
      %parallel_loop3A_501 = arith.constant 49 : i32
      %parallel_loop3A_502 = arith.index_cast %parallel_loop3A_501 : i32 to index
      %parallel_loop3A_503 = arith.index_cast %parallel_loop3A_500 : i32 to index
      %parallel_loop3A_504 = tpu.vector_load %arg7[%parallel_loop3A_502, %parallel_loop3A_503] {strides = array<i32>} : memref<64x512xf32, #tpu.memory_space<vmem>>, vector<16xf32>,
      tpu.vector_store %arg7[%parallel_loop3A_502, %parallel_loop3A_503], %parallel_loop3A_498 {strides = array<i32>} : memref<64x512xf32, #tpu.memory_space<vmem>>, vector<16xf32>,
      %parallel_loop3A_505 = arith.constant 50 : i32
      %parallel_loop3A_506 = vector.broadcast %parallel_loop3A_505 : i32 to vector<16xi32>
      %parallel_loop3A_507 = tpu.vector_load_idx %arg5[%parallel_loop3A_506, %parallel_loop3A_54] : memref<64x128xf32, #tpu.memory_space<vmem>>[vector<16xi32>, vector<16xi32>], vector<16xf32>,
      %parallel_loop3A_508 = arith.constant 16 : i32
      %parallel_loop3A_509 = arith.muli %parallel_loop3A_50, %parallel_loop3A_508 : i32
      %parallel_loop3A_510 = arith.constant 50 : i32
      %parallel_loop3A_511 = arith.index_cast %parallel_loop3A_510 : i32 to index
      %parallel_loop3A_512 = arith.index_cast %parallel_loop3A_509 : i32 to index
      %parallel_loop3A_513 = tpu.vector_load %arg7[%parallel_loop3A_511, %parallel_loop3A_512] {strides = array<i32>} : memref<64x512xf32, #tpu.memory_space<vmem>>, vector<16xf32>,
      tpu.vector_store %arg7[%parallel_loop3A_511, %parallel_loop3A_512], %parallel_loop3A_507 {strides = array<i32>} : memref<64x512xf32, #tpu.memory_space<vmem>>, vector<16xf32>,
      %parallel_loop3A_514 = arith.constant 51 : i32
      %parallel_loop3A_515 = vector.broadcast %parallel_loop3A_514 : i32 to vector<16xi32>
      %parallel_loop3A_516 = tpu.vector_load_idx %arg5[%parallel_loop3A_515, %parallel_loop3A_54] : memref<64x128xf32, #tpu.memory_space<vmem>>[vector<16xi32>, vector<16xi32>], vector<16xf32>,
      %parallel_loop3A_517 = arith.constant 16 : i32
      %parallel_loop3A_518 = arith.muli %parallel_loop3A_50, %parallel_loop3A_517 : i32
      %parallel_loop3A_519 = arith.constant 51 : i32
      %parallel_loop3A_520 = arith.index_cast %parallel_loop3A_519 : i32 to index
      %parallel_loop3A_521 = arith.index_cast %parallel_loop3A_518 : i32 to index
      %parallel_loop3A_522 = tpu.vector_load %arg7[%parallel_loop3A_520, %parallel_loop3A_521] {strides = array<i32>} : memref<64x512xf32, #tpu.memory_space<vmem>>, vector<16xf32>,
      tpu.vector_store %arg7[%parallel_loop3A_520, %parallel_loop3A_521], %parallel_loop3A_516 {strides = array<i32>} : memref<64x512xf32, #tpu.memory_space<vmem>>, vector<16xf32>,
      %parallel_loop3A_523 = arith.constant 52 : i32
      %parallel_loop3A_524 = vector.broadcast %parallel_loop3A_523 : i32 to vector<16xi32>
      %parallel_loop3A_525 = tpu.vector_load_idx %arg5[%parallel_loop3A_524, %parallel_loop3A_54] : memref<64x128xf32, #tpu.memory_space<vmem>>[vector<16xi32>, vector<16xi32>], vector<16xf32>,
      %parallel_loop3A_526 = arith.constant 16 : i32
      %parallel_loop3A_527 = arith.muli %parallel_loop3A_50, %parallel_loop3A_526 : i32
      %parallel_loop3A_528 = arith.constant 52 : i32
      %parallel_loop3A_529 = arith.index_cast %parallel_loop3A_528 : i32 to index
      %parallel_loop3A_530 = arith.index_cast %parallel_loop3A_527 : i32 to index
      %parallel_loop3A_531 = tpu.vector_load %arg7[%parallel_loop3A_529, %parallel_loop3A_530] {strides = array<i32>} : memref<64x512xf32, #tpu.memory_space<vmem>>, vector<16xf32>,
      tpu.vector_store %arg7[%parallel_loop3A_529, %parallel_loop3A_530], %parallel_loop3A_525 {strides = array<i32>} : memref<64x512xf32, #tpu.memory_space<vmem>>, vector<16xf32>,
      %parallel_loop3A_532 = arith.constant 53 : i32
      %parallel_loop3A_533 = vector.broadcast %parallel_loop3A_532 : i32 to vector<16xi32>
      %parallel_loop3A_534 = tpu.vector_load_idx %arg5[%parallel_loop3A_533, %parallel_loop3A_54] : memref<64x128xf32, #tpu.memory_space<vmem>>[vector<16xi32>, vector<16xi32>], vector<16xf32>,
      %parallel_loop3A_535 = arith.constant 16 : i32
      %parallel_loop3A_536 = arith.muli %parallel_loop3A_50, %parallel_loop3A_535 : i32
      %parallel_loop3A_537 = arith.constant 53 : i32
      %parallel_loop3A_538 = arith.index_cast %parallel_loop3A_537 : i32 to index
      %parallel_loop3A_539 = arith.index_cast %parallel_loop3A_536 : i32 to index
      %parallel_loop3A_540 = tpu.vector_load %arg7[%parallel_loop3A_538, %parallel_loop3A_539] {strides = array<i32>} : memref<64x512xf32, #tpu.memory_space<vmem>>, vector<16xf32>,
      tpu.vector_store %arg7[%parallel_loop3A_538, %parallel_loop3A_539], %parallel_loop3A_534 {strides = array<i32>} : memref<64x512xf32, #tpu.memory_space<vmem>>, vector<16xf32>,
      %parallel_loop3A_541 = arith.constant 54 : i32
      %parallel_loop3A_542 = vector.broadcast %parallel_loop3A_541 : i32 to vector<16xi32>
      %parallel_loop3A_543 = tpu.vector_load_idx %arg5[%parallel_loop3A_542, %parallel_loop3A_54] : memref<64x128xf32, #tpu.memory_space<vmem>>[vector<16xi32>, vector<16xi32>], vector<16xf32>,
      %parallel_loop3A_544 = arith.constant 16 : i32
      %parallel_loop3A_545 = arith.muli %parallel_loop3A_50, %parallel_loop3A_544 : i32
      %parallel_loop3A_546 = arith.constant 54 : i32
      %parallel_loop3A_547 = arith.index_cast %parallel_loop3A_546 : i32 to index
      %parallel_loop3A_548 = arith.index_cast %parallel_loop3A_545 : i32 to index
      %parallel_loop3A_549 = tpu.vector_load %arg7[%parallel_loop3A_547, %parallel_loop3A_548] {strides = array<i32>} : memref<64x512xf32, #tpu.memory_space<vmem>>, vector<16xf32>,
      tpu.vector_store %arg7[%parallel_loop3A_547, %parallel_loop3A_548], %parallel_loop3A_543 {strides = array<i32>} : memref<64x512xf32, #tpu.memory_space<vmem>>, vector<16xf32>,
      %parallel_loop3A_550 = arith.constant 55 : i32
      %parallel_loop3A_551 = vector.broadcast %parallel_loop3A_550 : i32 to vector<16xi32>
      %parallel_loop3A_552 = tpu.vector_load_idx %arg5[%parallel_loop3A_551, %parallel_loop3A_54] : memref<64x128xf32, #tpu.memory_space<vmem>>[vector<16xi32>, vector<16xi32>], vector<16xf32>,
      %parallel_loop3A_553 = arith.constant 16 : i32
      %parallel_loop3A_554 = arith.muli %parallel_loop3A_50, %parallel_loop3A_553 : i32
      %parallel_loop3A_555 = arith.constant 55 : i32
      %parallel_loop3A_556 = arith.index_cast %parallel_loop3A_555 : i32 to index
      %parallel_loop3A_557 = arith.index_cast %parallel_loop3A_554 : i32 to index
      %parallel_loop3A_558 = tpu.vector_load %arg7[%parallel_loop3A_556, %parallel_loop3A_557] {strides = array<i32>} : memref<64x512xf32, #tpu.memory_space<vmem>>, vector<16xf32>,
      tpu.vector_store %arg7[%parallel_loop3A_556, %parallel_loop3A_557], %parallel_loop3A_552 {strides = array<i32>} : memref<64x512xf32, #tpu.memory_space<vmem>>, vector<16xf32>,
      %parallel_loop3A_559 = arith.constant 56 : i32
      %parallel_loop3A_560 = vector.broadcast %parallel_loop3A_559 : i32 to vector<16xi32>
      %parallel_loop3A_561 = tpu.vector_load_idx %arg5[%parallel_loop3A_560, %parallel_loop3A_54] : memref<64x128xf32, #tpu.memory_space<vmem>>[vector<16xi32>, vector<16xi32>], vector<16xf32>,
      %parallel_loop3A_562 = arith.constant 16 : i32
      %parallel_loop3A_563 = arith.muli %parallel_loop3A_50, %parallel_loop3A_562 : i32
      %parallel_loop3A_564 = arith.constant 56 : i32
      %parallel_loop3A_565 = arith.index_cast %parallel_loop3A_564 : i32 to index
      %parallel_loop3A_566 = arith.index_cast %parallel_loop3A_563 : i32 to index
      %parallel_loop3A_567 = tpu.vector_load %arg7[%parallel_loop3A_565, %parallel_loop3A_566] {strides = array<i32>} : memref<64x512xf32, #tpu.memory_space<vmem>>, vector<16xf32>,
      tpu.vector_store %arg7[%parallel_loop3A_565, %parallel_loop3A_566], %parallel_loop3A_561 {strides = array<i32>} : memref<64x512xf32, #tpu.memory_space<vmem>>, vector<16xf32>,
      %parallel_loop3A_568 = arith.constant 57 : i32
      %parallel_loop3A_569 = vector.broadcast %parallel_loop3A_568 : i32 to vector<16xi32>
      %parallel_loop3A_570 = tpu.vector_load_idx %arg5[%parallel_loop3A_569, %parallel_loop3A_54] : memref<64x128xf32, #tpu.memory_space<vmem>>[vector<16xi32>, vector<16xi32>], vector<16xf32>,
      %parallel_loop3A_571 = arith.constant 16 : i32
      %parallel_loop3A_572 = arith.muli %parallel_loop3A_50, %parallel_loop3A_571 : i32
      %parallel_loop3A_573 = arith.constant 57 : i32
      %parallel_loop3A_574 = arith.index_cast %parallel_loop3A_573 : i32 to index
      %parallel_loop3A_575 = arith.index_cast %parallel_loop3A_572 : i32 to index
      %parallel_loop3A_576 = tpu.vector_load %arg7[%parallel_loop3A_574, %parallel_loop3A_575] {strides = array<i32>} : memref<64x512xf32, #tpu.memory_space<vmem>>, vector<16xf32>,
      tpu.vector_store %arg7[%parallel_loop3A_574, %parallel_loop3A_575], %parallel_loop3A_570 {strides = array<i32>} : memref<64x512xf32, #tpu.memory_space<vmem>>, vector<16xf32>,
      %parallel_loop3A_577 = arith.constant 58 : i32
      %parallel_loop3A_578 = vector.broadcast %parallel_loop3A_577 : i32 to vector<16xi32>
      %parallel_loop3A_579 = tpu.vector_load_idx %arg5[%parallel_loop3A_578, %parallel_loop3A_54] : memref<64x128xf32, #tpu.memory_space<vmem>>[vector<16xi32>, vector<16xi32>], vector<16xf32>,
      %parallel_loop3A_580 = arith.constant 16 : i32
      %parallel_loop3A_581 = arith.muli %parallel_loop3A_50, %parallel_loop3A_580 : i32
      %parallel_loop3A_582 = arith.constant 58 : i32
      %parallel_loop3A_583 = arith.index_cast %parallel_loop3A_582 : i32 to index
      %parallel_loop3A_584 = arith.index_cast %parallel_loop3A_581 : i32 to index
      %parallel_loop3A_585 = tpu.vector_load %arg7[%parallel_loop3A_583, %parallel_loop3A_584] {strides = array<i32>} : memref<64x512xf32, #tpu.memory_space<vmem>>, vector<16xf32>,
      tpu.vector_store %arg7[%parallel_loop3A_583, %parallel_loop3A_584], %parallel_loop3A_579 {strides = array<i32>} : memref<64x512xf32, #tpu.memory_space<vmem>>, vector<16xf32>,
      %parallel_loop3A_586 = arith.constant 59 : i32
      %parallel_loop3A_587 = vector.broadcast %parallel_loop3A_586 : i32 to vector<16xi32>
      %parallel_loop3A_588 = tpu.vector_load_idx %arg5[%parallel_loop3A_587, %parallel_loop3A_54] : memref<64x128xf32, #tpu.memory_space<vmem>>[vector<16xi32>, vector<16xi32>], vector<16xf32>,
      %parallel_loop3A_589 = arith.constant 16 : i32
      %parallel_loop3A_590 = arith.muli %parallel_loop3A_50, %parallel_loop3A_589 : i32
      %parallel_loop3A_591 = arith.constant 59 : i32
      %parallel_loop3A_592 = arith.index_cast %parallel_loop3A_591 : i32 to index
      %parallel_loop3A_593 = arith.index_cast %parallel_loop3A_590 : i32 to index
      %parallel_loop3A_594 = tpu.vector_load %arg7[%parallel_loop3A_592, %parallel_loop3A_593] {strides = array<i32>} : memref<64x512xf32, #tpu.memory_space<vmem>>, vector<16xf32>,
      tpu.vector_store %arg7[%parallel_loop3A_592, %parallel_loop3A_593], %parallel_loop3A_588 {strides = array<i32>} : memref<64x512xf32, #tpu.memory_space<vmem>>, vector<16xf32>,
      %parallel_loop3A_595 = arith.constant 60 : i32
      %parallel_loop3A_596 = vector.broadcast %parallel_loop3A_595 : i32 to vector<16xi32>
      %parallel_loop3A_597 = tpu.vector_load_idx %arg5[%parallel_loop3A_596, %parallel_loop3A_54] : memref<64x128xf32, #tpu.memory_space<vmem>>[vector<16xi32>, vector<16xi32>], vector<16xf32>,
      %parallel_loop3A_598 = arith.constant 16 : i32
      %parallel_loop3A_599 = arith.muli %parallel_loop3A_50, %parallel_loop3A_598 : i32
      %parallel_loop3A_600 = arith.constant 60 : i32
      %parallel_loop3A_601 = arith.index_cast %parallel_loop3A_600 : i32 to index
      %parallel_loop3A_602 = arith.index_cast %parallel_loop3A_599 : i32 to index
      %parallel_loop3A_603 = tpu.vector_load %arg7[%parallel_loop3A_601, %parallel_loop3A_602] {strides = array<i32>} : memref<64x512xf32, #tpu.memory_space<vmem>>, vector<16xf32>,
      tpu.vector_store %arg7[%parallel_loop3A_601, %parallel_loop3A_602], %parallel_loop3A_597 {strides = array<i32>} : memref<64x512xf32, #tpu.memory_space<vmem>>, vector<16xf32>,
      %parallel_loop3A_604 = arith.constant 61 : i32
      %parallel_loop3A_605 = vector.broadcast %parallel_loop3A_604 : i32 to vector<16xi32>
      %parallel_loop3A_606 = tpu.vector_load_idx %arg5[%parallel_loop3A_605, %parallel_loop3A_54] : memref<64x128xf32, #tpu.memory_space<vmem>>[vector<16xi32>, vector<16xi32>], vector<16xf32>,
      %parallel_loop3A_607 = arith.constant 16 : i32
      %parallel_loop3A_608 = arith.muli %parallel_loop3A_50, %parallel_loop3A_607 : i32
      %parallel_loop3A_609 = arith.constant 61 : i32
      %parallel_loop3A_610 = arith.index_cast %parallel_loop3A_609 : i32 to index
      %parallel_loop3A_611 = arith.index_cast %parallel_loop3A_608 : i32 to index
      %parallel_loop3A_612 = tpu.vector_load %arg7[%parallel_loop3A_610, %parallel_loop3A_611] {strides = array<i32>} : memref<64x512xf32, #tpu.memory_space<vmem>>, vector<16xf32>,
      tpu.vector_store %arg7[%parallel_loop3A_610, %parallel_loop3A_611], %parallel_loop3A_606 {strides = array<i32>} : memref<64x512xf32, #tpu.memory_space<vmem>>, vector<16xf32>,
      %parallel_loop3A_613 = arith.constant 62 : i32
      %parallel_loop3A_614 = vector.broadcast %parallel_loop3A_613 : i32 to vector<16xi32>
      %parallel_loop3A_615 = tpu.vector_load_idx %arg5[%parallel_loop3A_614, %parallel_loop3A_54] : memref<64x128xf32, #tpu.memory_space<vmem>>[vector<16xi32>, vector<16xi32>], vector<16xf32>,
      %parallel_loop3A_616 = arith.constant 16 : i32
      %parallel_loop3A_617 = arith.muli %parallel_loop3A_50, %parallel_loop3A_616 : i32
      %parallel_loop3A_618 = arith.constant 62 : i32
      %parallel_loop3A_619 = arith.index_cast %parallel_loop3A_618 : i32 to index
      %parallel_loop3A_620 = arith.index_cast %parallel_loop3A_617 : i32 to index
      %parallel_loop3A_621 = tpu.vector_load %arg7[%parallel_loop3A_619, %parallel_loop3A_620] {strides = array<i32>} : memref<64x512xf32, #tpu.memory_space<vmem>>, vector<16xf32>,
      tpu.vector_store %arg7[%parallel_loop3A_619, %parallel_loop3A_620], %parallel_loop3A_615 {strides = array<i32>} : memref<64x512xf32, #tpu.memory_space<vmem>>, vector<16xf32>,
      %parallel_loop3A_622 = arith.constant 63 : i32
      %parallel_loop3A_623 = vector.broadcast %parallel_loop3A_622 : i32 to vector<16xi32>
      %parallel_loop3A_624 = tpu.vector_load_idx %arg5[%parallel_loop3A_623, %parallel_loop3A_54] : memref<64x128xf32, #tpu.memory_space<vmem>>[vector<16xi32>, vector<16xi32>], vector<16xf32>,
      %parallel_loop3A_625 = arith.constant 16 : i32
      %parallel_loop3A_626 = arith.muli %parallel_loop3A_50, %parallel_loop3A_625 : i32
      %parallel_loop3A_627 = arith.constant 63 : i32
      %parallel_loop3A_628 = arith.index_cast %parallel_loop3A_627 : i32 to index
      %parallel_loop3A_629 = arith.index_cast %parallel_loop3A_626 : i32 to index
      %parallel_loop3A_630 = tpu.vector_load %arg7[%parallel_loop3A_628, %parallel_loop3A_629] {strides = array<i32>} : memref<64x512xf32, #tpu.memory_space<vmem>>, vector<16xf32>,
      tpu.vector_store %arg7[%parallel_loop3A_628, %parallel_loop3A_629], %parallel_loop3A_624 {strides = array<i32>} : memref<64x512xf32, #tpu.memory_space<vmem>>, vector<16xf32>,
    } {sc.loop_unroll_factor = 4 : i64, sc.parallel_access}
    %add3A_19 = arith.constant 256 : i32
    %add3A_20 = arith.addi %mul3A_2, %add3A_19 : i32
    %dma_start3A_21 = arith.constant 0 : i32
    %dma_start3A_22 = arith.constant 256 : i32
    %dma_start3A_23 = tpu.memref_slice %arg7[%dma_start3A_21, %dma_start3A_22] : memref<64x512xf32, #tpu.memory_space<vmem>> -> memref<64x256xf32, #tpu.memory_space<vmem>>
    %dma_start3A_24 = arith.constant 0 : i32
    %dma_start3A_25 = tpu.memref_slice %arg4[%dma_start3A_24, %add3A_20] : memref<64x16384xf32, #tpu.memory_space<hbm>> -> memref<64x256xf32, #tpu.memory_space<hbm>>
    %dma_start3A_26 = arith.constant 0 : i32
    %dma_start3A_27 = tpu.memref_slice %arg4[%dma_start3A_26, %add3A_20] : memref<64x16384xf32, #tpu.memory_space<hbm>> -> memref<64x256xf32, #tpu.memory_space<hbm>>
    %dma_start3A_28 = arith.constant 0 : i32
    %dma_start3A_29 = arith.constant 256 : i32
    %dma_start3A_30 = tpu.memref_slice %arg7[%dma_start3A_28, %dma_start3A_29] : memref<64x512xf32, #tpu.memory_space<vmem>> -> memref<64x256xf32, #tpu.memory_space<vmem>>
    tpu.enqueue_dma source(%dma_start3A_30 : memref<64x256xf32, #tpu.memory_space<vmem>>) target(%dma_start3A_27 : memref<64x256xf32, #tpu.memory_space<hbm>>) target_semaphore(%arg8 : memref<!tpu.dma_semaphore, #tpu.memory_space<semaphore_mem>>)
    %dma_wait3A = arith.constant 0 : i32
    %dma_wait3A_31 = arith.constant 0 : i32
    %dma_wait3A_32 = tpu.memref_slice %arg7[%dma_wait3A, %dma_wait3A_31] : memref<64x512xf32, #tpu.memory_space<vmem>> -> memref<64x256xf32, #tpu.memory_space<vmem>>
    %dma_wait3A_33 = arith.constant 0 : i32
    %dma_wait3A_34 = tpu.memref_slice %arg4[%dma_wait3A_33, %add3A_6] : memref<64x16384xf32, #tpu.memory_space<hbm>> -> memref<64x256xf32, #tpu.memory_space<hbm>>
    %dma_wait3A_35 = arith.constant 0 : i32
    %dma_wait3A_36 = tpu.memref_slice %arg4[%dma_wait3A_35, %add3A_6] : memref<64x16384xf32, #tpu.memory_space<hbm>> -> memref<64x256xf32, #tpu.memory_space<hbm>>
    %dma_wait3A_37 = arith.constant 0 : i32
    %dma_wait3A_38 = arith.constant 0 : i32
    %dma_wait3A_39 = tpu.memref_slice %arg7[%dma_wait3A_37, %dma_wait3A_38] : memref<64x512xf32, #tpu.memory_space<vmem>> -> memref<64x256xf32, #tpu.memory_space<vmem>>
    tpu.wait_dma2 semaphore(%arg8 : memref<!tpu.dma_semaphore, #tpu.memory_space<semaphore_mem>>) src(%dma_wait3A_39 : memref<64x256xf32, #tpu.memory_space<vmem>>) dst(%dma_wait3A_36 : memref<64x256xf32, #tpu.memory_space<hbm>>)
    %dma_wait3A_40 = arith.constant 0 : i32
    %dma_wait3A_41 = arith.constant 256 : i32
    %dma_wait3A_42 = tpu.memref_slice %arg7[%dma_wait3A_40, %dma_wait3A_41] : memref<64x512xf32, #tpu.memory_space<vmem>> -> memref<64x256xf32, #tpu.memory_space<vmem>>
    %dma_wait3A_43 = arith.constant 0 : i32
    %dma_wait3A_44 = tpu.memref_slice %arg4[%dma_wait3A_43, %add3A_20] : memref<64x16384xf32, #tpu.memory_space<hbm>> -> memref<64x256xf32, #tpu.memory_space<hbm>>
    %dma_wait3A_45 = arith.constant 0 : i32
    %dma_wait3A_46 = tpu.memref_slice %arg4[%dma_wait3A_45, %add3A_20] : memref<64x16384xf32, #tpu.memory_space<hbm>> -> memref<64x256xf32, #tpu.memory_space<hbm>>
    %dma_wait3A_47 = arith.constant 0 : i32
    %dma_wait3A_48 = arith.constant 256 : i32
    %dma_wait3A_49 = tpu.memref_slice %arg7[%dma_wait3A_47, %dma_wait3A_48] : memref<64x512xf32, #tpu.memory_space<vmem>> -> memref<64x256xf32, #tpu.memory_space<vmem>>
    tpu.wait_dma2 semaphore(%arg8 : memref<!tpu.dma_semaphore, #tpu.memory_space<semaphore_mem>>) src(%dma_wait3A_49 : memref<64x256xf32, #tpu.memory_space<vmem>>) dst(%dma_wait3A_46 : memref<64x256xf32, #tpu.memory_space<hbm>>)
    return
  }
}

module attributes {stable_mosaic.version = 14 : i64} {
  func.func @_tc_body(%arg0: memref<10x128xf32, #tpu.memory_space<vmem>>, %arg1: memref<64x128xf32, #tpu.memory_space<vmem>>, %arg2: memref<64xf32, #tpu.memory_space<vmem>>, %arg3: memref<64x128xf32, #tpu.memory_space<vmem>>) attributes {dimension_semantics = [], scalar_prefetch = 0 : i64, scratch_operands = 0 : i64, tpu.core_type = #tpu.core_type<tc>} {
    %get3A = arith.constant 0 : index
    %get3A_0 = arith.constant 0 : index
    %get3A_1 = vector.load %arg1[%get3A, %get3A_0] : memref<64x128xf32, #tpu.memory_space<vmem>>, vector<64x128xf32>
    %get3A_2 = arith.constant 0 : index
    %get3A_3 = arith.constant 0 : index
    %get3A_4 = vector.load %arg0[%get3A_2, %get3A_3] : memref<10x128xf32, #tpu.memory_space<vmem>>, vector<10x128xf32>
    %dot_general3A = arith.constant dense<0.000000e+00> : vector<64x10xf32>
    %dot_general3A_5 = tpu.matmul %get3A_1, %get3A_4, %dot_general3A {dimension_numbers = #tpu.dot_dimension_numbers<[1], [1], [0], [0], [0, 0, 1, 0], [], []>, transpose_lhs_hint = false} : vector<64x128xf32>, vector<10x128xf32>, vector<64x10xf32> -> vector<64x10xf32>
    %get3A_6 = arith.constant 0 : index
    %get3A_7 = vector.load %arg2[%get3A_6] : memref<64xf32, #tpu.memory_space<vmem>>, vector<64xf32>
    %reshape3A = vector.shape_cast %get3A_7 : vector<64xf32> to vector<64x1xf32>
    %add3A = vector.broadcast %reshape3A : vector<64x1xf32> to vector<64x10xf32>
    %add3A_8 = arith.addf %dot_general3A_5, %add3A : vector<64x10xf32>
    %tanh3A = math.tanh %add3A_8 : vector<64x10xf32>
    %broadcast_in_dim3A = arith.constant 0.000000e+00 : f32
    %broadcast_in_dim3A_9 = vector.broadcast %broadcast_in_dim3A : f32 to vector<64x118xf32>
    %concatenate3A = tpu.concatenate %tanh3A, %broadcast_in_dim3A_9 in 1 : vector<64x10xf32>, vector<64x118xf32> -> vector<64x128xf32>
    %swap3A = arith.constant 0 : index
    %swap3A_10 = arith.constant 0 : index
    %swap3A_11 = vector.load %arg3[%swap3A, %swap3A_10] : memref<64x128xf32, #tpu.memory_space<vmem>>, vector<64x128xf32>
    tpu.vector_store %arg3[%swap3A, %swap3A_10], %concatenate3A {strides = array<i32>} : memref<64x128xf32, #tpu.memory_space<vmem>>, vector<64x128xf32>,
    return
  }
}

</mosaic_0001>

<sc_bundles>
// kernel: kernel.4.cloned.1.call-start
scs
__scs_entry_jumppad:
0x0: {  	(pc) =	sbr.rel $0x88, $3  }
0x1: {  	(tag) =	ssettag $0x0;
	lr =	simm.s32 $0x1  }
0x2: {  	[smem:$0x3F9D] =	sst lr;
	_ =	strace $0xD0000000  }
0x3: {  	_ = 	snop  }
0x4: {  	_ = 	snop  }
0x5: {  	_ = 	snop  }
0x6: {  	_ = 	snop  }
0x7: {  	_ = 	snop  }
__scs_overlays_trampoline_lowered:
0x8: {  	[smem:$0x3FAC] =	sst s0  }
0x9: {  	[smem:$0x3FAD] =	sst s1  }
0xa: {  	[smem:$0x3FAE] =	sst s2  }
0xb: {  	[smem:$0x3FAF] =	sst s3  }
0xc: {  	[smem:$0x3FB0] =	sst s4  }
0xd: {  	[smem:$0x3FB1] =	sst s5  }
0xe: {  	[smem:$0x3FB2] =	sst s6  }
0xf: {  	[smem:$0x3FB3] =	sst s7  }
0x10: {  	[smem:$0x3FB4] =	sst s8  }
0x11: {  	[smem:$0x3FB5] =	sst s9;
	s0 =	simm.s32 @!p0 $0x0  }
0x12: {  	s1 =	sld [smem:$0x3F9B];
	s0 =	simm.s32 @p0 $0x1  }
0x13: {  	[smem:$0x3FB6] =	sst s0;
	s0 =	simm.s32 @!p1 $0x0  }
0x14: {  	s2 =	sld [smem:$0x3F9A];
	s0 =	simm.s32 @p1 $0x1  }
0x15: {  	[smem:$0x3FB7] =	sst s0;
	s0 =	simm.s32 @!p2 $0x0  }
0x16: {  	s3 =	sld [smem:$0x3FDB];
	s0 =	simm.s32 @p2 $0x1  }
0x17: {  	s4 =	simm.s32 $0x1BF5;
	[smem:$0x3FB9] =	sst s0  }
0x18: {  	s0 =	sld [smem:$0x3F9C];
	_ =	swait.ge [sflag:s4], $0x0  }
0x19: {  	s7 =	sld [smem:$0x3F9D]  }
0x1a: {  	s8 =	sadd.s32 $0xFFFFE003, lr  }
0x1b: {  	s9 =	sadd.s32 $0xFFFFFEF7, lr;
	s5 =	simm.s32 $0xFFFFFFFF;
	p2 =	slt.u32 s8, $0xFFFFF086  }
0x1c: {  	p1 =	slt.u32 s9, $0xF7A;
	s5 =	simm.s32 @!p2 $0x0  }
0x1d: {  	s5 =	simm.s32 @p1 $0x1;
	p0 =	seq.s32 s7, s2  }
0x1e: {  	s7 =	smul.u32 @!p0 $0xF7A, s2;
	p2 =	seq.s32 @!p0 s5, $0x0  }
0x1f: {  	s9 =	smul.u32 $0xF7A, s1;
	s8 =	simm.s32 @!p0 $0x1BF5;
	p2 =	por !p2, p0  }
0x20: {  	[sflag:s8] =	ssyncset.s32 @!p0 $0xFFFFF086;
	s6 =	sadd.s32 @!p0 s3, s7;
	s7 =	simm.s32 @!p0 $0x108  }
0x21: {  	s3 =	sadd.s32 s3, s9;
	s6 =	sadd.s32 @!p0 $0x88, s6;
	s7 =	simm.s32 @p2 $0x1082  }
0x22: {  	[simem:s7], [sflag:s8] =	dma.local @!p0 [hbm:s6], $0xF7A  }
0x23: {  	s9 =	sor.u32 $0xD0000000, s2;
	s6 =	simm.s32 $0x108;
	_ =	swait.ge @!p0 [sflag:s8], $0x0  }
0x24: {  	s3 =	sadd.s32 $0x88, s3;
	s6 =	simm.s32 @!p1 $0x1082;
	[sflag:s4] =	ssyncset.s32 $0xFFFFF086  }
0x25: {  	[simem:s6], [sflag:s4] =	dma.local [hbm:s3], $0xF7A  }
0x26: {  	[smem:$0x3F9D] =	sst s1;
	(tag) =	ssettag s2;
	_ =	strace s9  }
0x27: {  	s1 =	sld [smem:$0x3FAD]  }
0x28: {  	s2 =	sld [smem:$0x3FAE]  }
0x29: {  	s4 =	sld [smem:$0x3FB0]  }
0x2a: {  	p0 =	seq.s32 s5, $0x0;
	s5 =	sld [smem:$0x3FB1]  }
0x2b: {  	s6 =	sld [smem:$0x3FB2]  }
0x2c: {  	s7 =	sld [smem:$0x3FB3]  }
0x2d: {  	s3 =	simm.s32 $0x108;
	s8 =	sld [smem:$0x3FB4]  }
0x2e: {  	s3 =	simm.s32 @!p0 $0x1082;
	s9 =	sld [smem:$0x3FB5]  }
0x2f: {  	lr =	sadd.s32 s0, s3;
	s0 =	sld [smem:$0x3FAC]  }
0x30: {  	s3 =	sld [smem:$0x3FAF]  }
0x31: {  	[smem:$0x3FB8] =	sst s10  }
0x32: {  	s10 =	sld [smem:$0x3FB6];
	_ =	sdelay $0x3  }
0x33: {  	p0 =	seq.s32 s10, $0x1;
	s10 =	sld [smem:$0x3FB8];
	_ =	sdelay $0x3  }
0x34: {  	[smem:$0x3FB8] =	sst s10  }
0x35: {  	s10 =	sld [smem:$0x3FB7];
	_ =	sdelay $0x3  }
0x36: {  	p1 =	seq.s32 s10, $0x1;
	s10 =	sld [smem:$0x3FB8];
	_ =	sdelay $0x3  }
0x37: {  	[smem:$0x3FB8] =	sst s10  }
0x38: {  	s10 =	sld [smem:$0x3FB9]  }
0x39: {  	_ = 	snop;
	(pc) =	sbr.ind lr, $3  }
0x3a: {  	_ = 	snop  }
0x3b: {  	_ = 	snop  }
0x3c: {  	p2 =	seq.s32 s10, $0x1;
	s10 =	sld [smem:$0x3FB8]  }
0x3d: {  	_ =	shalt  }
0x3e: {  	_ =	shalt  }
0x3f: {  	_ =	shalt  }
0x40: {  	_ =	shalt  }
0x41: {  	_ =	shalt  }
0x42: {  	_ =	shalt  }
0x43: {  	_ =	shalt  }
0x44: {  	_ =	shalt  }
0x45: {  	_ =	shalt  }
0x46: {  	_ =	shalt  }
0x47: {  	_ =	shalt  }
0x48: {  	_ =	shalt  }
0x49: {  	_ =	shalt  }
0x4a: {  	_ =	shalt  }
0x4b: {  	_ =	shalt  }
0x4c: {  	_ =	shalt  }
0x4d: {  	_ =	shalt  }
0x4e: {  	_ =	shalt  }
0x4f: {  	_ =	shalt  }
0x50: {  	_ =	shalt  }
0x51: {  	_ =	shalt  }
0x52: {  	_ =	shalt  }
0x53: {  	_ =	shalt  }
0x54: {  	_ =	shalt  }
0x55: {  	_ =	shalt  }
0x56: {  	_ =	shalt  }
0x57: {  	_ =	shalt  }
0x58: {  	_ =	shalt  }
0x59: {  	_ =	shalt  }
0x5a: {  	_ =	shalt  }
0x5b: {  	_ =	shalt  }
0x5c: {  	_ =	shalt  }
0x5d: {  	_ =	shalt  }
0x5e: {  	_ =	shalt  }
0x5f: {  	_ =	shalt  }
0x60: {  	_ =	shalt  }
0x61: {  	_ =	shalt  }
0x62: {  	_ =	shalt  }
0x63: {  	_ =	shalt  }
0x64: {  	_ =	shalt  }
0x65: {  	_ =	shalt  }
0x66: {  	_ =	shalt  }
0x67: {  	_ =	shalt  }
0x68: {  	_ =	shalt  }
0x69: {  	_ =	shalt  }
0x6a: {  	_ =	shalt  }
0x6b: {  	_ =	shalt  }
0x6c: {  	_ =	shalt  }
0x6d: {  	_ =	shalt  }
0x6e: {  	_ =	shalt  }
0x6f: {  	_ =	shalt  }
0x70: {  	_ =	shalt  }
0x71: {  	_ =	shalt  }
0x72: {  	_ =	shalt  }
0x73: {  	_ =	shalt  }
0x74: {  	_ =	shalt  }
0x75: {  	_ =	shalt  }
0x76: {  	_ =	shalt  }
0x77: {  	_ =	shalt  }
0x78: {  	_ =	shalt  }
0x79: {  	_ =	shalt  }
0x7a: {  	_ =	shalt  }
0x7b: {  	_ =	shalt  }
0x7c: {  	_ =	shalt  }
0x7d: {  	_ =	shalt  }
0x7e: {  	_ =	shalt  }
0x7f: {  	_ =	shalt  }
0x80: {  	_ =	shalt  }
0x81: {  	_ =	shalt  }
0x82: {  	_ =	shalt  }
0x83: {  	_ =	shalt  }
0x84: {  	_ =	shalt  }
0x85: {  	_ =	shalt  }
0x86: {  	_ =	shalt  }
0x87: {  	_ =	shalt  }
.Lfunc_end0:
.L_simem_size_0:
called_computation_lowered:
.L_overlay_start_0:
0x88: {  	s2 =	sld [smem:$0x3FD9]  }
0x89: {  	s3 =	sld [smem:$0x3FFE];
	_ =	sdelay $0x1  }
0x8a: {  	s1 =	srdreg.scid  }
0x8b: {  	s0 =	sand.u32 $0x1, s1  }
0x8c: {  	s17 =	sshll.u32 s0, $0xA;
	s2 =	sadd.s32 s3, s2  }
0x8d: {  	s2 =	sadd.s32 s2, s17  }
0x8e: {  	[smem:$0x3FC4] =	sst s2  }
0x8f: {  	_ = 	snop  }
0x90: {  	s2 =	sld [smem:$0x3FC9]  }
0x91: {  	s18 =	sld [smem:$0x3FD0];
	(tm) =	ssettm $0x1  }
0x92: {  	s4 =	sld [smem:$0x3FFB];
	_ =	sdelay $0x3  }
0x93: {  	_ =	strace s4  }
0x94: {  	s4 =	sld [smem:$0x3FFC];
	_ =	sdelay $0x3  }
0x95: {  	_ =	strace s4  }
0x96: {  	s4 =	sld [smem:$0x3FFD];
	_ =	sdelay $0x3  }
0x97: {  	_ =	strace s4  }
0x98: {  	_ =	strace $0x8FFFFFFF  }
0x99: {  	s19 =	sld [smem:$0x3FDB];
	_ =	sdelay $0x1  }
0x9a: {  	s5 =	simm.s32 $_scs_section_size  }
0x9b: {  	s6 =	simm.s32 $_size__tile_overlayer_lowered;
	s7 =	simm.s32 $_tile_overlayer_lowered  }
0x9c: {  	s22 =	simm.s32 $0x1BFF;
	s21 =	sshll.u32 s7, $0x1;
	s4 =	sadd.s32 s5, s19  }
0x9d: {  	s8 =	simm.s32 $0x0;
	s20 =	sshll.u32 s6, $0x1;
	s6 =	sadd.s32 s21, s4  }
0x9e: {  	[timem:s8], [sflag:s22] =	dma.local [hbm:s6], s20  }
0x9f: {  	_ =	swait.ge [sflag:s22], s20  }
0xa0: {  	s5 =	ssub.s32 $0x0, s20;
	[sflag:s22] =	ssyncset.done $0x0  }
0xa1: {  	[sflag:s22] =	ssyncadd.s32 s5;
	_ =	sdelay $0x1  }
0xa2: {  	s23 =	simm.s32 $0x1B8B  }
0xa3: {  	_ =	swait.ge [sflag:s23], $0x1  }
0xa4: {  	[sflag:s23] =	ssyncset.done $0x0  }
0xa5: {  	s25 =	simm.s32 $0x1B8E;
	s24 =	sld [smem:$0x3FFE];
	[sflag:s23] =	ssyncadd.s32 $0xFFFFFFFF  }
0xa6: {  	s26 =	simm.s32 $execute0_lowered;
	[smem:$0x3FD2] =	sst s25  }
0xa7: {  	s6 =	sshll.u32 s26, $0x1;
	_ =	strace $0x80000046;
	[dreg:$0x1] =	wrdreg $0xFFFFFFFF  }
0xa8: {  	s28 =	simm.s32 $_size_execute0_lowered;
	s4 =	sadd.s32 s4, s6;
	[dreg:$0x0] =	wrdreg $0x0  }
0xa9: {  	s6 =	sshll.u32 s28, $0x1;
	[dreg:$0x2] =	wrdreg s4  }
0xaa: {  	[dreg:$0x3] =	wrdreg s6  }
0xab: {  	[dreg:$0x4] =	wrdreg $0xC0  }
0xac: {  	_ =	task [dreg:s8], $0x5FFFF  }
0xad: {  	[dreg:$0x1] =	wrdreg $0xFFFFFFFF  }
0xae: {  	[dreg:$0x0] =	wrdreg $0x60  }
0xaf: {  	[dreg:$0x2] =	wrdreg s24  }
0xb0: {  	[dreg:$0x3] =	wrdreg s2  }
0xb1: {  	[dreg:$0x4] =	wrdreg s18  }
0xb2: {  	[dreg:$0x5] =	wrdreg $0x9  }
0xb3: {  	_ =	task.clear_ibuf [dreg:s8], $0x6FFFF;
	_ =	strace $0x90000046  }
0xb4: {  	s29 =	simm.s32 $0x9;
	_ =	strace $0x80000048  }
0xb5: {  	_ =	swait.ge [sflag:s29], $0x1  }
0xb6: {  	[sflag:s29] =	ssyncadd.s32 $0xFFFFFFFF  }
0xb7: {  	_ =	strace $0x90000048  }
0xb8: {  	_ =	sfence  }
0xb9: {  	s30 =	sld [smem:$0x0];
	_ =	sdelay $0x2  }
0xba: {  	s31 =	sshll.u32 s1, $0xD;
	s1 =	sshrl.u32 s1, $0x2  }
0xbb: {  	s3 =	sand.u32 $0x4000, s31;
	s1 =	sadd.s32 s1, s30  }
0xbc: {  	s0 =	sor.u32 s3, s0;
	s1 =	sshll.u32 s1, $0x11  }
0xbd: {  	s0 =	sor.u32 s1, s0  }
0xbe: {  	s0 =	sadd.s32 $0x8F2B, s0  }
0xbf: {  	[sflag:s0] =	ssyncadd.remote.s32 $0x1  }
0xc0: {  	_ =	sfence.sel $0xFFFF  }
0xc1: {  	[dreg:$0x0] =	wrdreg $0xFFFFFFFF;
	(pc) =	sbr.abs _section_cstart, $3  }
0xc2: {  	[dreg:$0x1] =	wrdreg $0xFFFFFFFF  }
0xc3: {  	_ =	task.clear_ibuf [dreg:s8], $0x2FFFF;
	_ =	strace $0x9FFFFFFF  }
0xc4: {  	(tm) =	ssettm $0x7FFFFFFF  }
0xc5: {  	_ =	shalt  }
tec
execute0_lowered:
.L_overlay_start_1:
0x0: {  	(tag) =	ssettag $0x1  }
0x1: {  	s0 =	rddreg [dreg:$0x0]  }
0x2: {  	s1 =	rddreg [dreg:$0x1]  }
0x3: {  	s5 =	rddreg [dreg:$0x2];
	s3 =	srdreg.scid;
	s2 =	simm.s32 $0x0  }
0x4: {  	s4 =	stileid.u32;
	s8 =	simm.s32 $0x2;
	s9 =	simm.s32 $0x1  }
0x5: {  	s18 =	simm.s32 $0x2A00;
	s19 =	simm.s32 $0x3A00;
	s20 =	simm.s32 $0x4A00  }
0x6: {  	s21 =	simm.s32 $0x5A00;
	s22 =	simm.s32 $0x6A00;
	s23 =	simm.s32 $0x7A00  }
0x7: {  	s24 =	simm.s32 $0x8A00;
	s25 =	simm.s32 $0x9A00;
	s26 =	simm.s32 $0x0  }
0x8: {  	s3 =	sand.u32 $0x1, s3;
	[smem:$0x7FF] =	sst s2;
	s4 =	sshll.u32 s4, $0xA  }
0x9: {  	s6 =	sshll.u32 s3, $0x9;
	_ =	strace $0x80000047;
	s7 =	ssub.s32 $0x2, s3  }
0xa: {  	s3 =	sadd.s32 $0xC00, s0;
	s6 =	sor.u32 s6, s4;
	s31 =	sshrl.u32 s7, $0x1  }
0xb: {  	s4 =	sshrl.u32 s6, $0x3;
	s0 =	ssub.s32 s7, s31;
	s5 =	sadd.s32 s5, s6  }
0xc: {  	s4 =	sadd.s32 s1, s4;
	s6 =	sadd.s32 $0x100, s5;
	s7 =	smax.u32 s0, $0x1  }
.LBB2_1:
0xd: {  	[tilespmem:s2], [sflag:$0x2] =	stream.linear.gather [hbm4b:s3+s2], $0x2000, $0x38;
	[tilespmem:$0xA200] =	vst v63  }
0xe: {  	_ =	swait.ge [sflag:s8], $0x2000  }
0xf: {  	[sflag:s8] =	ssyncset.done $0x0  }
0x10: {  	s28 =	simm.s32 $0x2000;
	[sflag:s8] =	ssyncadd.s32 $0xFFFFE000  }
0x11: {  	[tilespmem:s28], [sflag:$0x2] =	stream.linear.gather [hbm4b:s4+s2], $0x200, $0x38;
	[tilespmem:$0xA200] =	vst v63  }
0x12: {  	s29 =	simm.s32 $0xFFFFFFFC;
	_ =	swait.ge [sflag:s8], $0x200  }
0x13: {  	p0 =	por $0x0, $0x0;
	s30 =	simm.s32 $0x0;
	[sflag:s8] =	ssyncset.done $0x0  }
0x14: {  	s31 =	simm.s32 $0x0;
	s0 =	simm.s32 $0x0;
	[sflag:s8] =	ssyncadd.s32 $0xFFFFFE00  }
.LBB2_2:
0x15: {  	v0 =	vld [tilespmem:s28+$0x0];
	_ =	sdelay $0x7  }
0x16: {  	v1 =	vld.idx.msk [tilespmem:v0+s2+$0x0], $0xffff  }
0x17: {  	v2 =	vadd.s32 $0x80, v0  }
0x18: {  	s10 =	sand.u32 $0x400, s0  }
0x19: {  	s1 =	sand.u32 $0x40, s30;
	s15 =	sor.u32 $0x2200, s10  }
0x1a: {  	s11 =	sor.u32 s1, s15  }
0x1b: {  	[tilespmem:s11+$0x0] =	vst v1  }
0x1c: {  	v1 =	vld.idx.msk [tilespmem:v2+s2+$0x0], $0xffff  }
0x1d: {  	v27 =	vadd.s32 $0x100, v0;
	_ =	sdelay $0x3  }
0x1e: {  	[tilespmem:s11+$0x80] =	vst v1  }
0x1f: {  	v1 =	vld.idx.msk [tilespmem:v27+s2+$0x0], $0xffff  }
0x20: {  	v28 =	vadd.s32 $0x180, v0;
	_ =	sdelay $0x3  }
0x21: {  	[tilespmem:s11+$0x100] =	vst v1  }
0x22: {  	v1 =	vld.idx.msk [tilespmem:v28+s2+$0x0], $0xffff  }
0x23: {  	v29 =	vadd.s32 $0x200, v0;
	_ =	sdelay $0x3  }
0x24: {  	[tilespmem:s11+$0x180] =	vst v1  }
0x25: {  	s11 =	simm.s32 $0x1;
	v1 =	vld.idx.msk [tilespmem:v29+s2+$0x0], $0xffff  }
0x26: {  	v30 =	vadd.s32 $0x280, v0;
	s11 =	simm.s32 @!p0 $0x0  }
0x27: {  	s11 =	sshll.u32 s11, $0x6  }
0x28: {  	s14 =	sadd.s32 s11, s0  }
0x29: {  	s11 =	sor.u32 $0x200, s14  }
0x2a: {  	[tilespmem:s11+$0x2200] =	vst v1  }
0x2b: {  	v1 =	vld.idx.msk [tilespmem:v30+s2+$0x0], $0xffff  }
0x2c: {  	v31 =	vadd.s32 $0x300, v0;
	_ =	sdelay $0x2  }
0x2d: {  	s13 =	sor.u32 $0x280, s31  }
0x2e: {  	[tilespmem:s13+$0x2200] =	vst v1  }
0x2f: {  	v1 =	vld.idx.msk [tilespmem:v31+s2+$0x0], $0xffff  }
0x30: {  	v32 =	vadd.s32 $0x380, v0;
	_ =	sdelay $0x2  }
0x31: {  	s16 =	sor.u32 $0x300, s14  }
0x32: {  	[tilespmem:s16+$0x2200] =	vst v1  }
0x33: {  	v1 =	vld.idx.msk [tilespmem:v32+s2+$0x0], $0xffff;
	_ =	sdelay $0x2  }
0x34: {  	s12 =	sand.u32 $0x80, s30  }
0x35: {  	s11 =	sor.u32 $0x10, s1;
	s13 =	sor.u32 $0x380, s31;
	s16 =	sor.u32 $0x2000, s12  }
0x36: {  	s12 =	sor.u32 $0x20, s1;
	s17 =	sor.u32 s11, s16;
	[tilespmem:s13+$0x2200] =	vst v1  }
0x37: {  	s13 =	sor.u32 $0x30, s1;
	v2 =	vld [tilespmem:s17+$0x0];
	s17 =	sor.u32 s12, s16  }
0x38: {  	s16 =	sor.u32 s13, s16;
	v3 =	vld [tilespmem:s17+$0x0]  }
0x39: {  	v1 =	vld [tilespmem:s16+$0x0];
	_ =	sdelay $0x5  }
0x3a: {  	v4 =	vld.idx.msk [tilespmem:v2+s2+$0x0], $0xffff  }
0x3b: {  	v5 =	vadd.s32 $0x80, v2;
	v6 =	vld.idx.msk [tilespmem:v3+s2+$0x0], $0xffff  }
0x3c: {  	v7 =	vadd.s32 $0x80, v3;
	v8 =	vld.idx.msk [tilespmem:v1+s2+$0x0], $0xffff  }
0x3d: {  	v9 =	vadd.s32 $0x80, v1  }
0x3e: {  	s16 =	sor.u32 s11, s15  }
0x3f: {  	s17 =	sor.u32 s12, s15;
	[tilespmem:s16+$0x0] =	vst v4  }
0x40: {  	s15 =	sor.u32 s13, s15;
	v4 =	vld.idx.msk [tilespmem:v5+s2+$0x0], $0xffff;
	[tilespmem:s17+$0x0] =	vst v6  }
0x41: {  	v33 =	vadd.s32 $0x100, v2;
	[tilespmem:s15+$0x0] =	vst v8;
	v6 =	vld.idx.msk [tilespmem:v7+s2+$0x0], $0xffff  }
0x42: {  	v34 =	vadd.s32 $0x100, v3;
	v8 =	vld.idx.msk [tilespmem:v9+s2+$0x0], $0xffff  }
0x43: {  	v35 =	vadd.s32 $0x100, v1;
	_ =	sdelay $0x1  }
0x44: {  	[tilespmem:s16+$0x80] =	vst v4  }
0x45: {  	v4 =	vld.idx.msk [tilespmem:v33+s2+$0x0], $0xffff;
	[tilespmem:s17+$0x80] =	vst v6  }
0x46: {  	v36 =	vadd.s32 $0x180, v2;
	[tilespmem:s15+$0x80] =	vst v8;
	v6 =	vld.idx.msk [tilespmem:v34+s2+$0x0], $0xffff  }
0x47: {  	v37 =	vadd.s32 $0x180, v3;
	v8 =	vld.idx.msk [tilespmem:v35+s2+$0x0], $0xffff  }
0x48: {  	v38 =	vadd.s32 $0x180, v1;
	_ =	sdelay $0x1  }
0x49: {  	[tilespmem:s16+$0x100] =	vst v4  }
0x4a: {  	v4 =	vld.idx.msk [tilespmem:v36+s2+$0x0], $0xffff;
	[tilespmem:s17+$0x100] =	vst v6  }
0x4b: {  	v39 =	vadd.s32 $0x200, v2;
	[tilespmem:s15+$0x100] =	vst v8;
	v6 =	vld.idx.msk [tilespmem:v37+s2+$0x0], $0xffff  }
0x4c: {  	v40 =	vadd.s32 $0x200, v3;
	v8 =	vld.idx.msk [tilespmem:v38+s2+$0x0], $0xffff  }
0x4d: {  	v41 =	vadd.s32 $0x200, v1;
	_ =	sdelay $0x1  }
0x4e: {  	[tilespmem:s16+$0x180] =	vst v4  }
0x4f: {  	v4 =	vld.idx.msk [tilespmem:v39+s2+$0x0], $0xffff;
	[tilespmem:s17+$0x180] =	vst v6  }
0x50: {  	v42 =	vadd.s32 $0x280, v2;
	[tilespmem:s15+$0x180] =	vst v8;
	v6 =	vld.idx.msk [tilespmem:v40+s2+$0x0], $0xffff  }
0x51: {  	v43 =	vadd.s32 $0x280, v3;
	v8 =	vld.idx.msk [tilespmem:v41+s2+$0x0], $0xffff  }
0x52: {  	v44 =	vadd.s32 $0x280, v1;
	s15 =	sadd.s32 $0x10, s14  }
0x53: {  	s17 =	sadd.s32 $0x20, s14;
	s16 =	sor.u32 $0x200, s15  }
0x54: {  	s14 =	sadd.s32 $0x30, s14;
	[tilespmem:s16+$0x2200] =	vst v4;
	s16 =	sor.u32 $0x200, s17  }
0x55: {  	v4 =	vld.idx.msk [tilespmem:v42+s2+$0x0], $0xffff;
	[tilespmem:s16+$0x2200] =	vst v6;
	s16 =	sor.u32 $0x200, s14  }
0x56: {  	v45 =	vadd.s32 $0x300, v2;
	v6 =	vld.idx.msk [tilespmem:v43+s2+$0x0], $0xffff;
	[tilespmem:s16+$0x2200] =	vst v8  }
0x57: {  	v46 =	vadd.s32 $0x300, v3;
	v8 =	vld.idx.msk [tilespmem:v44+s2+$0x0], $0xffff  }
0x58: {  	v47 =	vadd.s32 $0x300, v1  }
0x59: {  	s16 =	sor.u32 $0x280, s15  }
0x5a: {  	[tilespmem:s16+$0x2200] =	vst v4;
	s16 =	sor.u32 $0x280, s17  }
0x5b: {  	v4 =	vld.idx.msk [tilespmem:v45+s2+$0x0], $0xffff;
	[tilespmem:s16+$0x2200] =	vst v6;
	s16 =	sor.u32 $0x280, s14  }
0x5c: {  	v48 =	vadd.s32 $0x380, v2;
	v6 =	vld.idx.msk [tilespmem:v46+s2+$0x0], $0xffff;
	[tilespmem:s16+$0x2200] =	vst v8  }
0x5d: {  	v49 =	vadd.s32 $0x380, v3;
	v8 =	vld.idx.msk [tilespmem:v47+s2+$0x0], $0xffff  }
0x5e: {  	v50 =	vadd.s32 $0x380, v1  }
0x5f: {  	s16 =	sor.u32 $0x300, s15  }
0x60: {  	[tilespmem:s16+$0x2200] =	vst v4;
	s16 =	sor.u32 $0x300, s17  }
0x61: {  	v51 =	vadd.s32 $0x400, v0;
	v5 =	vld.idx.msk [tilespmem:v48+s2+$0x0], $0xffff;
	[tilespmem:s16+$0x2200] =	vst v6;
	s16 =	sor.u32 $0x300, s14  }
0x62: {  	v52 =	vadd.s32 $0x400, v2;
	[tilespmem:s16+$0x2200] =	vst v8;
	v7 =	vld.idx.msk [tilespmem:v49+s2+$0x0], $0xffff  }
0x63: {  	v53 =	vadd.s32 $0x400, v3;
	v9 =	vld.idx.msk [tilespmem:v50+s2+$0x0], $0xffff  }
0x64: {  	v10 =	vadd.s32 $0x400, v1  }
0x65: {  	s15 =	sor.u32 $0x380, s15  }
0x66: {  	v4 =	vld.idx.msk [tilespmem:v51+s2+$0x0], $0xffff;
	s16 =	sor.u32 $0x380, s17;
	[tilespmem:s15+$0x2200] =	vst v5  }
0x67: {  	v54 =	vadd.s32 $0x480, v0;
	s14 =	sor.u32 $0x380, s14;
	v6 =	vld.idx.msk [tilespmem:v52+s2+$0x0], $0xffff;
	[tilespmem:s16+$0x2200] =	vst v7  }
0x68: {  	v55 =	vadd.s32 $0x480, v2;
	v8 =	vld.idx.msk [tilespmem:v53+s2+$0x0], $0xffff;
	[tilespmem:s14+$0x2200] =	vst v9  }
0x69: {  	v56 =	vadd.s32 $0x480, v3;
	s14 =	sor.u32 $0x3200, s10;
	v10 =	vld.idx.msk [tilespmem:v10+s2+$0x0], $0xffff  }
0x6a: {  	v11 =	vadd.s32 $0x480, v1;
	s17 =	sor.u32 s1, s14  }
0x6b: {  	s16 =	sor.u32 s11, s14;
	[tilespmem:s17+$0x0] =	vst v4  }
0x6c: {  	s17 =	sor.u32 s12, s14;
	v4 =	vld.idx.msk [tilespmem:v54+s2+$0x0], $0xffff;
	[tilespmem:s16+$0x0] =	vst v6  }
0x6d: {  	v57 =	vadd.s32 $0x500, v0;
	s14 =	sor.u32 s13, s14;
	v6 =	vld.idx.msk [tilespmem:v55+s2+$0x0], $0xffff;
	[tilespmem:s17+$0x0] =	vst v8  }
0x6e: {  	v58 =	vadd.s32 $0x500, v2;
	v8 =	vld.idx.msk [tilespmem:v56+s2+$0x0], $0xffff;
	[tilespmem:s14+$0x0] =	vst v10  }
0x6f: {  	v59 =	vadd.s32 $0x500, v3;
	s14 =	sor.u32 $0x3280, s10;
	v10 =	vld.idx.msk [tilespmem:v11+s2+$0x0], $0xffff  }
0x70: {  	v60 =	vadd.s32 $0x500, v1;
	s16 =	sor.u32 s1, s14  }
0x71: {  	s17 =	sor.u32 s11, s14;
	[tilespmem:s16+$0x0] =	vst v4  }
0x72: {  	s16 =	sor.u32 s12, s14;
	v4 =	vld.idx.msk [tilespmem:v57+s2+$0x0], $0xffff;
	[tilespmem:s17+$0x0] =	vst v6  }
0x73: {  	v61 =	vadd.s32 $0x580, v0;
	s14 =	sor.u32 s13, s14;
	v6 =	vld.idx.msk [tilespmem:v58+s2+$0x0], $0xffff;
	[tilespmem:s16+$0x0] =	vst v8  }
0x74: {  	v62 =	vadd.s32 $0x580, v2;
	v8 =	vld.idx.msk [tilespmem:v59+s2+$0x0], $0xffff;
	[tilespmem:s14+$0x0] =	vst v10  }
0x75: {  	v63 =	vadd.s32 $0x580, v3;
	s14 =	sor.u32 $0x3300, s10;
	v10 =	vld.idx.msk [tilespmem:v60+s2+$0x0], $0xffff  }
0x76: {  	v12 =	vadd.s32 $0x580, v1;
	s17 =	sor.u32 s1, s14  }
0x77: {  	s16 =	sor.u32 s11, s14;
	[tilespmem:s17+$0x0] =	vst v4  }
0x78: {  	s17 =	sor.u32 s12, s14;
	v4 =	vld.idx.msk [tilespmem:v61+s2+$0x0], $0xffff;
	[tilespmem:s16+$0x0] =	vst v6  }
0x79: {  	v13 =	vadd.s32 $0x600, v0;
	s14 =	sor.u32 s13, s14;
	v6 =	vld.idx.msk [tilespmem:v62+s2+$0x0], $0xffff;
	[tilespmem:s17+$0x0] =	vst v8  }
0x7a: {  	v14 =	vadd.s32 $0x600, v2;
	v8 =	vld.idx.msk [tilespmem:v63+s2+$0x0], $0xffff;
	[tilespmem:s14+$0x0] =	vst v10  }
0x7b: {  	v15 =	vadd.s32 $0x600, v3;
	s14 =	sor.u32 $0x3380, s10;
	v10 =	vld.idx.msk [tilespmem:v12+s2+$0x0], $0xffff  }
0x7c: {  	v16 =	vadd.s32 $0x600, v1;
	s16 =	sor.u32 s1, s14  }
0x7d: {  	s17 =	sor.u32 s11, s14;
	[tilespmem:s16+$0x0] =	vst v4  }
0x7e: {  	s16 =	sor.u32 s12, s14;
	v4 =	vld.idx.msk [tilespmem:v13+s2+$0x0], $0xffff;
	[tilespmem:s17+$0x0] =	vst v6  }
0x7f: {  	v17 =	vadd.s32 $0x680, v0;
	s14 =	sor.u32 s13, s14;
	v6 =	vld.idx.msk [tilespmem:v14+s2+$0x0], $0xffff;
	[tilespmem:s16+$0x0] =	vst v8  }
0x80: {  	v18 =	vadd.s32 $0x680, v2;
	v8 =	vld.idx.msk [tilespmem:v15+s2+$0x0], $0xffff;
	[tilespmem:s14+$0x0] =	vst v10  }
0x81: {  	v19 =	vadd.s32 $0x680, v3;
	s14 =	sadd.s32 $0x3400, s10;
	v10 =	vld.idx.msk [tilespmem:v16+s2+$0x0], $0xffff  }
0x82: {  	v20 =	vadd.s32 $0x680, v1;
	s17 =	sor.u32 s1, s14  }
0x83: {  	s16 =	sor.u32 s11, s14;
	[tilespmem:s17+$0x0] =	vst v4  }
0x84: {  	s17 =	sor.u32 s12, s14;
	v4 =	vld.idx.msk [tilespmem:v17+s2+$0x0], $0xffff;
	[tilespmem:s16+$0x0] =	vst v6  }
0x85: {  	v21 =	vadd.s32 $0x700, v0;
	s14 =	sor.u32 s13, s14;
	v6 =	vld.idx.msk [tilespmem:v18+s2+$0x0], $0xffff;
	[tilespmem:s17+$0x0] =	vst v8  }
0x86: {  	v22 =	vadd.s32 $0x700, v2;
	v8 =	vld.idx.msk [tilespmem:v19+s2+$0x0], $0xffff;
	[tilespmem:s14+$0x0] =	vst v10  }
0x87: {  	v23 =	vadd.s32 $0x700, v3;
	s14 =	sadd.s32 $0x3480, s10;
	v10 =	vld.idx.msk [tilespmem:v20+s2+$0x0], $0xffff  }
0x88: {  	v24 =	vadd.s32 $0x700, v1;
	s16 =	sor.u32 s1, s14  }
0x89: {  	s17 =	sor.u32 s11, s14;
	[tilespmem:s16+$0x0] =	vst v4  }
0x8a: {  	s16 =	sor.u32 s12, s14;
	v4 =	vld.idx.msk [tilespmem:v21+s2+$0x0], $0xffff;
	[tilespmem:s17+$0x0] =	vst v6  }
0x8b: {  	v25 =	vadd.s32 $0x780, v0;
	s14 =	sor.u32 s13, s14;
	v6 =	vld.idx.msk [tilespmem:v22+s2+$0x0], $0xffff;
	[tilespmem:s16+$0x0] =	vst v8  }
0x8c: {  	v26 =	vadd.s32 $0x780, v2;
	v8 =	vld.idx.msk [tilespmem:v23+s2+$0x0], $0xffff;
	[tilespmem:s14+$0x0] =	vst v10  }
0x8d: {  	v27 =	vadd.s32 $0x780, v3;
	s14 =	sadd.s32 $0x3500, s10;
	v10 =	vld.idx.msk [tilespmem:v24+s2+$0x0], $0xffff  }
0x8e: {  	v28 =	vadd.s32 $0x780, v1;
	s17 =	sor.u32 s1, s14  }
0x8f: {  	s16 =	sor.u32 s11, s14;
	[tilespmem:s17+$0x0] =	vst v4  }
0x90: {  	s17 =	sor.u32 s12, s14;
	v4 =	vld.idx.msk [tilespmem:v25+s2+$0x0], $0xffff;
	[tilespmem:s16+$0x0] =	vst v6  }
0x91: {  	v29 =	vadd.s32 $0x800, v0;
	s14 =	sor.u32 s13, s14;
	v6 =	vld.idx.msk [tilespmem:v26+s2+$0x0], $0xffff;
	[tilespmem:s17+$0x0] =	vst v8  }
0x92: {  	v30 =	vadd.s32 $0x800, v2;
	v8 =	vld.idx.msk [tilespmem:v27+s2+$0x0], $0xffff;
	[tilespmem:s14+$0x0] =	vst v10  }
0x93: {  	v31 =	vadd.s32 $0x800, v3;
	s14 =	sadd.s32 $0x3580, s10;
	v10 =	vld.idx.msk [tilespmem:v28+s2+$0x0], $0xffff  }
0x94: {  	v32 =	vadd.s32 $0x800, v1;
	s16 =	sor.u32 s1, s14  }
0x95: {  	s17 =	sor.u32 s11, s14;
	[tilespmem:s16+$0x0] =	vst v4  }
0x96: {  	s16 =	sor.u32 s12, s14;
	v4 =	vld.idx.msk [tilespmem:v29+s2+$0x0], $0xffff;
	[tilespmem:s17+$0x0] =	vst v6  }
0x97: {  	v33 =	vadd.s32 $0x880, v0;
	s14 =	sor.u32 s13, s14;
	v6 =	vld.idx.msk [tilespmem:v30+s2+$0x0], $0xffff;
	[tilespmem:s16+$0x0] =	vst v8  }
0x98: {  	v34 =	vadd.s32 $0x880, v2;
	v8 =	vld.idx.msk [tilespmem:v31+s2+$0x0], $0xffff;
	[tilespmem:s14+$0x0] =	vst v10  }
0x99: {  	v35 =	vadd.s32 $0x880, v3;
	s14 =	sor.u32 $0x4200, s10;
	v10 =	vld.idx.msk [tilespmem:v32+s2+$0x0], $0xffff  }
0x9a: {  	v36 =	vadd.s32 $0x880, v1;
	s17 =	sor.u32 s1, s14  }
0x9b: {  	s16 =	sor.u32 s11, s14;
	[tilespmem:s17+$0x0] =	vst v4  }
0x9c: {  	s17 =	sor.u32 s12, s14;
	v4 =	vld.idx.msk [tilespmem:v33+s2+$0x0], $0xffff;
	[tilespmem:s16+$0x0] =	vst v6  }
0x9d: {  	v37 =	vadd.s32 $0x900, v0;
	s14 =	sor.u32 s13, s14;
	v6 =	vld.idx.msk [tilespmem:v34+s2+$0x0], $0xffff;
	[tilespmem:s17+$0x0] =	vst v8  }
0x9e: {  	v38 =	vadd.s32 $0x900, v2;
	v8 =	vld.idx.msk [tilespmem:v35+s2+$0x0], $0xffff;
	[tilespmem:s14+$0x0] =	vst v10  }
0x9f: {  	v39 =	vadd.s32 $0x900, v3;
	s14 =	sor.u32 $0x4280, s10;
	v10 =	vld.idx.msk [tilespmem:v36+s2+$0x0], $0xffff  }
0xa0: {  	v40 =	vadd.s32 $0x900, v1;
	s16 =	sor.u32 s1, s14  }
0xa1: {  	s17 =	sor.u32 s11, s14;
	[tilespmem:s16+$0x0] =	vst v4  }
0xa2: {  	s16 =	sor.u32 s12, s14;
	v4 =	vld.idx.msk [tilespmem:v37+s2+$0x0], $0xffff;
	[tilespmem:s17+$0x0] =	vst v6  }
0xa3: {  	v41 =	vadd.s32 $0x980, v0;
	s14 =	sor.u32 s13, s14;
	v6 =	vld.idx.msk [tilespmem:v38+s2+$0x0], $0xffff;
	[tilespmem:s16+$0x0] =	vst v8  }
0xa4: {  	v42 =	vadd.s32 $0x980, v2;
	v8 =	vld.idx.msk [tilespmem:v39+s2+$0x0], $0xffff;
	[tilespmem:s14+$0x0] =	vst v10  }
0xa5: {  	v43 =	vadd.s32 $0x980, v3;
	s14 =	sor.u32 $0x4300, s10;
	v10 =	vld.idx.msk [tilespmem:v40+s2+$0x0], $0xffff  }
0xa6: {  	v44 =	vadd.s32 $0x980, v1;
	s17 =	sor.u32 s1, s14  }
0xa7: {  	s16 =	sor.u32 s11, s14;
	[tilespmem:s17+$0x0] =	vst v4  }
0xa8: {  	s17 =	sor.u32 s12, s14;
	v4 =	vld.idx.msk [tilespmem:v41+s2+$0x0], $0xffff;
	[tilespmem:s16+$0x0] =	vst v6  }
0xa9: {  	v45 =	vadd.s32 $0xA00, v0;
	s14 =	sor.u32 s13, s14;
	v6 =	vld.idx.msk [tilespmem:v42+s2+$0x0], $0xffff;
	[tilespmem:s17+$0x0] =	vst v8  }
0xaa: {  	v46 =	vadd.s32 $0xA00, v2;
	v8 =	vld.idx.msk [tilespmem:v43+s2+$0x0], $0xffff;
	[tilespmem:s14+$0x0] =	vst v10  }
0xab: {  	v47 =	vadd.s32 $0xA00, v3;
	s14 =	sor.u32 $0x4380, s10;
	v10 =	vld.idx.msk [tilespmem:v44+s2+$0x0], $0xffff  }
0xac: {  	v48 =	vadd.s32 $0xA00, v1;
	s16 =	sor.u32 s1, s14  }
0xad: {  	s17 =	sor.u32 s11, s14;
	[tilespmem:s16+$0x0] =	vst v4  }
0xae: {  	s16 =	sor.u32 s12, s14;
	v4 =	vld.idx.msk [tilespmem:v45+s2+$0x0], $0xffff;
	[tilespmem:s17+$0x0] =	vst v6  }
0xaf: {  	v49 =	vadd.s32 $0xA80, v0;
	s14 =	sor.u32 s13, s14;
	v6 =	vld.idx.msk [tilespmem:v46+s2+$0x0], $0xffff;
	[tilespmem:s16+$0x0] =	vst v8  }
0xb0: {  	v50 =	vadd.s32 $0xA80, v2;
	v8 =	vld.idx.msk [tilespmem:v47+s2+$0x0], $0xffff;
	[tilespmem:s14+$0x0] =	vst v10  }
0xb1: {  	v51 =	vadd.s32 $0xA80, v3;
	s14 =	sadd.s32 $0x4400, s10;
	v10 =	vld.idx.msk [tilespmem:v48+s2+$0x0], $0xffff  }
0xb2: {  	v52 =	vadd.s32 $0xA80, v1;
	s17 =	sor.u32 s1, s14  }
0xb3: {  	s16 =	sor.u32 s11, s14;
	[tilespmem:s17+$0x0] =	vst v4  }
0xb4: {  	s17 =	sor.u32 s12, s14;
	v4 =	vld.idx.msk [tilespmem:v49+s2+$0x0], $0xffff;
	[tilespmem:s16+$0x0] =	vst v6  }
0xb5: {  	v53 =	vadd.s32 $0xB00, v0;
	s14 =	sor.u32 s13, s14;
	v6 =	vld.idx.msk [tilespmem:v50+s2+$0x0], $0xffff;
	[tilespmem:s17+$0x0] =	vst v8  }
0xb6: {  	v54 =	vadd.s32 $0xB00, v2;
	v8 =	vld.idx.msk [tilespmem:v51+s2+$0x0], $0xffff;
	[tilespmem:s14+$0x0] =	vst v10  }
0xb7: {  	v55 =	vadd.s32 $0xB00, v3;
	s14 =	sadd.s32 $0x4480, s10;
	v10 =	vld.idx.msk [tilespmem:v52+s2+$0x0], $0xffff  }
0xb8: {  	v56 =	vadd.s32 $0xB00, v1;
	s16 =	sor.u32 s1, s14  }
0xb9: {  	s17 =	sor.u32 s11, s14;
	[tilespmem:s16+$0x0] =	vst v4  }
0xba: {  	s16 =	sor.u32 s12, s14;
	v4 =	vld.idx.msk [tilespmem:v53+s2+$0x0], $0xffff;
	[tilespmem:s17+$0x0] =	vst v6  }
0xbb: {  	v57 =	vadd.s32 $0xB80, v0;
	s14 =	sor.u32 s13, s14;
	v6 =	vld.idx.msk [tilespmem:v54+s2+$0x0], $0xffff;
	[tilespmem:s16+$0x0] =	vst v8  }
0xbc: {  	v58 =	vadd.s32 $0xB80, v2;
	v8 =	vld.idx.msk [tilespmem:v55+s2+$0x0], $0xffff;
	[tilespmem:s14+$0x0] =	vst v10  }
0xbd: {  	v59 =	vadd.s32 $0xB80, v3;
	s14 =	sadd.s32 $0x4500, s10;
	v10 =	vld.idx.msk [tilespmem:v56+s2+$0x0], $0xffff  }
0xbe: {  	v60 =	vadd.s32 $0xB80, v1;
	s17 =	sor.u32 s1, s14  }
0xbf: {  	s16 =	sor.u32 s11, s14;
	[tilespmem:s17+$0x0] =	vst v4  }
0xc0: {  	s17 =	sor.u32 s12, s14;
	v4 =	vld.idx.msk [tilespmem:v57+s2+$0x0], $0xffff;
	[tilespmem:s16+$0x0] =	vst v6  }
0xc1: {  	v61 =	vadd.s32 $0xC00, v0;
	s14 =	sor.u32 s13, s14;
	v6 =	vld.idx.msk [tilespmem:v58+s2+$0x0], $0xffff;
	[tilespmem:s17+$0x0] =	vst v8  }
0xc2: {  	v62 =	vadd.s32 $0xC00, v2;
	v8 =	vld.idx.msk [tilespmem:v59+s2+$0x0], $0xffff;
	[tilespmem:s14+$0x0] =	vst v10  }
0xc3: {  	v63 =	vadd.s32 $0xC00, v3;
	s14 =	sadd.s32 $0x4580, s10;
	v10 =	vld.idx.msk [tilespmem:v60+s2+$0x0], $0xffff  }
0xc4: {  	v12 =	vadd.s32 $0xC00, v1;
	s16 =	sor.u32 s1, s14  }
0xc5: {  	s17 =	sor.u32 s11, s14;
	[tilespmem:s16+$0x0] =	vst v4  }
0xc6: {  	s16 =	sor.u32 s12, s14;
	v4 =	vld.idx.msk [tilespmem:v61+s2+$0x0], $0xffff;
	[tilespmem:s17+$0x0] =	vst v6  }
0xc7: {  	v13 =	vadd.s32 $0xC80, v0;
	s14 =	sor.u32 s13, s14;
	v6 =	vld.idx.msk [tilespmem:v62+s2+$0x0], $0xffff;
	[tilespmem:s16+$0x0] =	vst v8  }
0xc8: {  	v14 =	vadd.s32 $0xC80, v2;
	v8 =	vld.idx.msk [tilespmem:v63+s2+$0x0], $0xffff;
	[tilespmem:s14+$0x0] =	vst v10  }
0xc9: {  	v15 =	vadd.s32 $0xC80, v3;
	s14 =	sor.u32 $0x5200, s10;
	v10 =	vld.idx.msk [tilespmem:v12+s2+$0x0], $0xffff  }
0xca: {  	v16 =	vadd.s32 $0xC80, v1;
	s17 =	sor.u32 s1, s14  }
0xcb: {  	s16 =	sor.u32 s11, s14;
	[tilespmem:s17+$0x0] =	vst v4  }
0xcc: {  	s17 =	sor.u32 s12, s14;
	v4 =	vld.idx.msk [tilespmem:v13+s2+$0x0], $0xffff;
	[tilespmem:s16+$0x0] =	vst v6  }
0xcd: {  	v17 =	vadd.s32 $0xD00, v0;
	s14 =	sor.u32 s13, s14;
	v6 =	vld.idx.msk [tilespmem:v14+s2+$0x0], $0xffff;
	[tilespmem:s17+$0x0] =	vst v8  }
0xce: {  	v18 =	vadd.s32 $0xD00, v2;
	v8 =	vld.idx.msk [tilespmem:v15+s2+$0x0], $0xffff;
	[tilespmem:s14+$0x0] =	vst v10  }
0xcf: {  	v19 =	vadd.s32 $0xD00, v3;
	s14 =	sor.u32 $0x5280, s10;
	v10 =	vld.idx.msk [tilespmem:v16+s2+$0x0], $0xffff  }
0xd0: {  	v20 =	vadd.s32 $0xD00, v1;
	s16 =	sor.u32 s1, s14  }
0xd1: {  	s17 =	sor.u32 s11, s14;
	[tilespmem:s16+$0x0] =	vst v4  }
0xd2: {  	s16 =	sor.u32 s12, s14;
	v4 =	vld.idx.msk [tilespmem:v17+s2+$0x0], $0xffff;
	[tilespmem:s17+$0x0] =	vst v6  }
0xd3: {  	v21 =	vadd.s32 $0xD80, v0;
	s14 =	sor.u32 s13, s14;
	v6 =	vld.idx.msk [tilespmem:v18+s2+$0x0], $0xffff;
	[tilespmem:s16+$0x0] =	vst v8  }
0xd4: {  	v22 =	vadd.s32 $0xD80, v2;
	v8 =	vld.idx.msk [tilespmem:v19+s2+$0x0], $0xffff;
	[tilespmem:s14+$0x0] =	vst v10  }
0xd5: {  	v23 =	vadd.s32 $0xD80, v3;
	s14 =	sor.u32 $0x5300, s10;
	v10 =	vld.idx.msk [tilespmem:v20+s2+$0x0], $0xffff  }
0xd6: {  	v24 =	vadd.s32 $0xD80, v1;
	s17 =	sor.u32 s1, s14  }
0xd7: {  	s16 =	sor.u32 s11, s14;
	[tilespmem:s17+$0x0] =	vst v4  }
0xd8: {  	s17 =	sor.u32 s12, s14;
	v4 =	vld.idx.msk [tilespmem:v21+s2+$0x0], $0xffff;
	[tilespmem:s16+$0x0] =	vst v6  }
0xd9: {  	v25 =	vadd.s32 $0xE00, v0;
	s14 =	sor.u32 s13, s14;
	v6 =	vld.idx.msk [tilespmem:v22+s2+$0x0], $0xffff;
	[tilespmem:s17+$0x0] =	vst v8  }
0xda: {  	v26 =	vadd.s32 $0xE00, v2;
	v8 =	vld.idx.msk [tilespmem:v23+s2+$0x0], $0xffff;
	[tilespmem:s14+$0x0] =	vst v10  }
0xdb: {  	v27 =	vadd.s32 $0xE00, v3;
	s14 =	sor.u32 $0x5380, s10;
	v10 =	vld.idx.msk [tilespmem:v24+s2+$0x0], $0xffff  }
0xdc: {  	v28 =	vadd.s32 $0xE00, v1;
	s16 =	sor.u32 s1, s14  }
0xdd: {  	s17 =	sor.u32 s11, s14;
	[tilespmem:s16+$0x0] =	vst v4  }
0xde: {  	s16 =	sor.u32 s12, s14;
	v4 =	vld.idx.msk [tilespmem:v25+s2+$0x0], $0xffff;
	[tilespmem:s17+$0x0] =	vst v6  }
0xdf: {  	v29 =	vadd.s32 $0xE80, v0;
	s14 =	sor.u32 s13, s14;
	v6 =	vld.idx.msk [tilespmem:v26+s2+$0x0], $0xffff;
	[tilespmem:s16+$0x0] =	vst v8  }
0xe0: {  	v30 =	vadd.s32 $0xE80, v2;
	v8 =	vld.idx.msk [tilespmem:v27+s2+$0x0], $0xffff;
	[tilespmem:s14+$0x0] =	vst v10  }
0xe1: {  	v31 =	vadd.s32 $0xE80, v3;
	s14 =	sadd.s32 $0x5400, s10;
	v10 =	vld.idx.msk [tilespmem:v28+s2+$0x0], $0xffff  }
0xe2: {  	v32 =	vadd.s32 $0xE80, v1;
	s17 =	sor.u32 s1, s14  }
0xe3: {  	s16 =	sor.u32 s11, s14;
	[tilespmem:s17+$0x0] =	vst v4  }
0xe4: {  	s17 =	sor.u32 s12, s14;
	v4 =	vld.idx.msk [tilespmem:v29+s2+$0x0], $0xffff;
	[tilespmem:s16+$0x0] =	vst v6  }
0xe5: {  	v33 =	vadd.s32 $0xF00, v0;
	s14 =	sor.u32 s13, s14;
	v6 =	vld.idx.msk [tilespmem:v30+s2+$0x0], $0xffff;
	[tilespmem:s17+$0x0] =	vst v8  }
0xe6: {  	v34 =	vadd.s32 $0xF00, v2;
	v8 =	vld.idx.msk [tilespmem:v31+s2+$0x0], $0xffff;
	[tilespmem:s14+$0x0] =	vst v10  }
0xe7: {  	v35 =	vadd.s32 $0xF00, v3;
	s14 =	sadd.s32 $0x5480, s10;
	v10 =	vld.idx.msk [tilespmem:v32+s2+$0x0], $0xffff  }
0xe8: {  	v36 =	vadd.s32 $0xF00, v1;
	s16 =	sor.u32 s1, s14  }
0xe9: {  	s17 =	sor.u32 s11, s14;
	[tilespmem:s16+$0x0] =	vst v4  }
0xea: {  	s16 =	sor.u32 s12, s14;
	v4 =	vld.idx.msk [tilespmem:v33+s2+$0x0], $0xffff;
	[tilespmem:s17+$0x0] =	vst v6  }
0xeb: {  	v37 =	vadd.s32 $0xF80, v0;
	s14 =	sor.u32 s13, s14;
	v6 =	vld.idx.msk [tilespmem:v34+s2+$0x0], $0xffff;
	[tilespmem:s16+$0x0] =	vst v8  }
0xec: {  	v38 =	vadd.s32 $0xF80, v2;
	v8 =	vld.idx.msk [tilespmem:v35+s2+$0x0], $0xffff;
	[tilespmem:s14+$0x0] =	vst v10  }
0xed: {  	v39 =	vadd.s32 $0xF80, v3;
	s14 =	sadd.s32 $0x5500, s10;
	v10 =	vld.idx.msk [tilespmem:v36+s2+$0x0], $0xffff  }
0xee: {  	v40 =	vadd.s32 $0xF80, v1;
	s17 =	sor.u32 s1, s14  }
0xef: {  	s16 =	sor.u32 s11, s14;
	[tilespmem:s17+$0x0] =	vst v4  }
0xf0: {  	s17 =	sor.u32 s12, s14;
	v4 =	vld.idx.msk [tilespmem:v37+s2+$0x0], $0xffff;
	[tilespmem:s16+$0x0] =	vst v6  }
0xf1: {  	v41 =	vadd.s32 $0x1000, v0;
	s14 =	sor.u32 s13, s14;
	v6 =	vld.idx.msk [tilespmem:v38+s2+$0x0], $0xffff;
	[tilespmem:s17+$0x0] =	vst v8  }
0xf2: {  	v42 =	vadd.s32 $0x1000, v2;
	v8 =	vld.idx.msk [tilespmem:v39+s2+$0x0], $0xffff;
	[tilespmem:s14+$0x0] =	vst v10  }
0xf3: {  	v43 =	vadd.s32 $0x1000, v3;
	s14 =	sadd.s32 $0x5580, s10;
	v10 =	vld.idx.msk [tilespmem:v40+s2+$0x0], $0xffff  }
0xf4: {  	v44 =	vadd.s32 $0x1000, v1;
	s16 =	sor.u32 s1, s14  }
0xf5: {  	s17 =	sor.u32 s11, s14;
	[tilespmem:s16+$0x0] =	vst v4  }
0xf6: {  	s16 =	sor.u32 s12, s14;
	v4 =	vld.idx.msk [tilespmem:v41+s2+$0x0], $0xffff;
	[tilespmem:s17+$0x0] =	vst v6  }
0xf7: {  	v45 =	vadd.s32 $0x1080, v0;
	s14 =	sor.u32 s13, s14;
	v6 =	vld.idx.msk [tilespmem:v42+s2+$0x0], $0xffff;
	[tilespmem:s16+$0x0] =	vst v8  }
0xf8: {  	v46 =	vadd.s32 $0x1080, v2;
	v8 =	vld.idx.msk [tilespmem:v43+s2+$0x0], $0xffff;
	[tilespmem:s14+$0x0] =	vst v10  }
0xf9: {  	v47 =	vadd.s32 $0x1080, v3;
	s14 =	sor.u32 $0x6200, s10;
	v10 =	vld.idx.msk [tilespmem:v44+s2+$0x0], $0xffff  }
0xfa: {  	v48 =	vadd.s32 $0x1080, v1;
	s17 =	sor.u32 s1, s14  }
0xfb: {  	s16 =	sor.u32 s11, s14;
	[tilespmem:s17+$0x0] =	vst v4  }
0xfc: {  	s17 =	sor.u32 s12, s14;
	v4 =	vld.idx.msk [tilespmem:v45+s2+$0x0], $0xffff;
	[tilespmem:s16+$0x0] =	vst v6  }
0xfd: {  	v49 =	vadd.s32 $0x1100, v0;
	s14 =	sor.u32 s13, s14;
	v6 =	vld.idx.msk [tilespmem:v46+s2+$0x0], $0xffff;
	[tilespmem:s17+$0x0] =	vst v8  }
0xfe: {  	v50 =	vadd.s32 $0x1100, v2;
	v8 =	vld.idx.msk [tilespmem:v47+s2+$0x0], $0xffff;
	[tilespmem:s14+$0x0] =	vst v10  }
0xff: {  	v51 =	vadd.s32 $0x1100, v3;
	s14 =	sor.u32 $0x6280, s10;
	v10 =	vld.idx.msk [tilespmem:v48+s2+$0x0], $0xffff  }
0x100: {  	v52 =	vadd.s32 $0x1100, v1;
	s16 =	sor.u32 s1, s14  }
0x101: {  	s17 =	sor.u32 s11, s14;
	[tilespmem:s16+$0x0] =	vst v4  }
0x102: {  	s16 =	sor.u32 s12, s14;
	v4 =	vld.idx.msk [tilespmem:v49+s2+$0x0], $0xffff;
	[tilespmem:s17+$0x0] =	vst v6  }
0x103: {  	v53 =	vadd.s32 $0x1180, v0;
	s14 =	sor.u32 s13, s14;
	v6 =	vld.idx.msk [tilespmem:v50+s2+$0x0], $0xffff;
	[tilespmem:s16+$0x0] =	vst v8  }
0x104: {  	v54 =	vadd.s32 $0x1180, v2;
	v8 =	vld.idx.msk [tilespmem:v51+s2+$0x0], $0xffff;
	[tilespmem:s14+$0x0] =	vst v10  }
0x105: {  	v55 =	vadd.s32 $0x1180, v3;
	s14 =	sor.u32 $0x6300, s10;
	v10 =	vld.idx.msk [tilespmem:v52+s2+$0x0], $0xffff  }
0x106: {  	v56 =	vadd.s32 $0x1180, v1;
	s17 =	sor.u32 s1, s14  }
0x107: {  	s16 =	sor.u32 s11, s14;
	[tilespmem:s17+$0x0] =	vst v4  }
0x108: {  	s17 =	sor.u32 s12, s14;
	v4 =	vld.idx.msk [tilespmem:v53+s2+$0x0], $0xffff;
	[tilespmem:s16+$0x0] =	vst v6  }
0x109: {  	v57 =	vadd.s32 $0x1200, v0;
	s14 =	sor.u32 s13, s14;
	v6 =	vld.idx.msk [tilespmem:v54+s2+$0x0], $0xffff;
	[tilespmem:s17+$0x0] =	vst v8  }
0x10a: {  	v58 =	vadd.s32 $0x1200, v2;
	v8 =	vld.idx.msk [tilespmem:v55+s2+$0x0], $0xffff;
	[tilespmem:s14+$0x0] =	vst v10  }
0x10b: {  	v59 =	vadd.s32 $0x1200, v3;
	s14 =	sor.u32 $0x6380, s10;
	v10 =	vld.idx.msk [tilespmem:v56+s2+$0x0], $0xffff  }
0x10c: {  	v60 =	vadd.s32 $0x1200, v1;
	s16 =	sor.u32 s1, s14  }
0x10d: {  	s17 =	sor.u32 s11, s14;
	[tilespmem:s16+$0x0] =	vst v4  }
0x10e: {  	s16 =	sor.u32 s12, s14;
	v4 =	vld.idx.msk [tilespmem:v57+s2+$0x0], $0xffff;
	[tilespmem:s17+$0x0] =	vst v6  }
0x10f: {  	v61 =	vadd.s32 $0x1280, v0;
	s14 =	sor.u32 s13, s14;
	v6 =	vld.idx.msk [tilespmem:v58+s2+$0x0], $0xffff;
	[tilespmem:s16+$0x0] =	vst v8  }
0x110: {  	v62 =	vadd.s32 $0x1280, v2;
	v8 =	vld.idx.msk [tilespmem:v59+s2+$0x0], $0xffff;
	[tilespmem:s14+$0x0] =	vst v10  }
0x111: {  	v63 =	vadd.s32 $0x1280, v3;
	s14 =	sadd.s32 $0x6400, s10;
	v10 =	vld.idx.msk [tilespmem:v60+s2+$0x0], $0xffff  }
0x112: {  	v12 =	vadd.s32 $0x1280, v1;
	s17 =	sor.u32 s1, s14  }
0x113: {  	s16 =	sor.u32 s11, s14;
	[tilespmem:s17+$0x0] =	vst v4  }
0x114: {  	s17 =	sor.u32 s12, s14;
	v4 =	vld.idx.msk [tilespmem:v61+s2+$0x0], $0xffff;
	[tilespmem:s16+$0x0] =	vst v6  }
0x115: {  	v13 =	vadd.s32 $0x1300, v0;
	s14 =	sor.u32 s13, s14;
	v6 =	vld.idx.msk [tilespmem:v62+s2+$0x0], $0xffff;
	[tilespmem:s17+$0x0] =	vst v8  }
0x116: {  	v14 =	vadd.s32 $0x1300, v2;
	v8 =	vld.idx.msk [tilespmem:v63+s2+$0x0], $0xffff;
	[tilespmem:s14+$0x0] =	vst v10  }
0x117: {  	v15 =	vadd.s32 $0x1300, v3;
	s14 =	sadd.s32 $0x6480, s10;
	v10 =	vld.idx.msk [tilespmem:v12+s2+$0x0], $0xffff  }
0x118: {  	v16 =	vadd.s32 $0x1300, v1;
	s16 =	sor.u32 s1, s14  }
0x119: {  	s17 =	sor.u32 s11, s14;
	[tilespmem:s16+$0x0] =	vst v4  }
0x11a: {  	s16 =	sor.u32 s12, s14;
	v4 =	vld.idx.msk [tilespmem:v13+s2+$0x0], $0xffff;
	[tilespmem:s17+$0x0] =	vst v6  }
0x11b: {  	v17 =	vadd.s32 $0x1380, v0;
	s14 =	sor.u32 s13, s14;
	v6 =	vld.idx.msk [tilespmem:v14+s2+$0x0], $0xffff;
	[tilespmem:s16+$0x0] =	vst v8  }
0x11c: {  	v18 =	vadd.s32 $0x1380, v2;
	v8 =	vld.idx.msk [tilespmem:v15+s2+$0x0], $0xffff;
	[tilespmem:s14+$0x0] =	vst v10  }
0x11d: {  	v19 =	vadd.s32 $0x1380, v3;
	s14 =	sadd.s32 $0x6500, s10;
	v10 =	vld.idx.msk [tilespmem:v16+s2+$0x0], $0xffff  }
0x11e: {  	v20 =	vadd.s32 $0x1380, v1;
	s17 =	sor.u32 s1, s14  }
0x11f: {  	s16 =	sor.u32 s11, s14;
	[tilespmem:s17+$0x0] =	vst v4  }
0x120: {  	s17 =	sor.u32 s12, s14;
	v4 =	vld.idx.msk [tilespmem:v17+s2+$0x0], $0xffff;
	[tilespmem:s16+$0x0] =	vst v6  }
0x121: {  	v21 =	vadd.s32 $0x1400, v0;
	s14 =	sor.u32 s13, s14;
	v6 =	vld.idx.msk [tilespmem:v18+s2+$0x0], $0xffff;
	[tilespmem:s17+$0x0] =	vst v8  }
0x122: {  	v22 =	vadd.s32 $0x1400, v2;
	v8 =	vld.idx.msk [tilespmem:v19+s2+$0x0], $0xffff;
	[tilespmem:s14+$0x0] =	vst v10  }
0x123: {  	v23 =	vadd.s32 $0x1400, v3;
	s14 =	sadd.s32 $0x6580, s10;
	v10 =	vld.idx.msk [tilespmem:v20+s2+$0x0], $0xffff  }
0x124: {  	v24 =	vadd.s32 $0x1400, v1;
	s16 =	sor.u32 s1, s14  }
0x125: {  	s17 =	sor.u32 s11, s14;
	[tilespmem:s16+$0x0] =	vst v4  }
0x126: {  	s16 =	sor.u32 s12, s14;
	v4 =	vld.idx.msk [tilespmem:v21+s2+$0x0], $0xffff;
	[tilespmem:s17+$0x0] =	vst v6  }
0x127: {  	v25 =	vadd.s32 $0x1480, v0;
	s14 =	sor.u32 s13, s14;
	v6 =	vld.idx.msk [tilespmem:v22+s2+$0x0], $0xffff;
	[tilespmem:s16+$0x0] =	vst v8  }
0x128: {  	v26 =	vadd.s32 $0x1480, v2;
	v8 =	vld.idx.msk [tilespmem:v23+s2+$0x0], $0xffff;
	[tilespmem:s14+$0x0] =	vst v10  }
0x129: {  	v27 =	vadd.s32 $0x1480, v3;
	s14 =	sor.u32 $0x7200, s10;
	v10 =	vld.idx.msk [tilespmem:v24+s2+$0x0], $0xffff  }
0x12a: {  	v28 =	vadd.s32 $0x1480, v1;
	s17 =	sor.u32 s1, s14  }
0x12b: {  	s16 =	sor.u32 s11, s14;
	[tilespmem:s17+$0x0] =	vst v4  }
0x12c: {  	s17 =	sor.u32 s12, s14;
	v4 =	vld.idx.msk [tilespmem:v25+s2+$0x0], $0xffff;
	[tilespmem:s16+$0x0] =	vst v6  }
0x12d: {  	v29 =	vadd.s32 $0x1500, v0;
	s14 =	sor.u32 s13, s14;
	v6 =	vld.idx.msk [tilespmem:v26+s2+$0x0], $0xffff;
	[tilespmem:s17+$0x0] =	vst v8  }
0x12e: {  	v30 =	vadd.s32 $0x1500, v2;
	v8 =	vld.idx.msk [tilespmem:v27+s2+$0x0], $0xffff;
	[tilespmem:s14+$0x0] =	vst v10  }
0x12f: {  	v31 =	vadd.s32 $0x1500, v3;
	s14 =	sor.u32 $0x7280, s10;
	v10 =	vld.idx.msk [tilespmem:v28+s2+$0x0], $0xffff  }
0x130: {  	v32 =	vadd.s32 $0x1500, v1;
	s16 =	sor.u32 s1, s14  }
0x131: {  	s17 =	sor.u32 s11, s14;
	[tilespmem:s16+$0x0] =	vst v4  }
0x132: {  	s16 =	sor.u32 s12, s14;
	v4 =	vld.idx.msk [tilespmem:v29+s2+$0x0], $0xffff;
	[tilespmem:s17+$0x0] =	vst v6  }
0x133: {  	v33 =	vadd.s32 $0x1580, v0;
	s14 =	sor.u32 s13, s14;
	v6 =	vld.idx.msk [tilespmem:v30+s2+$0x0], $0xffff;
	[tilespmem:s16+$0x0] =	vst v8  }
0x134: {  	v34 =	vadd.s32 $0x1580, v2;
	v8 =	vld.idx.msk [tilespmem:v31+s2+$0x0], $0xffff;
	[tilespmem:s14+$0x0] =	vst v10  }
0x135: {  	v35 =	vadd.s32 $0x1580, v3;
	s14 =	sor.u32 $0x7300, s10;
	v10 =	vld.idx.msk [tilespmem:v32+s2+$0x0], $0xffff  }
0x136: {  	v36 =	vadd.s32 $0x1580, v1;
	s17 =	sor.u32 s1, s14  }
0x137: {  	s16 =	sor.u32 s11, s14;
	[tilespmem:s17+$0x0] =	vst v4  }
0x138: {  	s17 =	sor.u32 s12, s14;
	v4 =	vld.idx.msk [tilespmem:v33+s2+$0x0], $0xffff;
	[tilespmem:s16+$0x0] =	vst v6  }
0x139: {  	v37 =	vadd.s32 $0x1600, v0;
	s14 =	sor.u32 s13, s14;
	v6 =	vld.idx.msk [tilespmem:v34+s2+$0x0], $0xffff;
	[tilespmem:s17+$0x0] =	vst v8  }
0x13a: {  	v38 =	vadd.s32 $0x1600, v2;
	v8 =	vld.idx.msk [tilespmem:v35+s2+$0x0], $0xffff;
	[tilespmem:s14+$0x0] =	vst v10  }
0x13b: {  	v39 =	vadd.s32 $0x1600, v3;
	s14 =	sor.u32 $0x7380, s10;
	v10 =	vld.idx.msk [tilespmem:v36+s2+$0x0], $0xffff  }
0x13c: {  	v40 =	vadd.s32 $0x1600, v1;
	s16 =	sor.u32 s1, s14  }
0x13d: {  	s17 =	sor.u32 s11, s14;
	[tilespmem:s16+$0x0] =	vst v4  }
0x13e: {  	s16 =	sor.u32 s12, s14;
	v4 =	vld.idx.msk [tilespmem:v37+s2+$0x0], $0xffff;
	[tilespmem:s17+$0x0] =	vst v6  }
0x13f: {  	v41 =	vadd.s32 $0x1680, v0;
	s14 =	sor.u32 s13, s14;
	v6 =	vld.idx.msk [tilespmem:v38+s2+$0x0], $0xffff;
	[tilespmem:s16+$0x0] =	vst v8  }
0x140: {  	v42 =	vadd.s32 $0x1680, v2;
	v8 =	vld.idx.msk [tilespmem:v39+s2+$0x0], $0xffff;
	[tilespmem:s14+$0x0] =	vst v10  }
0x141: {  	v43 =	vadd.s32 $0x1680, v3;
	s14 =	sadd.s32 $0x7400, s10;
	v10 =	vld.idx.msk [tilespmem:v40+s2+$0x0], $0xffff  }
0x142: {  	v44 =	vadd.s32 $0x1680, v1;
	s17 =	sor.u32 s1, s14  }
0x143: {  	s16 =	sor.u32 s11, s14;
	[tilespmem:s17+$0x0] =	vst v4  }
0x144: {  	s17 =	sor.u32 s12, s14;
	v4 =	vld.idx.msk [tilespmem:v41+s2+$0x0], $0xffff;
	[tilespmem:s16+$0x0] =	vst v6  }
0x145: {  	v45 =	vadd.s32 $0x1700, v0;
	s14 =	sor.u32 s13, s14;
	v6 =	vld.idx.msk [tilespmem:v42+s2+$0x0], $0xffff;
	[tilespmem:s17+$0x0] =	vst v8  }
0x146: {  	v46 =	vadd.s32 $0x1700, v2;
	v8 =	vld.idx.msk [tilespmem:v43+s2+$0x0], $0xffff;
	[tilespmem:s14+$0x0] =	vst v10  }
0x147: {  	v47 =	vadd.s32 $0x1700, v3;
	s14 =	sadd.s32 $0x7480, s10;
	v10 =	vld.idx.msk [tilespmem:v44+s2+$0x0], $0xffff  }
0x148: {  	v48 =	vadd.s32 $0x1700, v1;
	s16 =	sor.u32 s1, s14  }
0x149: {  	s17 =	sor.u32 s11, s14;
	[tilespmem:s16+$0x0] =	vst v4  }
0x14a: {  	s16 =	sor.u32 s12, s14;
	v4 =	vld.idx.msk [tilespmem:v45+s2+$0x0], $0xffff;
	[tilespmem:s17+$0x0] =	vst v6  }
0x14b: {  	v49 =	vadd.s32 $0x1780, v0;
	s14 =	sor.u32 s13, s14;
	v6 =	vld.idx.msk [tilespmem:v46+s2+$0x0], $0xffff;
	[tilespmem:s16+$0x0] =	vst v8  }
0x14c: {  	v50 =	vadd.s32 $0x1780, v2;
	v8 =	vld.idx.msk [tilespmem:v47+s2+$0x0], $0xffff;
	[tilespmem:s14+$0x0] =	vst v10  }
0x14d: {  	v51 =	vadd.s32 $0x1780, v3;
	s14 =	sadd.s32 $0x7500, s10;
	v10 =	vld.idx.msk [tilespmem:v48+s2+$0x0], $0xffff  }
0x14e: {  	v52 =	vadd.s32 $0x1780, v1;
	s17 =	sor.u32 s1, s14  }
0x14f: {  	s16 =	sor.u32 s11, s14;
	[tilespmem:s17+$0x0] =	vst v4  }
0x150: {  	s17 =	sor.u32 s12, s14;
	v4 =	vld.idx.msk [tilespmem:v49+s2+$0x0], $0xffff;
	[tilespmem:s16+$0x0] =	vst v6  }
0x151: {  	v53 =	vadd.s32 $0x1800, v0;
	s14 =	sor.u32 s13, s14;
	v6 =	vld.idx.msk [tilespmem:v50+s2+$0x0], $0xffff;
	[tilespmem:s17+$0x0] =	vst v8  }
0x152: {  	v54 =	vadd.s32 $0x1800, v2;
	v8 =	vld.idx.msk [tilespmem:v51+s2+$0x0], $0xffff;
	[tilespmem:s14+$0x0] =	vst v10  }
0x153: {  	v55 =	vadd.s32 $0x1800, v3;
	s14 =	sadd.s32 $0x7580, s10;
	v10 =	vld.idx.msk [tilespmem:v52+s2+$0x0], $0xffff  }
0x154: {  	v56 =	vadd.s32 $0x1800, v1;
	s16 =	sor.u32 s1, s14  }
0x155: {  	s17 =	sor.u32 s11, s14;
	[tilespmem:s16+$0x0] =	vst v4  }
0x156: {  	s16 =	sor.u32 s12, s14;
	v4 =	vld.idx.msk [tilespmem:v53+s2+$0x0], $0xffff;
	[tilespmem:s17+$0x0] =	vst v6  }
0x157: {  	v57 =	vadd.s32 $0x1880, v0;
	s14 =	sor.u32 s13, s14;
	v6 =	vld.idx.msk [tilespmem:v54+s2+$0x0], $0xffff;
	[tilespmem:s16+$0x0] =	vst v8  }
0x158: {  	v58 =	vadd.s32 $0x1880, v2;
	v8 =	vld.idx.msk [tilespmem:v55+s2+$0x0], $0xffff;
	[tilespmem:s14+$0x0] =	vst v10  }
0x159: {  	v59 =	vadd.s32 $0x1880, v3;
	s14 =	sor.u32 $0x8200, s10;
	v10 =	vld.idx.msk [tilespmem:v56+s2+$0x0], $0xffff  }
0x15a: {  	v60 =	vadd.s32 $0x1880, v1;
	s17 =	sor.u32 s1, s14  }
0x15b: {  	s16 =	sor.u32 s11, s14;
	[tilespmem:s17+$0x0] =	vst v4  }
0x15c: {  	s17 =	sor.u32 s12, s14;
	v4 =	vld.idx.msk [tilespmem:v57+s2+$0x0], $0xffff;
	[tilespmem:s16+$0x0] =	vst v6  }
0x15d: {  	v61 =	vadd.s32 $0x1900, v0;
	s14 =	sor.u32 s13, s14;
	v6 =	vld.idx.msk [tilespmem:v58+s2+$0x0], $0xffff;
	[tilespmem:s17+$0x0] =	vst v8  }
0x15e: {  	v62 =	vadd.s32 $0x1900, v2;
	v8 =	vld.idx.msk [tilespmem:v59+s2+$0x0], $0xffff;
	[tilespmem:s14+$0x0] =	vst v10  }
0x15f: {  	v63 =	vadd.s32 $0x1900, v3;
	s14 =	sor.u32 $0x8280, s10;
	v10 =	vld.idx.msk [tilespmem:v60+s2+$0x0], $0xffff  }
0x160: {  	v12 =	vadd.s32 $0x1900, v1;
	s16 =	sor.u32 s1, s14  }
0x161: {  	s17 =	sor.u32 s11, s14;
	[tilespmem:s16+$0x0] =	vst v4  }
0x162: {  	s16 =	sor.u32 s12, s14;
	v4 =	vld.idx.msk [tilespmem:v61+s2+$0x0], $0xffff;
	[tilespmem:s17+$0x0] =	vst v6  }
0x163: {  	v13 =	vadd.s32 $0x1980, v0;
	s14 =	sor.u32 s13, s14;
	v6 =	vld.idx.msk [tilespmem:v62+s2+$0x0], $0xffff;
	[tilespmem:s16+$0x0] =	vst v8  }
0x164: {  	v14 =	vadd.s32 $0x1980, v2;
	v8 =	vld.idx.msk [tilespmem:v63+s2+$0x0], $0xffff;
	[tilespmem:s14+$0x0] =	vst v10  }
0x165: {  	v15 =	vadd.s32 $0x1980, v3;
	s14 =	sor.u32 $0x8300, s10;
	v10 =	vld.idx.msk [tilespmem:v12+s2+$0x0], $0xffff  }
0x166: {  	v16 =	vadd.s32 $0x1980, v1;
	s17 =	sor.u32 s1, s14  }
0x167: {  	s16 =	sor.u32 s11, s14;
	[tilespmem:s17+$0x0] =	vst v4  }
0x168: {  	s17 =	sor.u32 s12, s14;
	v4 =	vld.idx.msk [tilespmem:v13+s2+$0x0], $0xffff;
	[tilespmem:s16+$0x0] =	vst v6  }
0x169: {  	v17 =	vadd.s32 $0x1A00, v0;
	s14 =	sor.u32 s13, s14;
	v6 =	vld.idx.msk [tilespmem:v14+s2+$0x0], $0xffff;
	[tilespmem:s17+$0x0] =	vst v8  }
0x16a: {  	v18 =	vadd.s32 $0x1A00, v2;
	v8 =	vld.idx.msk [tilespmem:v15+s2+$0x0], $0xffff;
	[tilespmem:s14+$0x0] =	vst v10  }
0x16b: {  	v19 =	vadd.s32 $0x1A00, v3;
	s14 =	sor.u32 $0x8380, s10;
	v10 =	vld.idx.msk [tilespmem:v16+s2+$0x0], $0xffff  }
0x16c: {  	v20 =	vadd.s32 $0x1A00, v1;
	s16 =	sor.u32 s1, s14  }
0x16d: {  	s17 =	sor.u32 s11, s14;
	[tilespmem:s16+$0x0] =	vst v4  }
0x16e: {  	s16 =	sor.u32 s12, s14;
	v4 =	vld.idx.msk [tilespmem:v17+s2+$0x0], $0xffff;
	[tilespmem:s17+$0x0] =	vst v6  }
0x16f: {  	v21 =	vadd.s32 $0x1A80, v0;
	s14 =	sor.u32 s13, s14;
	v6 =	vld.idx.msk [tilespmem:v18+s2+$0x0], $0xffff;
	[tilespmem:s16+$0x0] =	vst v8  }
0x170: {  	v22 =	vadd.s32 $0x1A80, v2;
	v8 =	vld.idx.msk [tilespmem:v19+s2+$0x0], $0xffff;
	[tilespmem:s14+$0x0] =	vst v10  }
0x171: {  	v23 =	vadd.s32 $0x1A80, v3;
	s14 =	sadd.s32 $0x8400, s10;
	v10 =	vld.idx.msk [tilespmem:v20+s2+$0x0], $0xffff  }
0x172: {  	v24 =	vadd.s32 $0x1A80, v1;
	s17 =	sor.u32 s1, s14  }
0x173: {  	s16 =	sor.u32 s11, s14;
	[tilespmem:s17+$0x0] =	vst v4  }
0x174: {  	s17 =	sor.u32 s12, s14;
	v4 =	vld.idx.msk [tilespmem:v21+s2+$0x0], $0xffff;
	[tilespmem:s16+$0x0] =	vst v6  }
0x175: {  	v25 =	vadd.s32 $0x1B00, v0;
	s14 =	sor.u32 s13, s14;
	v6 =	vld.idx.msk [tilespmem:v22+s2+$0x0], $0xffff;
	[tilespmem:s17+$0x0] =	vst v8  }
0x176: {  	v26 =	vadd.s32 $0x1B00, v2;
	v8 =	vld.idx.msk [tilespmem:v23+s2+$0x0], $0xffff;
	[tilespmem:s14+$0x0] =	vst v10  }
0x177: {  	v27 =	vadd.s32 $0x1B00, v3;
	s14 =	sadd.s32 $0x8480, s10;
	v10 =	vld.idx.msk [tilespmem:v24+s2+$0x0], $0xffff  }
0x178: {  	v28 =	vadd.s32 $0x1B00, v1;
	s16 =	sor.u32 s1, s14  }
0x179: {  	s17 =	sor.u32 s11, s14;
	[tilespmem:s16+$0x0] =	vst v4  }
0x17a: {  	s16 =	sor.u32 s12, s14;
	v4 =	vld.idx.msk [tilespmem:v25+s2+$0x0], $0xffff;
	[tilespmem:s17+$0x0] =	vst v6  }
0x17b: {  	v29 =	vadd.s32 $0x1B80, v0;
	s14 =	sor.u32 s13, s14;
	v6 =	vld.idx.msk [tilespmem:v26+s2+$0x0], $0xffff;
	[tilespmem:s16+$0x0] =	vst v8  }
0x17c: {  	v30 =	vadd.s32 $0x1B80, v2;
	v8 =	vld.idx.msk [tilespmem:v27+s2+$0x0], $0xffff;
	[tilespmem:s14+$0x0] =	vst v10  }
0x17d: {  	v31 =	vadd.s32 $0x1B80, v3;
	s14 =	sadd.s32 $0x8500, s10;
	v10 =	vld.idx.msk [tilespmem:v28+s2+$0x0], $0xffff  }
0x17e: {  	v32 =	vadd.s32 $0x1B80, v1;
	s17 =	sor.u32 s1, s14  }
0x17f: {  	s16 =	sor.u32 s11, s14;
	[tilespmem:s17+$0x0] =	vst v4  }
0x180: {  	s17 =	sor.u32 s12, s14;
	v4 =	vld.idx.msk [tilespmem:v29+s2+$0x0], $0xffff;
	[tilespmem:s16+$0x0] =	vst v6  }
0x181: {  	v33 =	vadd.s32 $0x1C00, v0;
	s14 =	sor.u32 s13, s14;
	v6 =	vld.idx.msk [tilespmem:v30+s2+$0x0], $0xffff;
	[tilespmem:s17+$0x0] =	vst v8  }
0x182: {  	v34 =	vadd.s32 $0x1C00, v2;
	v8 =	vld.idx.msk [tilespmem:v31+s2+$0x0], $0xffff;
	[tilespmem:s14+$0x0] =	vst v10  }
0x183: {  	v35 =	vadd.s32 $0x1C00, v3;
	s14 =	sadd.s32 $0x8580, s10;
	v10 =	vld.idx.msk [tilespmem:v32+s2+$0x0], $0xffff  }
0x184: {  	v36 =	vadd.s32 $0x1C00, v1;
	s16 =	sor.u32 s1, s14  }
0x185: {  	s17 =	sor.u32 s11, s14;
	[tilespmem:s16+$0x0] =	vst v4  }
0x186: {  	s16 =	sor.u32 s12, s14;
	v4 =	vld.idx.msk [tilespmem:v33+s2+$0x0], $0xffff;
	[tilespmem:s17+$0x0] =	vst v6  }
0x187: {  	v37 =	vadd.s32 $0x1C80, v0;
	s14 =	sor.u32 s13, s14;
	v6 =	vld.idx.msk [tilespmem:v34+s2+$0x0], $0xffff;
	[tilespmem:s16+$0x0] =	vst v8  }
0x188: {  	v38 =	vadd.s32 $0x1C80, v2;
	v8 =	vld.idx.msk [tilespmem:v35+s2+$0x0], $0xffff;
	[tilespmem:s14+$0x0] =	vst v10  }
0x189: {  	v39 =	vadd.s32 $0x1C80, v3;
	s14 =	sor.u32 $0x9200, s10;
	v10 =	vld.idx.msk [tilespmem:v36+s2+$0x0], $0xffff  }
0x18a: {  	v40 =	vadd.s32 $0x1C80, v1;
	s17 =	sor.u32 s1, s14  }
0x18b: {  	s16 =	sor.u32 s11, s14;
	[tilespmem:s17+$0x0] =	vst v4  }
0x18c: {  	s17 =	sor.u32 s12, s14;
	v4 =	vld.idx.msk [tilespmem:v37+s2+$0x0], $0xffff;
	[tilespmem:s16+$0x0] =	vst v6  }
0x18d: {  	v41 =	vadd.s32 $0x1D00, v0;
	s14 =	sor.u32 s13, s14;
	v6 =	vld.idx.msk [tilespmem:v38+s2+$0x0], $0xffff;
	[tilespmem:s17+$0x0] =	vst v8  }
0x18e: {  	v42 =	vadd.s32 $0x1D00, v2;
	v8 =	vld.idx.msk [tilespmem:v39+s2+$0x0], $0xffff;
	[tilespmem:s14+$0x0] =	vst v10  }
0x18f: {  	v43 =	vadd.s32 $0x1D00, v3;
	s14 =	sor.u32 $0x9280, s10;
	v10 =	vld.idx.msk [tilespmem:v40+s2+$0x0], $0xffff  }
0x190: {  	v44 =	vadd.s32 $0x1D00, v1;
	s16 =	sor.u32 s1, s14  }
0x191: {  	s17 =	sor.u32 s11, s14;
	[tilespmem:s16+$0x0] =	vst v4  }
0x192: {  	s16 =	sor.u32 s12, s14;
	v4 =	vld.idx.msk [tilespmem:v41+s2+$0x0], $0xffff;
	[tilespmem:s17+$0x0] =	vst v6  }
0x193: {  	v45 =	vadd.s32 $0x1D80, v0;
	s14 =	sor.u32 s13, s14;
	v6 =	vld.idx.msk [tilespmem:v42+s2+$0x0], $0xffff;
	[tilespmem:s16+$0x0] =	vst v8  }
0x194: {  	v46 =	vadd.s32 $0x1D80, v2;
	v8 =	vld.idx.msk [tilespmem:v43+s2+$0x0], $0xffff;
	[tilespmem:s14+$0x0] =	vst v10  }
0x195: {  	v47 =	vadd.s32 $0x1D80, v3;
	s14 =	sor.u32 $0x9300, s10;
	v10 =	vld.idx.msk [tilespmem:v44+s2+$0x0], $0xffff  }
0x196: {  	v48 =	vadd.s32 $0x1D80, v1;
	s17 =	sor.u32 s1, s14  }
0x197: {  	s16 =	sor.u32 s11, s14;
	[tilespmem:s17+$0x0] =	vst v4  }
0x198: {  	s17 =	sor.u32 s12, s14;
	v4 =	vld.idx.msk [tilespmem:v45+s2+$0x0], $0xffff;
	[tilespmem:s16+$0x0] =	vst v6  }
0x199: {  	v49 =	vadd.s32 $0x1E00, v0;
	s14 =	sor.u32 s13, s14;
	v6 =	vld.idx.msk [tilespmem:v46+s2+$0x0], $0xffff;
	[tilespmem:s17+$0x0] =	vst v8  }
0x19a: {  	v50 =	vadd.s32 $0x1E00, v2;
	v8 =	vld.idx.msk [tilespmem:v47+s2+$0x0], $0xffff;
	[tilespmem:s14+$0x0] =	vst v10  }
0x19b: {  	v51 =	vadd.s32 $0x1E00, v3;
	s14 =	sor.u32 $0x9380, s10;
	v10 =	vld.idx.msk [tilespmem:v48+s2+$0x0], $0xffff  }
0x19c: {  	v52 =	vadd.s32 $0x1E00, v1;
	s16 =	sor.u32 s1, s14  }
0x19d: {  	s17 =	sor.u32 s11, s14;
	[tilespmem:s16+$0x0] =	vst v4  }
0x19e: {  	s16 =	sor.u32 s12, s14;
	v4 =	vld.idx.msk [tilespmem:v49+s2+$0x0], $0xffff;
	[tilespmem:s17+$0x0] =	vst v6  }
0x19f: {  	v53 =	vadd.s32 $0x1E80, v0;
	s14 =	sor.u32 s13, s14;
	v6 =	vld.idx.msk [tilespmem:v50+s2+$0x0], $0xffff;
	[tilespmem:s16+$0x0] =	vst v8  }
0x1a0: {  	v54 =	vadd.s32 $0x1E80, v2;
	v8 =	vld.idx.msk [tilespmem:v51+s2+$0x0], $0xffff;
	[tilespmem:s14+$0x0] =	vst v10  }
0x1a1: {  	v55 =	vadd.s32 $0x1E80, v3;
	s14 =	sadd.s32 $0x9400, s10;
	v10 =	vld.idx.msk [tilespmem:v52+s2+$0x0], $0xffff  }
0x1a2: {  	v56 =	vadd.s32 $0x1E80, v1;
	s17 =	sor.u32 s1, s14  }
0x1a3: {  	s16 =	sor.u32 s11, s14;
	[tilespmem:s17+$0x0] =	vst v4  }
0x1a4: {  	s17 =	sor.u32 s12, s14;
	v4 =	vld.idx.msk [tilespmem:v53+s2+$0x0], $0xffff;
	[tilespmem:s16+$0x0] =	vst v6  }
0x1a5: {  	v57 =	vadd.s32 $0x1F00, v0;
	s14 =	sor.u32 s13, s14;
	v6 =	vld.idx.msk [tilespmem:v54+s2+$0x0], $0xffff;
	[tilespmem:s17+$0x0] =	vst v8  }
0x1a6: {  	v58 =	vadd.s32 $0x1F00, v2;
	v8 =	vld.idx.msk [tilespmem:v55+s2+$0x0], $0xffff;
	[tilespmem:s14+$0x0] =	vst v10  }
0x1a7: {  	v59 =	vadd.s32 $0x1F00, v3;
	s14 =	sadd.s32 $0x9480, s10;
	v10 =	vld.idx.msk [tilespmem:v56+s2+$0x0], $0xffff  }
0x1a8: {  	v60 =	vadd.s32 $0x1F00, v1;
	s16 =	sor.u32 s1, s14  }
0x1a9: {  	s17 =	sor.u32 s11, s14;
	[tilespmem:s16+$0x0] =	vst v4  }
0x1aa: {  	s16 =	sor.u32 s12, s14;
	v4 =	vld.idx.msk [tilespmem:v57+s2+$0x0], $0xffff;
	[tilespmem:s17+$0x0] =	vst v6  }
0x1ab: {  	v0 =	vadd.s32 $0x1F80, v0;
	s14 =	sor.u32 s13, s14;
	[tilespmem:s16+$0x0] =	vst v8;
	v61 =	vld.idx.msk [tilespmem:v58+s2+$0x0], $0xffff  }
0x1ac: {  	v2 =	vadd.s32 $0x1F80, v2;
	[tilespmem:s14+$0x0] =	vst v10;
	v62 =	vld.idx.msk [tilespmem:v59+s2+$0x0], $0xffff  }
0x1ad: {  	v3 =	vadd.s32 $0x1F80, v3;
	s14 =	sadd.s32 $0x9500, s10;
	v63 =	vld.idx.msk [tilespmem:v60+s2+$0x0], $0xffff  }
0x1ae: {  	v1 =	vadd.s32 $0x1F80, v1;
	s17 =	sor.u32 s1, s14  }
0x1af: {  	s16 =	sor.u32 s11, s14;
	[tilespmem:s17+$0x0] =	vst v4  }
0x1b0: {  	s17 =	sor.u32 s12, s14;
	v0 =	vld.idx.msk [tilespmem:v0+s2+$0x0], $0xffff;
	[tilespmem:s16+$0x0] =	vst v61  }
0x1b1: {  	s14 =	sor.u32 s13, s14;
	[tilespmem:s17+$0x0] =	vst v62;
	v2 =	vld.idx.msk [tilespmem:v2+s2+$0x0], $0xffff  }
0x1b2: {  	s29 =	sadd.s32 $0x4, s29;
	[tilespmem:s14+$0x0] =	vst v63;
	v3 =	vld.idx.msk [tilespmem:v3+s2+$0x0], $0xffff  }
0x1b3: {  	p1 =	slt.u32 s29, $0xC;
	s10 =	sadd.s32 $0x9580, s10;
	v1 =	vld.idx.msk [tilespmem:v1+s2+$0x0], $0xffff  }
.Ltmp0:
0x1b4: {  	s1 =	sor.u32 s1, s10;
	(pc) =	sbr.rel @p1 .LBB2_2-.Ltmp0, $4  }
0x1b5: {  	s16 =	sor.u32 s11, s10;
	[tilespmem:s1+$0x0] =	vst v0  }
0x1b6: {  	s17 =	sor.u32 s12, s10;
	[tilespmem:s16+$0x0] =	vst v2  }
0x1b7: {  	s30 =	sadd.s32 $0x40, s30;
	s28 =	sadd.s32 $0x40, s28;
	s10 =	sor.u32 s13, s10;
	[tilespmem:s17+$0x0] =	vst v3  }
0x1b8: {  	p0 =	por !p0, !p0;
	s0 =	sadd.s32 $0x200, s0;
	s31 =	sadd.s32 $0x240, s31;
	[tilespmem:s10+$0x0] =	vst v1  }
0x1b9: {  	s0 =	simm.s32 $0x2200  }
0x1ba: {  	[hbm4b:s5+s2] =	stream.linear.scatter [tilespmem:s0], [sflag:$0x1], $0x800, $0x38;
	[tilespmem:$0xA200] =	vst v63  }
0x1bb: {  	s16 =	sadd.s32 $0x4000, s5;
	s1 =	simm.s32 $0x3200  }
0x1bc: {  	[hbm4b:s16+s2] =	stream.linear.scatter [tilespmem:s1], [sflag:$0x1], $0x800, $0x38;
	[tilespmem:$0xA200] =	vst v63  }
0x1bd: {  	s17 =	sadd.s32 $0x8000, s5;
	s31 =	simm.s32 $0x4200  }
0x1be: {  	[hbm4b:s17+s2] =	stream.linear.scatter [tilespmem:s31], [sflag:$0x1], $0x800, $0x38;
	[tilespmem:$0xA200] =	vst v63  }
0x1bf: {  	s10 =	simm.s32 $0x5200;
	s11 =	sadd.s32 $0x10000, s5;
	s1 =	sadd.s32 $0xC000, s5  }
0x1c0: {  	[hbm4b:s1+s2] =	stream.linear.scatter [tilespmem:s10], [sflag:$0x1], $0x800, $0x38;
	[tilespmem:$0xA200] =	vst v63  }
0x1c1: {  	s12 =	simm.s32 $0x6200;
	s13 =	sadd.s32 $0x14000, s5;
	s14 =	simm.s32 $0x7200  }
0x1c2: {  	[hbm4b:s11+s2] =	stream.linear.scatter [tilespmem:s12], [sflag:$0x1], $0x800, $0x38;
	[tilespmem:$0xA200] =	vst v63  }
0x1c3: {  	s15 =	sadd.s32 $0x18000, s5;
	s28 =	simm.s32 $0xC;
	s29 =	simm.s32 $0x800  }
0x1c4: {  	[hbm4b:s13+s2] =	stream.linear.scatter [tilespmem:s14], [sflag:$0x1], $0x800, $0x38;
	[tilespmem:$0xA200] =	vst v63  }
0x1c5: {  	p0 =	por $0x0, $0x0;
	s30 =	simm.s32 $0x100;
	s16 =	simm.s32 $0x8200  }
0x1c6: {  	[hbm4b:s15+s2] =	stream.linear.scatter [tilespmem:s16], [sflag:$0x1], $0x800, $0x38;
	[tilespmem:$0xA200] =	vst v63  }
0x1c7: {  	s0 =	simm.s32 $0x2100;
	s17 =	sadd.s32 $0x1C000, s5;
	s31 =	simm.s32 $0x9200  }
0x1c8: {  	[hbm4b:s17+s2] =	stream.linear.scatter [tilespmem:s31], [sflag:$0x1], $0x800, $0x38;
	[tilespmem:$0xA200] =	vst v63  }
.LBB2_4:
0x1c9: {  	v0 =	vld [tilespmem:s0+$0x0];
	_ =	sdelay $0x7  }
0x1ca: {  	v1 =	vld.idx.msk [tilespmem:v0+s2+$0x0], $0xffff  }
0x1cb: {  	v2 =	vadd.s32 $0x80, v0  }
0x1cc: {  	s1 =	sand.u32 $0xC00, s29  }
0x1cd: {  	s31 =	sand.u32 $0x40, s30;
	s14 =	sor.u32 $0x2200, s1  }
0x1ce: {  	s10 =	sor.u32 s31, s14  }
0x1cf: {  	[tilespmem:s10+$0x0] =	vst v1  }
0x1d0: {  	v1 =	vld.idx.msk [tilespmem:v2+s2+$0x0], $0xffff  }
0x1d1: {  	v27 =	vadd.s32 $0x100, v0;
	_ =	sdelay $0x3  }
0x1d2: {  	[tilespmem:s10+$0x80] =	vst v1  }
0x1d3: {  	v1 =	vld.idx.msk [tilespmem:v27+s2+$0x0], $0xffff  }
0x1d4: {  	v28 =	vadd.s32 $0x180, v0;
	_ =	sdelay $0x3  }
0x1d5: {  	[tilespmem:s10+$0x100] =	vst v1  }
0x1d6: {  	v1 =	vld.idx.msk [tilespmem:v28+s2+$0x0], $0xffff  }
0x1d7: {  	v29 =	vadd.s32 $0x200, v0;
	_ =	sdelay $0x3  }
0x1d8: {  	[tilespmem:s10+$0x180] =	vst v1  }
0x1d9: {  	s10 =	simm.s32 $0x1;
	v1 =	vld.idx.msk [tilespmem:v29+s2+$0x0], $0xffff  }
0x1da: {  	v30 =	vadd.s32 $0x280, v0;
	s10 =	simm.s32 @!p0 $0x0  }
0x1db: {  	s10 =	sshll.u32 s10, $0x6  }
0x1dc: {  	s13 =	sadd.s32 s10, s29  }
0x1dd: {  	s10 =	sor.u32 $0x200, s13  }
0x1de: {  	[tilespmem:s10+$0x2200] =	vst v1  }
0x1df: {  	v1 =	vld.idx.msk [tilespmem:v30+s2+$0x0], $0xffff  }
0x1e0: {  	v31 =	vadd.s32 $0x300, v0;
	_ =	sdelay $0x2  }
0x1e1: {  	s12 =	sor.u32 $0x280, s13  }
0x1e2: {  	[tilespmem:s12+$0x2200] =	vst v1  }
0x1e3: {  	v1 =	vld.idx.msk [tilespmem:v31+s2+$0x0], $0xffff  }
0x1e4: {  	v32 =	vadd.s32 $0x380, v0;
	_ =	sdelay $0x2  }
0x1e5: {  	s15 =	sor.u32 $0x300, s13  }
0x1e6: {  	[tilespmem:s15+$0x2200] =	vst v1  }
0x1e7: {  	v1 =	vld.idx.msk [tilespmem:v32+s2+$0x0], $0xffff;
	_ =	sdelay $0x2  }
0x1e8: {  	s16 =	sor.u32 s29, s30;
	s11 =	sand.u32 $0x180, s30  }
0x1e9: {  	s10 =	sor.u32 $0x10, s31;
	s12 =	sor.u32 $0x380, s16;
	s15 =	sor.u32 $0x2000, s11  }
0x1ea: {  	s11 =	sor.u32 $0x20, s31;
	s17 =	sor.u32 s10, s15;
	[tilespmem:s12+$0x2200] =	vst v1  }
0x1eb: {  	s16 =	sor.u32 s11, s15;
	s12 =	sor.u32 $0x30, s31;
	v2 =	vld [tilespmem:s17+$0x0]  }
0x1ec: {  	v3 =	vld [tilespmem:s16+$0x0];
	s15 =	sor.u32 s12, s15  }
0x1ed: {  	v1 =	vld [tilespmem:s15+$0x0];
	_ =	sdelay $0x5  }
0x1ee: {  	v4 =	vld.idx.msk [tilespmem:v2+s2+$0x0], $0xffff  }
0x1ef: {  	v5 =	vadd.s32 $0x80, v2;
	v6 =	vld.idx.msk [tilespmem:v3+s2+$0x0], $0xffff  }
0x1f0: {  	v7 =	vadd.s32 $0x80, v3;
	v8 =	vld.idx.msk [tilespmem:v1+s2+$0x0], $0xffff  }
0x1f1: {  	v9 =	vadd.s32 $0x80, v1  }
0x1f2: {  	s16 =	sor.u32 s10, s14  }
0x1f3: {  	s17 =	sor.u32 s11, s14;
	[tilespmem:s16+$0x0] =	vst v4  }
0x1f4: {  	s14 =	sor.u32 s12, s14;
	[tilespmem:s17+$0x0] =	vst v6;
	v4 =	vld.idx.msk [tilespmem:v5+s2+$0x0], $0xffff  }
0x1f5: {  	v33 =	vadd.s32 $0x100, v2;
	v6 =	vld.idx.msk [tilespmem:v7+s2+$0x0], $0xffff;
	[tilespmem:s14+$0x0] =	vst v8  }
0x1f6: {  	v34 =	vadd.s32 $0x100, v3;
	v8 =	vld.idx.msk [tilespmem:v9+s2+$0x0], $0xffff  }
0x1f7: {  	v35 =	vadd.s32 $0x100, v1;
	_ =	sdelay $0x1  }
0x1f8: {  	[tilespmem:s16+$0x80] =	vst v4  }
0x1f9: {  	[tilespmem:s17+$0x80] =	vst v6;
	v4 =	vld.idx.msk [tilespmem:v33+s2+$0x0], $0xffff  }
0x1fa: {  	v36 =	vadd.s32 $0x180, v2;
	v6 =	vld.idx.msk [tilespmem:v34+s2+$0x0], $0xffff;
	[tilespmem:s14+$0x80] =	vst v8  }
0x1fb: {  	v37 =	vadd.s32 $0x180, v3;
	v8 =	vld.idx.msk [tilespmem:v35+s2+$0x0], $0xffff  }
0x1fc: {  	v38 =	vadd.s32 $0x180, v1;
	_ =	sdelay $0x1  }
0x1fd: {  	[tilespmem:s16+$0x100] =	vst v4  }
0x1fe: {  	[tilespmem:s17+$0x100] =	vst v6;
	v4 =	vld.idx.msk [tilespmem:v36+s2+$0x0], $0xffff  }
0x1ff: {  	v39 =	vadd.s32 $0x200, v2;
	v6 =	vld.idx.msk [tilespmem:v37+s2+$0x0], $0xffff;
	[tilespmem:s14+$0x100] =	vst v8  }
0x200: {  	v40 =	vadd.s32 $0x200, v3;
	v8 =	vld.idx.msk [tilespmem:v38+s2+$0x0], $0xffff  }
0x201: {  	v41 =	vadd.s32 $0x200, v1;
	_ =	sdelay $0x1  }
0x202: {  	[tilespmem:s16+$0x180] =	vst v4  }
0x203: {  	[tilespmem:s17+$0x180] =	vst v6;
	v4 =	vld.idx.msk [tilespmem:v39+s2+$0x0], $0xffff  }
0x204: {  	v42 =	vadd.s32 $0x280, v2;
	v6 =	vld.idx.msk [tilespmem:v40+s2+$0x0], $0xffff;
	[tilespmem:s14+$0x180] =	vst v8  }
0x205: {  	v43 =	vadd.s32 $0x280, v3;
	v8 =	vld.idx.msk [tilespmem:v41+s2+$0x0], $0xffff  }
0x206: {  	v44 =	vadd.s32 $0x280, v1;
	s14 =	sadd.s32 $0x10, s13  }
0x207: {  	s16 =	sadd.s32 $0x20, s13;
	s17 =	sor.u32 $0x200, s14  }
0x208: {  	s13 =	sadd.s32 $0x30, s13;
	[tilespmem:s17+$0x2200] =	vst v4;
	s17 =	sor.u32 $0x200, s16  }
0x209: {  	v4 =	vld.idx.msk [tilespmem:v42+s2+$0x0], $0xffff;
	[tilespmem:s17+$0x2200] =	vst v6;
	s17 =	sor.u32 $0x200, s13  }
0x20a: {  	v45 =	vadd.s32 $0x300, v2;
	v6 =	vld.idx.msk [tilespmem:v43+s2+$0x0], $0xffff;
	[tilespmem:s17+$0x2200] =	vst v8  }
0x20b: {  	v46 =	vadd.s32 $0x300, v3;
	v8 =	vld.idx.msk [tilespmem:v44+s2+$0x0], $0xffff  }
0x20c: {  	v47 =	vadd.s32 $0x300, v1  }
0x20d: {  	s17 =	sor.u32 $0x280, s14  }
0x20e: {  	[tilespmem:s17+$0x2200] =	vst v4;
	s17 =	sor.u32 $0x280, s16  }
0x20f: {  	v4 =	vld.idx.msk [tilespmem:v45+s2+$0x0], $0xffff;
	[tilespmem:s17+$0x2200] =	vst v6;
	s17 =	sor.u32 $0x280, s13  }
0x210: {  	v48 =	vadd.s32 $0x380, v2;
	v6 =	vld.idx.msk [tilespmem:v46+s2+$0x0], $0xffff;
	[tilespmem:s17+$0x2200] =	vst v8  }
0x211: {  	v49 =	vadd.s32 $0x380, v3;
	v8 =	vld.idx.msk [tilespmem:v47+s2+$0x0], $0xffff  }
0x212: {  	v50 =	vadd.s32 $0x380, v1  }
0x213: {  	s17 =	sor.u32 $0x300, s14  }
0x214: {  	[tilespmem:s17+$0x2200] =	vst v4;
	s17 =	sor.u32 $0x300, s16  }
0x215: {  	v51 =	vadd.s32 $0x400, v0;
	v5 =	vld.idx.msk [tilespmem:v48+s2+$0x0], $0xffff;
	[tilespmem:s17+$0x2200] =	vst v6;
	s17 =	sor.u32 $0x300, s13  }
0x216: {  	v52 =	vadd.s32 $0x400, v2;
	[tilespmem:s17+$0x2200] =	vst v8;
	v7 =	vld.idx.msk [tilespmem:v49+s2+$0x0], $0xffff  }
0x217: {  	v53 =	vadd.s32 $0x400, v3;
	v9 =	vld.idx.msk [tilespmem:v50+s2+$0x0], $0xffff  }
0x218: {  	v10 =	vadd.s32 $0x400, v1  }
0x219: {  	s14 =	sor.u32 $0x380, s14  }
0x21a: {  	v4 =	vld.idx.msk [tilespmem:v51+s2+$0x0], $0xffff;
	s16 =	sor.u32 $0x380, s16;
	[tilespmem:s14+$0x2200] =	vst v5  }
0x21b: {  	v54 =	vadd.s32 $0x480, v0;
	s13 =	sor.u32 $0x380, s13;
	v6 =	vld.idx.msk [tilespmem:v52+s2+$0x0], $0xffff;
	[tilespmem:s16+$0x2200] =	vst v7  }
0x21c: {  	v55 =	vadd.s32 $0x480, v2;
	v8 =	vld.idx.msk [tilespmem:v53+s2+$0x0], $0xffff;
	[tilespmem:s13+$0x2200] =	vst v9  }
0x21d: {  	v56 =	vadd.s32 $0x480, v3;
	s13 =	sor.u32 $0x3200, s1;
	v10 =	vld.idx.msk [tilespmem:v10+s2+$0x0], $0xffff  }
0x21e: {  	v11 =	vadd.s32 $0x480, v1;
	s17 =	sor.u32 s31, s13  }
0x21f: {  	s15 =	sor.u32 s10, s13;
	[tilespmem:s17+$0x0] =	vst v4  }
0x220: {  	s16 =	sor.u32 s11, s13;
	v4 =	vld.idx.msk [tilespmem:v54+s2+$0x0], $0xffff;
	[tilespmem:s15+$0x0] =	vst v6  }
0x221: {  	v57 =	vadd.s32 $0x500, v0;
	s13 =	sor.u32 s12, s13;
	v6 =	vld.idx.msk [tilespmem:v55+s2+$0x0], $0xffff;
	[tilespmem:s16+$0x0] =	vst v8  }
0x222: {  	v58 =	vadd.s32 $0x500, v2;
	v8 =	vld.idx.msk [tilespmem:v56+s2+$0x0], $0xffff;
	[tilespmem:s13+$0x0] =	vst v10  }
0x223: {  	v59 =	vadd.s32 $0x500, v3;
	s13 =	sor.u32 $0x3280, s1;
	v10 =	vld.idx.msk [tilespmem:v11+s2+$0x0], $0xffff  }
0x224: {  	v60 =	vadd.s32 $0x500, v1;
	s17 =	sor.u32 s31, s13  }
0x225: {  	s15 =	sor.u32 s10, s13;
	[tilespmem:s17+$0x0] =	vst v4  }
0x226: {  	s16 =	sor.u32 s11, s13;
	v4 =	vld.idx.msk [tilespmem:v57+s2+$0x0], $0xffff;
	[tilespmem:s15+$0x0] =	vst v6  }
0x227: {  	v61 =	vadd.s32 $0x580, v0;
	s13 =	sor.u32 s12, s13;
	v6 =	vld.idx.msk [tilespmem:v58+s2+$0x0], $0xffff;
	[tilespmem:s16+$0x0] =	vst v8  }
0x228: {  	v62 =	vadd.s32 $0x580, v2;
	v8 =	vld.idx.msk [tilespmem:v59+s2+$0x0], $0xffff;
	[tilespmem:s13+$0x0] =	vst v10  }
0x229: {  	v63 =	vadd.s32 $0x580, v3;
	s13 =	sor.u32 $0x3300, s1;
	v10 =	vld.idx.msk [tilespmem:v60+s2+$0x0], $0xffff  }
0x22a: {  	v12 =	vadd.s32 $0x580, v1;
	s17 =	sor.u32 s31, s13  }
0x22b: {  	s15 =	sor.u32 s10, s13;
	[tilespmem:s17+$0x0] =	vst v4  }
0x22c: {  	s16 =	sor.u32 s11, s13;
	v4 =	vld.idx.msk [tilespmem:v61+s2+$0x0], $0xffff;
	[tilespmem:s15+$0x0] =	vst v6  }
0x22d: {  	v13 =	vadd.s32 $0x600, v0;
	s13 =	sor.u32 s12, s13;
	v6 =	vld.idx.msk [tilespmem:v62+s2+$0x0], $0xffff;
	[tilespmem:s16+$0x0] =	vst v8  }
0x22e: {  	v14 =	vadd.s32 $0x600, v2;
	v8 =	vld.idx.msk [tilespmem:v63+s2+$0x0], $0xffff;
	[tilespmem:s13+$0x0] =	vst v10  }
0x22f: {  	v15 =	vadd.s32 $0x600, v3;
	s13 =	sor.u32 $0x3380, s1;
	v10 =	vld.idx.msk [tilespmem:v12+s2+$0x0], $0xffff  }
0x230: {  	v16 =	vadd.s32 $0x600, v1;
	s17 =	sor.u32 s31, s13  }
0x231: {  	s15 =	sor.u32 s10, s13;
	[tilespmem:s17+$0x0] =	vst v4  }
0x232: {  	s16 =	sor.u32 s11, s13;
	v4 =	vld.idx.msk [tilespmem:v13+s2+$0x0], $0xffff;
	[tilespmem:s15+$0x0] =	vst v6  }
0x233: {  	v17 =	vadd.s32 $0x680, v0;
	s13 =	sor.u32 s12, s13;
	v6 =	vld.idx.msk [tilespmem:v14+s2+$0x0], $0xffff;
	[tilespmem:s16+$0x0] =	vst v8  }
0x234: {  	v18 =	vadd.s32 $0x680, v2;
	v8 =	vld.idx.msk [tilespmem:v15+s2+$0x0], $0xffff;
	[tilespmem:s13+$0x0] =	vst v10  }
0x235: {  	v19 =	vadd.s32 $0x680, v3;
	s13 =	sadd.s32 $0x3400, s1;
	v10 =	vld.idx.msk [tilespmem:v16+s2+$0x0], $0xffff  }
0x236: {  	v20 =	vadd.s32 $0x680, v1;
	s17 =	sor.u32 s31, s13  }
0x237: {  	s15 =	sor.u32 s10, s13;
	[tilespmem:s17+$0x0] =	vst v4  }
0x238: {  	s16 =	sor.u32 s11, s13;
	v4 =	vld.idx.msk [tilespmem:v17+s2+$0x0], $0xffff;
	[tilespmem:s15+$0x0] =	vst v6  }
0x239: {  	v21 =	vadd.s32 $0x700, v0;
	s13 =	sor.u32 s12, s13;
	v6 =	vld.idx.msk [tilespmem:v18+s2+$0x0], $0xffff;
	[tilespmem:s16+$0x0] =	vst v8  }
0x23a: {  	v22 =	vadd.s32 $0x700, v2;
	v8 =	vld.idx.msk [tilespmem:v19+s2+$0x0], $0xffff;
	[tilespmem:s13+$0x0] =	vst v10  }
0x23b: {  	v23 =	vadd.s32 $0x700, v3;
	s13 =	sadd.s32 $0x3480, s1;
	v10 =	vld.idx.msk [tilespmem:v20+s2+$0x0], $0xffff  }
0x23c: {  	v24 =	vadd.s32 $0x700, v1;
	s17 =	sor.u32 s31, s13  }
0x23d: {  	s15 =	sor.u32 s10, s13;
	[tilespmem:s17+$0x0] =	vst v4  }
0x23e: {  	s16 =	sor.u32 s11, s13;
	v4 =	vld.idx.msk [tilespmem:v21+s2+$0x0], $0xffff;
	[tilespmem:s15+$0x0] =	vst v6  }
0x23f: {  	v25 =	vadd.s32 $0x780, v0;
	s13 =	sor.u32 s12, s13;
	v6 =	vld.idx.msk [tilespmem:v22+s2+$0x0], $0xffff;
	[tilespmem:s16+$0x0] =	vst v8  }
0x240: {  	v26 =	vadd.s32 $0x780, v2;
	v8 =	vld.idx.msk [tilespmem:v23+s2+$0x0], $0xffff;
	[tilespmem:s13+$0x0] =	vst v10  }
0x241: {  	v27 =	vadd.s32 $0x780, v3;
	s13 =	sadd.s32 $0x3500, s1;
	v10 =	vld.idx.msk [tilespmem:v24+s2+$0x0], $0xffff  }
0x242: {  	v28 =	vadd.s32 $0x780, v1;
	s17 =	sor.u32 s31, s13  }
0x243: {  	s15 =	sor.u32 s10, s13;
	[tilespmem:s17+$0x0] =	vst v4  }
0x244: {  	s16 =	sor.u32 s11, s13;
	v4 =	vld.idx.msk [tilespmem:v25+s2+$0x0], $0xffff;
	[tilespmem:s15+$0x0] =	vst v6  }
0x245: {  	v29 =	vadd.s32 $0x800, v0;
	s13 =	sor.u32 s12, s13;
	v6 =	vld.idx.msk [tilespmem:v26+s2+$0x0], $0xffff;
	[tilespmem:s16+$0x0] =	vst v8  }
0x246: {  	v30 =	vadd.s32 $0x800, v2;
	v8 =	vld.idx.msk [tilespmem:v27+s2+$0x0], $0xffff;
	[tilespmem:s13+$0x0] =	vst v10  }
0x247: {  	v31 =	vadd.s32 $0x800, v3;
	s13 =	sadd.s32 $0x3580, s1;
	v10 =	vld.idx.msk [tilespmem:v28+s2+$0x0], $0xffff  }
0x248: {  	v32 =	vadd.s32 $0x800, v1;
	s17 =	sor.u32 s31, s13  }
0x249: {  	s15 =	sor.u32 s10, s13;
	[tilespmem:s17+$0x0] =	vst v4  }
0x24a: {  	s16 =	sor.u32 s11, s13;
	v4 =	vld.idx.msk [tilespmem:v29+s2+$0x0], $0xffff;
	[tilespmem:s15+$0x0] =	vst v6  }
0x24b: {  	v33 =	vadd.s32 $0x880, v0;
	s13 =	sor.u32 s12, s13;
	v6 =	vld.idx.msk [tilespmem:v30+s2+$0x0], $0xffff;
	[tilespmem:s16+$0x0] =	vst v8  }
0x24c: {  	v34 =	vadd.s32 $0x880, v2;
	v8 =	vld.idx.msk [tilespmem:v31+s2+$0x0], $0xffff;
	[tilespmem:s13+$0x0] =	vst v10  }
0x24d: {  	v35 =	vadd.s32 $0x880, v3;
	s13 =	sor.u32 $0x4200, s1;
	v10 =	vld.idx.msk [tilespmem:v32+s2+$0x0], $0xffff  }
0x24e: {  	v36 =	vadd.s32 $0x880, v1;
	s17 =	sor.u32 s31, s13  }
0x24f: {  	s15 =	sor.u32 s10, s13;
	[tilespmem:s17+$0x0] =	vst v4  }
0x250: {  	s16 =	sor.u32 s11, s13;
	v4 =	vld.idx.msk [tilespmem:v33+s2+$0x0], $0xffff;
	[tilespmem:s15+$0x0] =	vst v6  }
0x251: {  	v37 =	vadd.s32 $0x900, v0;
	s13 =	sor.u32 s12, s13;
	v6 =	vld.idx.msk [tilespmem:v34+s2+$0x0], $0xffff;
	[tilespmem:s16+$0x0] =	vst v8  }
0x252: {  	v38 =	vadd.s32 $0x900, v2;
	v8 =	vld.idx.msk [tilespmem:v35+s2+$0x0], $0xffff;
	[tilespmem:s13+$0x0] =	vst v10  }
0x253: {  	v39 =	vadd.s32 $0x900, v3;
	s13 =	sor.u32 $0x4280, s1;
	v10 =	vld.idx.msk [tilespmem:v36+s2+$0x0], $0xffff  }
0x254: {  	v40 =	vadd.s32 $0x900, v1;
	s17 =	sor.u32 s31, s13  }
0x255: {  	s15 =	sor.u32 s10, s13;
	[tilespmem:s17+$0x0] =	vst v4  }
0x256: {  	s16 =	sor.u32 s11, s13;
	v4 =	vld.idx.msk [tilespmem:v37+s2+$0x0], $0xffff;
	[tilespmem:s15+$0x0] =	vst v6  }
0x257: {  	v41 =	vadd.s32 $0x980, v0;
	s13 =	sor.u32 s12, s13;
	v6 =	vld.idx.msk [tilespmem:v38+s2+$0x0], $0xffff;
	[tilespmem:s16+$0x0] =	vst v8  }
0x258: {  	v42 =	vadd.s32 $0x980, v2;
	v8 =	vld.idx.msk [tilespmem:v39+s2+$0x0], $0xffff;
	[tilespmem:s13+$0x0] =	vst v10  }
0x259: {  	v43 =	vadd.s32 $0x980, v3;
	s13 =	sor.u32 $0x4300, s1;
	v10 =	vld.idx.msk [tilespmem:v40+s2+$0x0], $0xffff  }
0x25a: {  	v44 =	vadd.s32 $0x980, v1;
	s17 =	sor.u32 s31, s13  }
0x25b: {  	s15 =	sor.u32 s10, s13;
	[tilespmem:s17+$0x0] =	vst v4  }
0x25c: {  	s16 =	sor.u32 s11, s13;
	v4 =	vld.idx.msk [tilespmem:v41+s2+$0x0], $0xffff;
	[tilespmem:s15+$0x0] =	vst v6  }
0x25d: {  	v45 =	vadd.s32 $0xA00, v0;
	s13 =	sor.u32 s12, s13;
	v6 =	vld.idx.msk [tilespmem:v42+s2+$0x0], $0xffff;
	[tilespmem:s16+$0x0] =	vst v8  }
0x25e: {  	v46 =	vadd.s32 $0xA00, v2;
	v8 =	vld.idx.msk [tilespmem:v43+s2+$0x0], $0xffff;
	[tilespmem:s13+$0x0] =	vst v10  }
0x25f: {  	v47 =	vadd.s32 $0xA00, v3;
	s13 =	sor.u32 $0x4380, s1;
	v10 =	vld.idx.msk [tilespmem:v44+s2+$0x0], $0xffff  }
0x260: {  	v48 =	vadd.s32 $0xA00, v1;
	s17 =	sor.u32 s31, s13  }
0x261: {  	s15 =	sor.u32 s10, s13;
	[tilespmem:s17+$0x0] =	vst v4  }
0x262: {  	s16 =	sor.u32 s11, s13;
	v4 =	vld.idx.msk [tilespmem:v45+s2+$0x0], $0xffff;
	[tilespmem:s15+$0x0] =	vst v6  }
0x263: {  	v49 =	vadd.s32 $0xA80, v0;
	s13 =	sor.u32 s12, s13;
	v6 =	vld.idx.msk [tilespmem:v46+s2+$0x0], $0xffff;
	[tilespmem:s16+$0x0] =	vst v8  }
0x264: {  	v50 =	vadd.s32 $0xA80, v2;
	v8 =	vld.idx.msk [tilespmem:v47+s2+$0x0], $0xffff;
	[tilespmem:s13+$0x0] =	vst v10  }
0x265: {  	v51 =	vadd.s32 $0xA80, v3;
	s13 =	sadd.s32 $0x4400, s1;
	v10 =	vld.idx.msk [tilespmem:v48+s2+$0x0], $0xffff  }
0x266: {  	v52 =	vadd.s32 $0xA80, v1;
	s17 =	sor.u32 s31, s13  }
0x267: {  	s15 =	sor.u32 s10, s13;
	[tilespmem:s17+$0x0] =	vst v4  }
0x268: {  	s16 =	sor.u32 s11, s13;
	v4 =	vld.idx.msk [tilespmem:v49+s2+$0x0], $0xffff;
	[tilespmem:s15+$0x0] =	vst v6  }
0x269: {  	v53 =	vadd.s32 $0xB00, v0;
	s13 =	sor.u32 s12, s13;
	v6 =	vld.idx.msk [tilespmem:v50+s2+$0x0], $0xffff;
	[tilespmem:s16+$0x0] =	vst v8  }
0x26a: {  	v54 =	vadd.s32 $0xB00, v2;
	v8 =	vld.idx.msk [tilespmem:v51+s2+$0x0], $0xffff;
	[tilespmem:s13+$0x0] =	vst v10  }
0x26b: {  	v55 =	vadd.s32 $0xB00, v3;
	s13 =	sadd.s32 $0x4480, s1;
	v10 =	vld.idx.msk [tilespmem:v52+s2+$0x0], $0xffff  }
0x26c: {  	v56 =	vadd.s32 $0xB00, v1;
	s17 =	sor.u32 s31, s13  }
0x26d: {  	s15 =	sor.u32 s10, s13;
	[tilespmem:s17+$0x0] =	vst v4  }
0x26e: {  	s16 =	sor.u32 s11, s13;
	v4 =	vld.idx.msk [tilespmem:v53+s2+$0x0], $0xffff;
	[tilespmem:s15+$0x0] =	vst v6  }
0x26f: {  	v57 =	vadd.s32 $0xB80, v0;
	s13 =	sor.u32 s12, s13;
	v6 =	vld.idx.msk [tilespmem:v54+s2+$0x0], $0xffff;
	[tilespmem:s16+$0x0] =	vst v8  }
0x270: {  	v58 =	vadd.s32 $0xB80, v2;
	v8 =	vld.idx.msk [tilespmem:v55+s2+$0x0], $0xffff;
	[tilespmem:s13+$0x0] =	vst v10  }
0x271: {  	v59 =	vadd.s32 $0xB80, v3;
	s13 =	sadd.s32 $0x4500, s1;
	v10 =	vld.idx.msk [tilespmem:v56+s2+$0x0], $0xffff  }
0x272: {  	v60 =	vadd.s32 $0xB80, v1;
	s17 =	sor.u32 s31, s13  }
0x273: {  	s15 =	sor.u32 s10, s13;
	[tilespmem:s17+$0x0] =	vst v4  }
0x274: {  	s16 =	sor.u32 s11, s13;
	v4 =	vld.idx.msk [tilespmem:v57+s2+$0x0], $0xffff;
	[tilespmem:s15+$0x0] =	vst v6  }
0x275: {  	v61 =	vadd.s32 $0xC00, v0;
	s13 =	sor.u32 s12, s13;
	v6 =	vld.idx.msk [tilespmem:v58+s2+$0x0], $0xffff;
	[tilespmem:s16+$0x0] =	vst v8  }
0x276: {  	v62 =	vadd.s32 $0xC00, v2;
	v8 =	vld.idx.msk [tilespmem:v59+s2+$0x0], $0xffff;
	[tilespmem:s13+$0x0] =	vst v10  }
0x277: {  	v63 =	vadd.s32 $0xC00, v3;
	s13 =	sadd.s32 $0x4580, s1;
	v10 =	vld.idx.msk [tilespmem:v60+s2+$0x0], $0xffff  }
0x278: {  	v12 =	vadd.s32 $0xC00, v1;
	s17 =	sor.u32 s31, s13  }
0x279: {  	s15 =	sor.u32 s10, s13;
	[tilespmem:s17+$0x0] =	vst v4  }
0x27a: {  	s16 =	sor.u32 s11, s13;
	v4 =	vld.idx.msk [tilespmem:v61+s2+$0x0], $0xffff;
	[tilespmem:s15+$0x0] =	vst v6  }
0x27b: {  	v13 =	vadd.s32 $0xC80, v0;
	s13 =	sor.u32 s12, s13;
	v6 =	vld.idx.msk [tilespmem:v62+s2+$0x0], $0xffff;
	[tilespmem:s16+$0x0] =	vst v8  }
0x27c: {  	v14 =	vadd.s32 $0xC80, v2;
	v8 =	vld.idx.msk [tilespmem:v63+s2+$0x0], $0xffff;
	[tilespmem:s13+$0x0] =	vst v10  }
0x27d: {  	v15 =	vadd.s32 $0xC80, v3;
	s13 =	sor.u32 $0x5200, s1;
	v10 =	vld.idx.msk [tilespmem:v12+s2+$0x0], $0xffff  }
0x27e: {  	v16 =	vadd.s32 $0xC80, v1;
	s17 =	sor.u32 s31, s13  }
0x27f: {  	s15 =	sor.u32 s10, s13;
	[tilespmem:s17+$0x0] =	vst v4  }
0x280: {  	s16 =	sor.u32 s11, s13;
	v4 =	vld.idx.msk [tilespmem:v13+s2+$0x0], $0xffff;
	[tilespmem:s15+$0x0] =	vst v6  }
0x281: {  	v17 =	vadd.s32 $0xD00, v0;
	s13 =	sor.u32 s12, s13;
	v6 =	vld.idx.msk [tilespmem:v14+s2+$0x0], $0xffff;
	[tilespmem:s16+$0x0] =	vst v8  }
0x282: {  	v18 =	vadd.s32 $0xD00, v2;
	v8 =	vld.idx.msk [tilespmem:v15+s2+$0x0], $0xffff;
	[tilespmem:s13+$0x0] =	vst v10  }
0x283: {  	v19 =	vadd.s32 $0xD00, v3;
	s13 =	sor.u32 $0x5280, s1;
	v10 =	vld.idx.msk [tilespmem:v16+s2+$0x0], $0xffff  }
0x284: {  	v20 =	vadd.s32 $0xD00, v1;
	s17 =	sor.u32 s31, s13  }
0x285: {  	s15 =	sor.u32 s10, s13;
	[tilespmem:s17+$0x0] =	vst v4  }
0x286: {  	s16 =	sor.u32 s11, s13;
	v4 =	vld.idx.msk [tilespmem:v17+s2+$0x0], $0xffff;
	[tilespmem:s15+$0x0] =	vst v6  }
0x287: {  	v21 =	vadd.s32 $0xD80, v0;
	s13 =	sor.u32 s12, s13;
	v6 =	vld.idx.msk [tilespmem:v18+s2+$0x0], $0xffff;
	[tilespmem:s16+$0x0] =	vst v8  }
0x288: {  	v22 =	vadd.s32 $0xD80, v2;
	v8 =	vld.idx.msk [tilespmem:v19+s2+$0x0], $0xffff;
	[tilespmem:s13+$0x0] =	vst v10  }
0x289: {  	v23 =	vadd.s32 $0xD80, v3;
	s13 =	sor.u32 $0x5300, s1;
	v10 =	vld.idx.msk [tilespmem:v20+s2+$0x0], $0xffff  }
0x28a: {  	v24 =	vadd.s32 $0xD80, v1;
	s17 =	sor.u32 s31, s13  }
0x28b: {  	s15 =	sor.u32 s10, s13;
	[tilespmem:s17+$0x0] =	vst v4  }
0x28c: {  	s16 =	sor.u32 s11, s13;
	v4 =	vld.idx.msk [tilespmem:v21+s2+$0x0], $0xffff;
	[tilespmem:s15+$0x0] =	vst v6  }
0x28d: {  	v25 =	vadd.s32 $0xE00, v0;
	s13 =	sor.u32 s12, s13;
	v6 =	vld.idx.msk [tilespmem:v22+s2+$0x0], $0xffff;
	[tilespmem:s16+$0x0] =	vst v8  }
0x28e: {  	v26 =	vadd.s32 $0xE00, v2;
	v8 =	vld.idx.msk [tilespmem:v23+s2+$0x0], $0xffff;
	[tilespmem:s13+$0x0] =	vst v10  }
0x28f: {  	v27 =	vadd.s32 $0xE00, v3;
	s13 =	sor.u32 $0x5380, s1;
	v10 =	vld.idx.msk [tilespmem:v24+s2+$0x0], $0xffff  }
0x290: {  	v28 =	vadd.s32 $0xE00, v1;
	s17 =	sor.u32 s31, s13  }
0x291: {  	s15 =	sor.u32 s10, s13;
	[tilespmem:s17+$0x0] =	vst v4  }
0x292: {  	s16 =	sor.u32 s11, s13;
	v4 =	vld.idx.msk [tilespmem:v25+s2+$0x0], $0xffff;
	[tilespmem:s15+$0x0] =	vst v6  }
0x293: {  	v29 =	vadd.s32 $0xE80, v0;
	s13 =	sor.u32 s12, s13;
	v6 =	vld.idx.msk [tilespmem:v26+s2+$0x0], $0xffff;
	[tilespmem:s16+$0x0] =	vst v8  }
0x294: {  	v30 =	vadd.s32 $0xE80, v2;
	v8 =	vld.idx.msk [tilespmem:v27+s2+$0x0], $0xffff;
	[tilespmem:s13+$0x0] =	vst v10  }
0x295: {  	v31 =	vadd.s32 $0xE80, v3;
	s13 =	sadd.s32 $0x5400, s1;
	v10 =	vld.idx.msk [tilespmem:v28+s2+$0x0], $0xffff  }
0x296: {  	v32 =	vadd.s32 $0xE80, v1;
	s17 =	sor.u32 s31, s13  }
0x297: {  	s15 =	sor.u32 s10, s13;
	[tilespmem:s17+$0x0] =	vst v4  }
0x298: {  	s16 =	sor.u32 s11, s13;
	v4 =	vld.idx.msk [tilespmem:v29+s2+$0x0], $0xffff;
	[tilespmem:s15+$0x0] =	vst v6  }
0x299: {  	v33 =	vadd.s32 $0xF00, v0;
	s13 =	sor.u32 s12, s13;
	v6 =	vld.idx.msk [tilespmem:v30+s2+$0x0], $0xffff;
	[tilespmem:s16+$0x0] =	vst v8  }
0x29a: {  	v34 =	vadd.s32 $0xF00, v2;
	v8 =	vld.idx.msk [tilespmem:v31+s2+$0x0], $0xffff;
	[tilespmem:s13+$0x0] =	vst v10  }
0x29b: {  	v35 =	vadd.s32 $0xF00, v3;
	s13 =	sadd.s32 $0x5480, s1;
	v10 =	vld.idx.msk [tilespmem:v32+s2+$0x0], $0xffff  }
0x29c: {  	v36 =	vadd.s32 $0xF00, v1;
	s17 =	sor.u32 s31, s13  }
0x29d: {  	s15 =	sor.u32 s10, s13;
	[tilespmem:s17+$0x0] =	vst v4  }
0x29e: {  	s16 =	sor.u32 s11, s13;
	v4 =	vld.idx.msk [tilespmem:v33+s2+$0x0], $0xffff;
	[tilespmem:s15+$0x0] =	vst v6  }
0x29f: {  	v37 =	vadd.s32 $0xF80, v0;
	s13 =	sor.u32 s12, s13;
	v6 =	vld.idx.msk [tilespmem:v34+s2+$0x0], $0xffff;
	[tilespmem:s16+$0x0] =	vst v8  }
0x2a0: {  	v38 =	vadd.s32 $0xF80, v2;
	v8 =	vld.idx.msk [tilespmem:v35+s2+$0x0], $0xffff;
	[tilespmem:s13+$0x0] =	vst v10  }
0x2a1: {  	v39 =	vadd.s32 $0xF80, v3;
	s13 =	sadd.s32 $0x5500, s1;
	v10 =	vld.idx.msk [tilespmem:v36+s2+$0x0], $0xffff  }
0x2a2: {  	v40 =	vadd.s32 $0xF80, v1;
	s17 =	sor.u32 s31, s13  }
0x2a3: {  	s15 =	sor.u32 s10, s13;
	[tilespmem:s17+$0x0] =	vst v4  }
0x2a4: {  	s16 =	sor.u32 s11, s13;
	v4 =	vld.idx.msk [tilespmem:v37+s2+$0x0], $0xffff;
	[tilespmem:s15+$0x0] =	vst v6  }
0x2a5: {  	v41 =	vadd.s32 $0x1000, v0;
	s13 =	sor.u32 s12, s13;
	v6 =	vld.idx.msk [tilespmem:v38+s2+$0x0], $0xffff;
	[tilespmem:s16+$0x0] =	vst v8  }
0x2a6: {  	v42 =	vadd.s32 $0x1000, v2;
	v8 =	vld.idx.msk [tilespmem:v39+s2+$0x0], $0xffff;
	[tilespmem:s13+$0x0] =	vst v10  }
0x2a7: {  	v43 =	vadd.s32 $0x1000, v3;
	s13 =	sadd.s32 $0x5580, s1;
	v10 =	vld.idx.msk [tilespmem:v40+s2+$0x0], $0xffff  }
0x2a8: {  	v44 =	vadd.s32 $0x1000, v1;
	s17 =	sor.u32 s31, s13  }
0x2a9: {  	s15 =	sor.u32 s10, s13;
	[tilespmem:s17+$0x0] =	vst v4  }
0x2aa: {  	s16 =	sor.u32 s11, s13;
	v4 =	vld.idx.msk [tilespmem:v41+s2+$0x0], $0xffff;
	[tilespmem:s15+$0x0] =	vst v6  }
0x2ab: {  	v45 =	vadd.s32 $0x1080, v0;
	s13 =	sor.u32 s12, s13;
	v6 =	vld.idx.msk [tilespmem:v42+s2+$0x0], $0xffff;
	[tilespmem:s16+$0x0] =	vst v8  }
0x2ac: {  	v46 =	vadd.s32 $0x1080, v2;
	v8 =	vld.idx.msk [tilespmem:v43+s2+$0x0], $0xffff;
	[tilespmem:s13+$0x0] =	vst v10  }
0x2ad: {  	v47 =	vadd.s32 $0x1080, v3;
	s13 =	sor.u32 $0x6200, s1;
	v10 =	vld.idx.msk [tilespmem:v44+s2+$0x0], $0xffff  }
0x2ae: {  	v48 =	vadd.s32 $0x1080, v1;
	s17 =	sor.u32 s31, s13  }
0x2af: {  	s15 =	sor.u32 s10, s13;
	[tilespmem:s17+$0x0] =	vst v4  }
0x2b0: {  	s16 =	sor.u32 s11, s13;
	v4 =	vld.idx.msk [tilespmem:v45+s2+$0x0], $0xffff;
	[tilespmem:s15+$0x0] =	vst v6  }
0x2b1: {  	v49 =	vadd.s32 $0x1100, v0;
	s13 =	sor.u32 s12, s13;
	v6 =	vld.idx.msk [tilespmem:v46+s2+$0x0], $0xffff;
	[tilespmem:s16+$0x0] =	vst v8  }
0x2b2: {  	v50 =	vadd.s32 $0x1100, v2;
	v8 =	vld.idx.msk [tilespmem:v47+s2+$0x0], $0xffff;
	[tilespmem:s13+$0x0] =	vst v10  }
0x2b3: {  	v51 =	vadd.s32 $0x1100, v3;
	s13 =	sor.u32 $0x6280, s1;
	v10 =	vld.idx.msk [tilespmem:v48+s2+$0x0], $0xffff  }
0x2b4: {  	v52 =	vadd.s32 $0x1100, v1;
	s17 =	sor.u32 s31, s13  }
0x2b5: {  	s15 =	sor.u32 s10, s13;
	[tilespmem:s17+$0x0] =	vst v4  }
0x2b6: {  	s16 =	sor.u32 s11, s13;
	v4 =	vld.idx.msk [tilespmem:v49+s2+$0x0], $0xffff;
	[tilespmem:s15+$0x0] =	vst v6  }
0x2b7: {  	v53 =	vadd.s32 $0x1180, v0;
	s13 =	sor.u32 s12, s13;
	v6 =	vld.idx.msk [tilespmem:v50+s2+$0x0], $0xffff;
	[tilespmem:s16+$0x0] =	vst v8  }
0x2b8: {  	v54 =	vadd.s32 $0x1180, v2;
	v8 =	vld.idx.msk [tilespmem:v51+s2+$0x0], $0xffff;
	[tilespmem:s13+$0x0] =	vst v10  }
0x2b9: {  	v55 =	vadd.s32 $0x1180, v3;
	s13 =	sor.u32 $0x6300, s1;
	v10 =	vld.idx.msk [tilespmem:v52+s2+$0x0], $0xffff  }
0x2ba: {  	v56 =	vadd.s32 $0x1180, v1;
	s17 =	sor.u32 s31, s13  }
0x2bb: {  	s15 =	sor.u32 s10, s13;
	[tilespmem:s17+$0x0] =	vst v4  }
0x2bc: {  	s16 =	sor.u32 s11, s13;
	v4 =	vld.idx.msk [tilespmem:v53+s2+$0x0], $0xffff;
	[tilespmem:s15+$0x0] =	vst v6  }
0x2bd: {  	v57 =	vadd.s32 $0x1200, v0;
	s13 =	sor.u32 s12, s13;
	v6 =	vld.idx.msk [tilespmem:v54+s2+$0x0], $0xffff;
	[tilespmem:s16+$0x0] =	vst v8  }
0x2be: {  	v58 =	vadd.s32 $0x1200, v2;
	v8 =	vld.idx.msk [tilespmem:v55+s2+$0x0], $0xffff;
	[tilespmem:s13+$0x0] =	vst v10  }
0x2bf: {  	v59 =	vadd.s32 $0x1200, v3;
	s13 =	sor.u32 $0x6380, s1;
	v10 =	vld.idx.msk [tilespmem:v56+s2+$0x0], $0xffff  }
0x2c0: {  	v60 =	vadd.s32 $0x1200, v1;
	s17 =	sor.u32 s31, s13  }
0x2c1: {  	s15 =	sor.u32 s10, s13;
	[tilespmem:s17+$0x0] =	vst v4  }
0x2c2: {  	s16 =	sor.u32 s11, s13;
	v4 =	vld.idx.msk [tilespmem:v57+s2+$0x0], $0xffff;
	[tilespmem:s15+$0x0] =	vst v6  }
0x2c3: {  	v61 =	vadd.s32 $0x1280, v0;
	s13 =	sor.u32 s12, s13;
	v6 =	vld.idx.msk [tilespmem:v58+s2+$0x0], $0xffff;
	[tilespmem:s16+$0x0] =	vst v8  }
0x2c4: {  	v62 =	vadd.s32 $0x1280, v2;
	v8 =	vld.idx.msk [tilespmem:v59+s2+$0x0], $0xffff;
	[tilespmem:s13+$0x0] =	vst v10  }
0x2c5: {  	v63 =	vadd.s32 $0x1280, v3;
	s13 =	sadd.s32 $0x6400, s1;
	v10 =	vld.idx.msk [tilespmem:v60+s2+$0x0], $0xffff  }
0x2c6: {  	v12 =	vadd.s32 $0x1280, v1;
	s17 =	sor.u32 s31, s13  }
0x2c7: {  	s15 =	sor.u32 s10, s13;
	[tilespmem:s17+$0x0] =	vst v4  }
0x2c8: {  	s16 =	sor.u32 s11, s13;
	v4 =	vld.idx.msk [tilespmem:v61+s2+$0x0], $0xffff;
	[tilespmem:s15+$0x0] =	vst v6  }
0x2c9: {  	v13 =	vadd.s32 $0x1300, v0;
	s13 =	sor.u32 s12, s13;
	v6 =	vld.idx.msk [tilespmem:v62+s2+$0x0], $0xffff;
	[tilespmem:s16+$0x0] =	vst v8  }
0x2ca: {  	v14 =	vadd.s32 $0x1300, v2;
	v8 =	vld.idx.msk [tilespmem:v63+s2+$0x0], $0xffff;
	[tilespmem:s13+$0x0] =	vst v10  }
0x2cb: {  	v15 =	vadd.s32 $0x1300, v3;
	s13 =	sadd.s32 $0x6480, s1;
	v10 =	vld.idx.msk [tilespmem:v12+s2+$0x0], $0xffff  }
0x2cc: {  	v16 =	vadd.s32 $0x1300, v1;
	s17 =	sor.u32 s31, s13  }
0x2cd: {  	s15 =	sor.u32 s10, s13;
	[tilespmem:s17+$0x0] =	vst v4  }
0x2ce: {  	s16 =	sor.u32 s11, s13;
	v4 =	vld.idx.msk [tilespmem:v13+s2+$0x0], $0xffff;
	[tilespmem:s15+$0x0] =	vst v6  }
0x2cf: {  	v17 =	vadd.s32 $0x1380, v0;
	s13 =	sor.u32 s12, s13;
	v6 =	vld.idx.msk [tilespmem:v14+s2+$0x0], $0xffff;
	[tilespmem:s16+$0x0] =	vst v8  }
0x2d0: {  	v18 =	vadd.s32 $0x1380, v2;
	v8 =	vld.idx.msk [tilespmem:v15+s2+$0x0], $0xffff;
	[tilespmem:s13+$0x0] =	vst v10  }
0x2d1: {  	v19 =	vadd.s32 $0x1380, v3;
	s13 =	sadd.s32 $0x6500, s1;
	v10 =	vld.idx.msk [tilespmem:v16+s2+$0x0], $0xffff  }
0x2d2: {  	v20 =	vadd.s32 $0x1380, v1;
	s17 =	sor.u32 s31, s13  }
0x2d3: {  	s15 =	sor.u32 s10, s13;
	[tilespmem:s17+$0x0] =	vst v4  }
0x2d4: {  	s16 =	sor.u32 s11, s13;
	v4 =	vld.idx.msk [tilespmem:v17+s2+$0x0], $0xffff;
	[tilespmem:s15+$0x0] =	vst v6  }
0x2d5: {  	v21 =	vadd.s32 $0x1400, v0;
	s13 =	sor.u32 s12, s13;
	v6 =	vld.idx.msk [tilespmem:v18+s2+$0x0], $0xffff;
	[tilespmem:s16+$0x0] =	vst v8  }
0x2d6: {  	v22 =	vadd.s32 $0x1400, v2;
	v8 =	vld.idx.msk [tilespmem:v19+s2+$0x0], $0xffff;
	[tilespmem:s13+$0x0] =	vst v10  }
0x2d7: {  	v23 =	vadd.s32 $0x1400, v3;
	s13 =	sadd.s32 $0x6580, s1;
	v10 =	vld.idx.msk [tilespmem:v20+s2+$0x0], $0xffff  }
0x2d8: {  	v24 =	vadd.s32 $0x1400, v1;
	s17 =	sor.u32 s31, s13  }
0x2d9: {  	s15 =	sor.u32 s10, s13;
	[tilespmem:s17+$0x0] =	vst v4  }
0x2da: {  	s16 =	sor.u32 s11, s13;
	v4 =	vld.idx.msk [tilespmem:v21+s2+$0x0], $0xffff;
	[tilespmem:s15+$0x0] =	vst v6  }
0x2db: {  	v25 =	vadd.s32 $0x1480, v0;
	s13 =	sor.u32 s12, s13;
	v6 =	vld.idx.msk [tilespmem:v22+s2+$0x0], $0xffff;
	[tilespmem:s16+$0x0] =	vst v8  }
0x2dc: {  	v26 =	vadd.s32 $0x1480, v2;
	v8 =	vld.idx.msk [tilespmem:v23+s2+$0x0], $0xffff;
	[tilespmem:s13+$0x0] =	vst v10  }
0x2dd: {  	v27 =	vadd.s32 $0x1480, v3;
	s13 =	sor.u32 $0x7200, s1;
	v10 =	vld.idx.msk [tilespmem:v24+s2+$0x0], $0xffff  }
0x2de: {  	v28 =	vadd.s32 $0x1480, v1;
	s17 =	sor.u32 s31, s13  }
0x2df: {  	s15 =	sor.u32 s10, s13;
	[tilespmem:s17+$0x0] =	vst v4  }
0x2e0: {  	s16 =	sor.u32 s11, s13;
	v4 =	vld.idx.msk [tilespmem:v25+s2+$0x0], $0xffff;
	[tilespmem:s15+$0x0] =	vst v6  }
0x2e1: {  	v29 =	vadd.s32 $0x1500, v0;
	s13 =	sor.u32 s12, s13;
	v6 =	vld.idx.msk [tilespmem:v26+s2+$0x0], $0xffff;
	[tilespmem:s16+$0x0] =	vst v8  }
0x2e2: {  	v30 =	vadd.s32 $0x1500, v2;
	v8 =	vld.idx.msk [tilespmem:v27+s2+$0x0], $0xffff;
	[tilespmem:s13+$0x0] =	vst v10  }
0x2e3: {  	v31 =	vadd.s32 $0x1500, v3;
	s13 =	sor.u32 $0x7280, s1;
	v10 =	vld.idx.msk [tilespmem:v28+s2+$0x0], $0xffff  }
0x2e4: {  	v32 =	vadd.s32 $0x1500, v1;
	s17 =	sor.u32 s31, s13  }
0x2e5: {  	s15 =	sor.u32 s10, s13;
	[tilespmem:s17+$0x0] =	vst v4  }
0x2e6: {  	s16 =	sor.u32 s11, s13;
	v4 =	vld.idx.msk [tilespmem:v29+s2+$0x0], $0xffff;
	[tilespmem:s15+$0x0] =	vst v6  }
0x2e7: {  	v33 =	vadd.s32 $0x1580, v0;
	s13 =	sor.u32 s12, s13;
	v6 =	vld.idx.msk [tilespmem:v30+s2+$0x0], $0xffff;
	[tilespmem:s16+$0x0] =	vst v8  }
0x2e8: {  	v34 =	vadd.s32 $0x1580, v2;
	v8 =	vld.idx.msk [tilespmem:v31+s2+$0x0], $0xffff;
	[tilespmem:s13+$0x0] =	vst v10  }
0x2e9: {  	v35 =	vadd.s32 $0x1580, v3;
	s13 =	sor.u32 $0x7300, s1;
	v10 =	vld.idx.msk [tilespmem:v32+s2+$0x0], $0xffff  }
0x2ea: {  	v36 =	vadd.s32 $0x1580, v1;
	s17 =	sor.u32 s31, s13  }
0x2eb: {  	s15 =	sor.u32 s10, s13;
	[tilespmem:s17+$0x0] =	vst v4  }
0x2ec: {  	s16 =	sor.u32 s11, s13;
	v4 =	vld.idx.msk [tilespmem:v33+s2+$0x0], $0xffff;
	[tilespmem:s15+$0x0] =	vst v6  }
0x2ed: {  	v37 =	vadd.s32 $0x1600, v0;
	s13 =	sor.u32 s12, s13;
	v6 =	vld.idx.msk [tilespmem:v34+s2+$0x0], $0xffff;
	[tilespmem:s16+$0x0] =	vst v8  }
0x2ee: {  	v38 =	vadd.s32 $0x1600, v2;
	v8 =	vld.idx.msk [tilespmem:v35+s2+$0x0], $0xffff;
	[tilespmem:s13+$0x0] =	vst v10  }
0x2ef: {  	v39 =	vadd.s32 $0x1600, v3;
	s13 =	sor.u32 $0x7380, s1;
	v10 =	vld.idx.msk [tilespmem:v36+s2+$0x0], $0xffff  }
0x2f0: {  	v40 =	vadd.s32 $0x1600, v1;
	s17 =	sor.u32 s31, s13  }
0x2f1: {  	s15 =	sor.u32 s10, s13;
	[tilespmem:s17+$0x0] =	vst v4  }
0x2f2: {  	s16 =	sor.u32 s11, s13;
	v4 =	vld.idx.msk [tilespmem:v37+s2+$0x0], $0xffff;
	[tilespmem:s15+$0x0] =	vst v6  }
0x2f3: {  	v41 =	vadd.s32 $0x1680, v0;
	s13 =	sor.u32 s12, s13;
	v6 =	vld.idx.msk [tilespmem:v38+s2+$0x0], $0xffff;
	[tilespmem:s16+$0x0] =	vst v8  }
0x2f4: {  	v42 =	vadd.s32 $0x1680, v2;
	v8 =	vld.idx.msk [tilespmem:v39+s2+$0x0], $0xffff;
	[tilespmem:s13+$0x0] =	vst v10  }
0x2f5: {  	v43 =	vadd.s32 $0x1680, v3;
	s13 =	sadd.s32 $0x7400, s1;
	v10 =	vld.idx.msk [tilespmem:v40+s2+$0x0], $0xffff  }
0x2f6: {  	v44 =	vadd.s32 $0x1680, v1;
	s17 =	sor.u32 s31, s13  }
0x2f7: {  	s15 =	sor.u32 s10, s13;
	[tilespmem:s17+$0x0] =	vst v4  }
0x2f8: {  	s16 =	sor.u32 s11, s13;
	v4 =	vld.idx.msk [tilespmem:v41+s2+$0x0], $0xffff;
	[tilespmem:s15+$0x0] =	vst v6  }
0x2f9: {  	v45 =	vadd.s32 $0x1700, v0;
	s13 =	sor.u32 s12, s13;
	v6 =	vld.idx.msk [tilespmem:v42+s2+$0x0], $0xffff;
	[tilespmem:s16+$0x0] =	vst v8  }
0x2fa: {  	v46 =	vadd.s32 $0x1700, v2;
	v8 =	vld.idx.msk [tilespmem:v43+s2+$0x0], $0xffff;
	[tilespmem:s13+$0x0] =	vst v10  }
0x2fb: {  	v47 =	vadd.s32 $0x1700, v3;
	s13 =	sadd.s32 $0x7480, s1;
	v10 =	vld.idx.msk [tilespmem:v44+s2+$0x0], $0xffff  }
0x2fc: {  	v48 =	vadd.s32 $0x1700, v1;
	s17 =	sor.u32 s31, s13  }
0x2fd: {  	s15 =	sor.u32 s10, s13;
	[tilespmem:s17+$0x0] =	vst v4  }
0x2fe: {  	s16 =	sor.u32 s11, s13;
	v4 =	vld.idx.msk [tilespmem:v45+s2+$0x0], $0xffff;
	[tilespmem:s15+$0x0] =	vst v6  }
0x2ff: {  	v49 =	vadd.s32 $0x1780, v0;
	s13 =	sor.u32 s12, s13;
	v6 =	vld.idx.msk [tilespmem:v46+s2+$0x0], $0xffff;
	[tilespmem:s16+$0x0] =	vst v8  }
0x300: {  	v50 =	vadd.s32 $0x1780, v2;
	v8 =	vld.idx.msk [tilespmem:v47+s2+$0x0], $0xffff;
	[tilespmem:s13+$0x0] =	vst v10  }
0x301: {  	v51 =	vadd.s32 $0x1780, v3;
	s13 =	sadd.s32 $0x7500, s1;
	v10 =	vld.idx.msk [tilespmem:v48+s2+$0x0], $0xffff  }
0x302: {  	v52 =	vadd.s32 $0x1780, v1;
	s17 =	sor.u32 s31, s13  }
0x303: {  	s15 =	sor.u32 s10, s13;
	[tilespmem:s17+$0x0] =	vst v4  }
0x304: {  	s16 =	sor.u32 s11, s13;
	v4 =	vld.idx.msk [tilespmem:v49+s2+$0x0], $0xffff;
	[tilespmem:s15+$0x0] =	vst v6  }
0x305: {  	v53 =	vadd.s32 $0x1800, v0;
	s13 =	sor.u32 s12, s13;
	v6 =	vld.idx.msk [tilespmem:v50+s2+$0x0], $0xffff;
	[tilespmem:s16+$0x0] =	vst v8  }
0x306: {  	v54 =	vadd.s32 $0x1800, v2;
	v8 =	vld.idx.msk [tilespmem:v51+s2+$0x0], $0xffff;
	[tilespmem:s13+$0x0] =	vst v10  }
0x307: {  	v55 =	vadd.s32 $0x1800, v3;
	s13 =	sadd.s32 $0x7580, s1;
	v10 =	vld.idx.msk [tilespmem:v52+s2+$0x0], $0xffff  }
0x308: {  	v56 =	vadd.s32 $0x1800, v1;
	s17 =	sor.u32 s31, s13  }
0x309: {  	s15 =	sor.u32 s10, s13;
	[tilespmem:s17+$0x0] =	vst v4  }
0x30a: {  	s16 =	sor.u32 s11, s13;
	v4 =	vld.idx.msk [tilespmem:v53+s2+$0x0], $0xffff;
	[tilespmem:s15+$0x0] =	vst v6  }
0x30b: {  	v57 =	vadd.s32 $0x1880, v0;
	s13 =	sor.u32 s12, s13;
	v6 =	vld.idx.msk [tilespmem:v54+s2+$0x0], $0xffff;
	[tilespmem:s16+$0x0] =	vst v8  }
0x30c: {  	v58 =	vadd.s32 $0x1880, v2;
	v8 =	vld.idx.msk [tilespmem:v55+s2+$0x0], $0xffff;
	[tilespmem:s13+$0x0] =	vst v10  }
0x30d: {  	v59 =	vadd.s32 $0x1880, v3;
	s13 =	sor.u32 $0x8200, s1;
	v10 =	vld.idx.msk [tilespmem:v56+s2+$0x0], $0xffff  }
0x30e: {  	v60 =	vadd.s32 $0x1880, v1;
	s17 =	sor.u32 s31, s13  }
0x30f: {  	s15 =	sor.u32 s10, s13;
	[tilespmem:s17+$0x0] =	vst v4  }
0x310: {  	s16 =	sor.u32 s11, s13;
	v4 =	vld.idx.msk [tilespmem:v57+s2+$0x0], $0xffff;
	[tilespmem:s15+$0x0] =	vst v6  }
0x311: {  	v61 =	vadd.s32 $0x1900, v0;
	s13 =	sor.u32 s12, s13;
	v6 =	vld.idx.msk [tilespmem:v58+s2+$0x0], $0xffff;
	[tilespmem:s16+$0x0] =	vst v8  }
0x312: {  	v62 =	vadd.s32 $0x1900, v2;
	v8 =	vld.idx.msk [tilespmem:v59+s2+$0x0], $0xffff;
	[tilespmem:s13+$0x0] =	vst v10  }
0x313: {  	v63 =	vadd.s32 $0x1900, v3;
	s13 =	sor.u32 $0x8280, s1;
	v10 =	vld.idx.msk [tilespmem:v60+s2+$0x0], $0xffff  }
0x314: {  	v12 =	vadd.s32 $0x1900, v1;
	s17 =	sor.u32 s31, s13  }
0x315: {  	s15 =	sor.u32 s10, s13;
	[tilespmem:s17+$0x0] =	vst v4  }
0x316: {  	s16 =	sor.u32 s11, s13;
	v4 =	vld.idx.msk [tilespmem:v61+s2+$0x0], $0xffff;
	[tilespmem:s15+$0x0] =	vst v6  }
0x317: {  	v13 =	vadd.s32 $0x1980, v0;
	s13 =	sor.u32 s12, s13;
	v6 =	vld.idx.msk [tilespmem:v62+s2+$0x0], $0xffff;
	[tilespmem:s16+$0x0] =	vst v8  }
0x318: {  	v14 =	vadd.s32 $0x1980, v2;
	v8 =	vld.idx.msk [tilespmem:v63+s2+$0x0], $0xffff;
	[tilespmem:s13+$0x0] =	vst v10  }
0x319: {  	v15 =	vadd.s32 $0x1980, v3;
	s13 =	sor.u32 $0x8300, s1;
	v10 =	vld.idx.msk [tilespmem:v12+s2+$0x0], $0xffff  }
0x31a: {  	v16 =	vadd.s32 $0x1980, v1;
	s17 =	sor.u32 s31, s13  }
0x31b: {  	s15 =	sor.u32 s10, s13;
	[tilespmem:s17+$0x0] =	vst v4  }
0x31c: {  	s16 =	sor.u32 s11, s13;
	v4 =	vld.idx.msk [tilespmem:v13+s2+$0x0], $0xffff;
	[tilespmem:s15+$0x0] =	vst v6  }
0x31d: {  	v17 =	vadd.s32 $0x1A00, v0;
	s13 =	sor.u32 s12, s13;
	v6 =	vld.idx.msk [tilespmem:v14+s2+$0x0], $0xffff;
	[tilespmem:s16+$0x0] =	vst v8  }
0x31e: {  	v18 =	vadd.s32 $0x1A00, v2;
	v8 =	vld.idx.msk [tilespmem:v15+s2+$0x0], $0xffff;
	[tilespmem:s13+$0x0] =	vst v10  }
0x31f: {  	v19 =	vadd.s32 $0x1A00, v3;
	s13 =	sor.u32 $0x8380, s1;
	v10 =	vld.idx.msk [tilespmem:v16+s2+$0x0], $0xffff  }
0x320: {  	v20 =	vadd.s32 $0x1A00, v1;
	s17 =	sor.u32 s31, s13  }
0x321: {  	s15 =	sor.u32 s10, s13;
	[tilespmem:s17+$0x0] =	vst v4  }
0x322: {  	s16 =	sor.u32 s11, s13;
	v4 =	vld.idx.msk [tilespmem:v17+s2+$0x0], $0xffff;
	[tilespmem:s15+$0x0] =	vst v6  }
0x323: {  	v21 =	vadd.s32 $0x1A80, v0;
	s13 =	sor.u32 s12, s13;
	v6 =	vld.idx.msk [tilespmem:v18+s2+$0x0], $0xffff;
	[tilespmem:s16+$0x0] =	vst v8  }
0x324: {  	v22 =	vadd.s32 $0x1A80, v2;
	v8 =	vld.idx.msk [tilespmem:v19+s2+$0x0], $0xffff;
	[tilespmem:s13+$0x0] =	vst v10  }
0x325: {  	v23 =	vadd.s32 $0x1A80, v3;
	s13 =	sadd.s32 $0x8400, s1;
	v10 =	vld.idx.msk [tilespmem:v20+s2+$0x0], $0xffff  }
0x326: {  	v24 =	vadd.s32 $0x1A80, v1;
	s17 =	sor.u32 s31, s13  }
0x327: {  	s15 =	sor.u32 s10, s13;
	[tilespmem:s17+$0x0] =	vst v4  }
0x328: {  	s16 =	sor.u32 s11, s13;
	v4 =	vld.idx.msk [tilespmem:v21+s2+$0x0], $0xffff;
	[tilespmem:s15+$0x0] =	vst v6  }
0x329: {  	v25 =	vadd.s32 $0x1B00, v0;
	s13 =	sor.u32 s12, s13;
	v6 =	vld.idx.msk [tilespmem:v22+s2+$0x0], $0xffff;
	[tilespmem:s16+$0x0] =	vst v8  }
0x32a: {  	v26 =	vadd.s32 $0x1B00, v2;
	v8 =	vld.idx.msk [tilespmem:v23+s2+$0x0], $0xffff;
	[tilespmem:s13+$0x0] =	vst v10  }
0x32b: {  	v27 =	vadd.s32 $0x1B00, v3;
	s13 =	sadd.s32 $0x8480, s1;
	v10 =	vld.idx.msk [tilespmem:v24+s2+$0x0], $0xffff  }
0x32c: {  	v28 =	vadd.s32 $0x1B00, v1;
	s17 =	sor.u32 s31, s13  }
0x32d: {  	s15 =	sor.u32 s10, s13;
	[tilespmem:s17+$0x0] =	vst v4  }
0x32e: {  	s16 =	sor.u32 s11, s13;
	v4 =	vld.idx.msk [tilespmem:v25+s2+$0x0], $0xffff;
	[tilespmem:s15+$0x0] =	vst v6  }
0x32f: {  	v29 =	vadd.s32 $0x1B80, v0;
	s13 =	sor.u32 s12, s13;
	v6 =	vld.idx.msk [tilespmem:v26+s2+$0x0], $0xffff;
	[tilespmem:s16+$0x0] =	vst v8  }
0x330: {  	v30 =	vadd.s32 $0x1B80, v2;
	v8 =	vld.idx.msk [tilespmem:v27+s2+$0x0], $0xffff;
	[tilespmem:s13+$0x0] =	vst v10  }
0x331: {  	v31 =	vadd.s32 $0x1B80, v3;
	s13 =	sadd.s32 $0x8500, s1;
	v10 =	vld.idx.msk [tilespmem:v28+s2+$0x0], $0xffff  }
0x332: {  	v32 =	vadd.s32 $0x1B80, v1;
	s17 =	sor.u32 s31, s13  }
0x333: {  	s15 =	sor.u32 s10, s13;
	[tilespmem:s17+$0x0] =	vst v4  }
0x334: {  	s16 =	sor.u32 s11, s13;
	v4 =	vld.idx.msk [tilespmem:v29+s2+$0x0], $0xffff;
	[tilespmem:s15+$0x0] =	vst v6  }
0x335: {  	v33 =	vadd.s32 $0x1C00, v0;
	s13 =	sor.u32 s12, s13;
	v6 =	vld.idx.msk [tilespmem:v30+s2+$0x0], $0xffff;
	[tilespmem:s16+$0x0] =	vst v8  }
0x336: {  	v34 =	vadd.s32 $0x1C00, v2;
	v8 =	vld.idx.msk [tilespmem:v31+s2+$0x0], $0xffff;
	[tilespmem:s13+$0x0] =	vst v10  }
0x337: {  	v35 =	vadd.s32 $0x1C00, v3;
	s13 =	sadd.s32 $0x8580, s1;
	v10 =	vld.idx.msk [tilespmem:v32+s2+$0x0], $0xffff  }
0x338: {  	v36 =	vadd.s32 $0x1C00, v1;
	s17 =	sor.u32 s31, s13  }
0x339: {  	s15 =	sor.u32 s10, s13;
	[tilespmem:s17+$0x0] =	vst v4  }
0x33a: {  	s16 =	sor.u32 s11, s13;
	v4 =	vld.idx.msk [tilespmem:v33+s2+$0x0], $0xffff;
	[tilespmem:s15+$0x0] =	vst v6  }
0x33b: {  	v37 =	vadd.s32 $0x1C80, v0;
	s13 =	sor.u32 s12, s13;
	v6 =	vld.idx.msk [tilespmem:v34+s2+$0x0], $0xffff;
	[tilespmem:s16+$0x0] =	vst v8  }
0x33c: {  	v38 =	vadd.s32 $0x1C80, v2;
	v8 =	vld.idx.msk [tilespmem:v35+s2+$0x0], $0xffff;
	[tilespmem:s13+$0x0] =	vst v10  }
0x33d: {  	v39 =	vadd.s32 $0x1C80, v3;
	s13 =	sor.u32 $0x9200, s1;
	v10 =	vld.idx.msk [tilespmem:v36+s2+$0x0], $0xffff  }
0x33e: {  	v40 =	vadd.s32 $0x1C80, v1;
	s17 =	sor.u32 s31, s13  }
0x33f: {  	s15 =	sor.u32 s10, s13;
	[tilespmem:s17+$0x0] =	vst v4  }
0x340: {  	s16 =	sor.u32 s11, s13;
	v4 =	vld.idx.msk [tilespmem:v37+s2+$0x0], $0xffff;
	[tilespmem:s15+$0x0] =	vst v6  }
0x341: {  	v41 =	vadd.s32 $0x1D00, v0;
	s13 =	sor.u32 s12, s13;
	v6 =	vld.idx.msk [tilespmem:v38+s2+$0x0], $0xffff;
	[tilespmem:s16+$0x0] =	vst v8  }
0x342: {  	v42 =	vadd.s32 $0x1D00, v2;
	v8 =	vld.idx.msk [tilespmem:v39+s2+$0x0], $0xffff;
	[tilespmem:s13+$0x0] =	vst v10  }
0x343: {  	v43 =	vadd.s32 $0x1D00, v3;
	s13 =	sor.u32 $0x9280, s1;
	v10 =	vld.idx.msk [tilespmem:v40+s2+$0x0], $0xffff  }
0x344: {  	v44 =	vadd.s32 $0x1D00, v1;
	s17 =	sor.u32 s31, s13  }
0x345: {  	s15 =	sor.u32 s10, s13;
	[tilespmem:s17+$0x0] =	vst v4  }
0x346: {  	s16 =	sor.u32 s11, s13;
	v4 =	vld.idx.msk [tilespmem:v41+s2+$0x0], $0xffff;
	[tilespmem:s15+$0x0] =	vst v6  }
0x347: {  	v45 =	vadd.s32 $0x1D80, v0;
	s13 =	sor.u32 s12, s13;
	v6 =	vld.idx.msk [tilespmem:v42+s2+$0x0], $0xffff;
	[tilespmem:s16+$0x0] =	vst v8  }
0x348: {  	v46 =	vadd.s32 $0x1D80, v2;
	v8 =	vld.idx.msk [tilespmem:v43+s2+$0x0], $0xffff;
	[tilespmem:s13+$0x0] =	vst v10  }
0x349: {  	v47 =	vadd.s32 $0x1D80, v3;
	s13 =	sor.u32 $0x9300, s1;
	v10 =	vld.idx.msk [tilespmem:v44+s2+$0x0], $0xffff  }
0x34a: {  	v48 =	vadd.s32 $0x1D80, v1;
	s17 =	sor.u32 s31, s13  }
0x34b: {  	s15 =	sor.u32 s10, s13;
	[tilespmem:s17+$0x0] =	vst v4  }
0x34c: {  	s16 =	sor.u32 s11, s13;
	v4 =	vld.idx.msk [tilespmem:v45+s2+$0x0], $0xffff;
	[tilespmem:s15+$0x0] =	vst v6  }
0x34d: {  	v49 =	vadd.s32 $0x1E00, v0;
	s13 =	sor.u32 s12, s13;
	v6 =	vld.idx.msk [tilespmem:v46+s2+$0x0], $0xffff;
	[tilespmem:s16+$0x0] =	vst v8  }
0x34e: {  	v50 =	vadd.s32 $0x1E00, v2;
	v8 =	vld.idx.msk [tilespmem:v47+s2+$0x0], $0xffff;
	[tilespmem:s13+$0x0] =	vst v10  }
0x34f: {  	v51 =	vadd.s32 $0x1E00, v3;
	s13 =	sor.u32 $0x9380, s1;
	v10 =	vld.idx.msk [tilespmem:v48+s2+$0x0], $0xffff  }
0x350: {  	v52 =	vadd.s32 $0x1E00, v1;
	s17 =	sor.u32 s31, s13  }
0x351: {  	s15 =	sor.u32 s10, s13;
	[tilespmem:s17+$0x0] =	vst v4  }
0x352: {  	s16 =	sor.u32 s11, s13;
	v4 =	vld.idx.msk [tilespmem:v49+s2+$0x0], $0xffff;
	[tilespmem:s15+$0x0] =	vst v6  }
0x353: {  	v53 =	vadd.s32 $0x1E80, v0;
	s13 =	sor.u32 s12, s13;
	v6 =	vld.idx.msk [tilespmem:v50+s2+$0x0], $0xffff;
	[tilespmem:s16+$0x0] =	vst v8  }
0x354: {  	v54 =	vadd.s32 $0x1E80, v2;
	v8 =	vld.idx.msk [tilespmem:v51+s2+$0x0], $0xffff;
	[tilespmem:s13+$0x0] =	vst v10  }
0x355: {  	v55 =	vadd.s32 $0x1E80, v3;
	s13 =	sadd.s32 $0x9400, s1;
	v10 =	vld.idx.msk [tilespmem:v52+s2+$0x0], $0xffff  }
0x356: {  	v56 =	vadd.s32 $0x1E80, v1;
	s17 =	sor.u32 s31, s13  }
0x357: {  	s15 =	sor.u32 s10, s13;
	[tilespmem:s17+$0x0] =	vst v4  }
0x358: {  	s16 =	sor.u32 s11, s13;
	v4 =	vld.idx.msk [tilespmem:v53+s2+$0x0], $0xffff;
	[tilespmem:s15+$0x0] =	vst v6  }
0x359: {  	v57 =	vadd.s32 $0x1F00, v0;
	s13 =	sor.u32 s12, s13;
	v6 =	vld.idx.msk [tilespmem:v54+s2+$0x0], $0xffff;
	[tilespmem:s16+$0x0] =	vst v8  }
0x35a: {  	v58 =	vadd.s32 $0x1F00, v2;
	v8 =	vld.idx.msk [tilespmem:v55+s2+$0x0], $0xffff;
	[tilespmem:s13+$0x0] =	vst v10  }
0x35b: {  	v59 =	vadd.s32 $0x1F00, v3;
	s13 =	sadd.s32 $0x9480, s1;
	v10 =	vld.idx.msk [tilespmem:v56+s2+$0x0], $0xffff  }
0x35c: {  	v60 =	vadd.s32 $0x1F00, v1;
	s17 =	sor.u32 s31, s13  }
0x35d: {  	s15 =	sor.u32 s10, s13;
	[tilespmem:s17+$0x0] =	vst v4  }
0x35e: {  	s16 =	sor.u32 s11, s13;
	v4 =	vld.idx.msk [tilespmem:v57+s2+$0x0], $0xffff;
	[tilespmem:s15+$0x0] =	vst v6  }
0x35f: {  	v0 =	vadd.s32 $0x1F80, v0;
	s13 =	sor.u32 s12, s13;
	[tilespmem:s16+$0x0] =	vst v8;
	v61 =	vld.idx.msk [tilespmem:v58+s2+$0x0], $0xffff  }
0x360: {  	v2 =	vadd.s32 $0x1F80, v2;
	[tilespmem:s13+$0x0] =	vst v10;
	v62 =	vld.idx.msk [tilespmem:v59+s2+$0x0], $0xffff  }
0x361: {  	v3 =	vadd.s32 $0x1F80, v3;
	s13 =	sadd.s32 $0x9500, s1;
	v63 =	vld.idx.msk [tilespmem:v60+s2+$0x0], $0xffff  }
0x362: {  	v1 =	vadd.s32 $0x1F80, v1;
	s17 =	sor.u32 s31, s13  }
0x363: {  	s15 =	sor.u32 s10, s13;
	[tilespmem:s17+$0x0] =	vst v4  }
0x364: {  	s16 =	sor.u32 s11, s13;
	v0 =	vld.idx.msk [tilespmem:v0+s2+$0x0], $0xffff;
	[tilespmem:s15+$0x0] =	vst v61  }
0x365: {  	s13 =	sor.u32 s12, s13;
	[tilespmem:s16+$0x0] =	vst v62;
	v2 =	vld.idx.msk [tilespmem:v2+s2+$0x0], $0xffff  }
0x366: {  	s28 =	sadd.s32 $0x4, s28;
	[tilespmem:s13+$0x0] =	vst v63;
	v3 =	vld.idx.msk [tilespmem:v3+s2+$0x0], $0xffff  }
0x367: {  	p1 =	slt.u32 s28, $0x1C;
	s1 =	sadd.s32 $0x9580, s1;
	v1 =	vld.idx.msk [tilespmem:v1+s2+$0x0], $0xffff  }
.Ltmp1:
0x368: {  	s17 =	sor.u32 s31, s1;
	(pc) =	sbr.rel @p1 .LBB2_4-.Ltmp1, $4  }
0x369: {  	s10 =	sor.u32 s10, s1;
	[tilespmem:s17+$0x0] =	vst v0  }
0x36a: {  	s31 =	sor.u32 s11, s1;
	[tilespmem:s10+$0x0] =	vst v2  }
0x36b: {  	s30 =	sadd.s32 $0x40, s30;
	s1 =	sor.u32 s12, s1;
	[tilespmem:s31+$0x0] =	vst v3  }
0x36c: {  	s0 =	sadd.s32 $0x40, s0;
	p0 =	por !p0, !p0;
	s29 =	sadd.s32 $0x200, s29;
	[tilespmem:s1+$0x0] =	vst v1  }
0x36d: {  	[hbm4b:s6+s2] =	stream.linear.scatter [tilespmem:s18], [sflag:$0x1], $0x800, $0x38;
	[tilespmem:$0xA200] =	vst v63  }
0x36e: {  	s0 =	sadd.s32 $0x4000, s6  }
0x36f: {  	[hbm4b:s0+s2] =	stream.linear.scatter [tilespmem:s19], [sflag:$0x1], $0x800, $0x38;
	[tilespmem:$0xA200] =	vst v63  }
0x370: {  	s16 =	sadd.s32 $0x8000, s6  }
0x371: {  	[hbm4b:s16+s2] =	stream.linear.scatter [tilespmem:s20], [sflag:$0x1], $0x800, $0x38;
	[tilespmem:$0xA200] =	vst v63  }
0x372: {  	s17 =	sadd.s32 $0xC000, s6  }
0x373: {  	[hbm4b:s17+s2] =	stream.linear.scatter [tilespmem:s21], [sflag:$0x1], $0x800, $0x38;
	[tilespmem:$0xA200] =	vst v63  }
0x374: {  	s28 =	sadd.s32 $0x10000, s6  }
0x375: {  	[hbm4b:s28+s2] =	stream.linear.scatter [tilespmem:s22], [sflag:$0x1], $0x800, $0x38;
	[tilespmem:$0xA200] =	vst v63  }
0x376: {  	s29 =	sadd.s32 $0x14000, s6  }
0x377: {  	[hbm4b:s29+s2] =	stream.linear.scatter [tilespmem:s23], [sflag:$0x1], $0x800, $0x38;
	[tilespmem:$0xA200] =	vst v63  }
0x378: {  	s30 =	sadd.s32 $0x18000, s6  }
0x379: {  	[hbm4b:s30+s2] =	stream.linear.scatter [tilespmem:s24], [sflag:$0x1], $0x800, $0x38;
	[tilespmem:$0xA200] =	vst v63  }
0x37a: {  	s31 =	sadd.s32 $0x1C000, s6;
	s26 =	sadd.s32 $0x1, s26  }
0x37b: {  	[hbm4b:s31+s2] =	stream.linear.scatter [tilespmem:s25], [sflag:$0x1], $0x800, $0x38;
	[tilespmem:$0xA200] =	vst v63  }
0x37c: {  	p0 =	sne.s32 s26, s7;
	_ =	swait.ge [sflag:s9], $0x4000  }
.Ltmp2:
0x37d: {  	[sflag:s9] =	ssyncset.done $0x0;
	(pc) =	sbr.rel @p0 .LBB2_1-.Ltmp2, $4  }
0x37e: {  	[sflag:s9] =	ssyncadd.s32 $0xFFFFC000  }
0x37f: {  	_ =	swait.ge [sflag:s9], $0x4000  }
0x380: {  	[sflag:s9] =	ssyncset.done $0x0  }
0x381: {  	[sflag:s9] =	ssyncadd.s32 $0xFFFFC000  }
0x382: {  	_ =	sfence.sel $0x180000  }
0x383: {  	[bflag:$0x0] =	sbarrier.arrive $0xFFFF  }
0x384: {  	_ =	strace $0x90000047  }
0x385: {  	s0 =	stileid.u32;
	[bflag:$0x2] =	sbarrier.arrive $0xFFFF  }
0x386: {  	p0 =	sne.s32 s0, $0x0;
	s0 =	rddreg [dreg:$0x3]  }
0x387: {  	s0 =	sadd.s32 @!p0 $0x100000, s0  }
0x388: {  	[sflag:s0] =	ssyncadd.tile.s32 @!p0 $0x1;
	_ =	shalt  }
.Lfunc_end2:
_tile_overlayer_lowered:
.L_overlay_start_2:
0x389: {  	(tag) =	ssettag $0x2  }
0x38a: {  	s0 =	rddreg [dreg:$0x0];
	s2 =	stileid.u32  }
0x38b: {  	s1 =	rddreg [dreg:$0x1];
	p0 =	sne.s32 s2, $0x0  }
0x38c: {  	s3 =	rddreg [dreg:$0x2];
	[bflag:$0x3] =	sbarrier.arrive $0xFFFF;
	s2 =	simm.s32 @!p0 $0x1C02  }
0x38d: {  	[timem:s3], [sflag:s2] =	dma.local @!p0 [hbm:s0], s1  }
0x38e: {  	s0 =	simm.s32 @!p0 $0x2  }
0x38f: {  	_ =	swait.ge @!p0 [sflag:s0], s1  }
0x390: {  	s1 =	ssub.s32 @!p0 $0x0, s1;
	[sflag:s0] =	ssyncset.done @!p0 $0x0  }
0x391: {  	[sflag:s0] =	ssyncadd.s32 @!p0 s1  }
0x392: {  	[bflag:$0x3] =	sbarrier.arrive $0xFFFF  }
0x393: {  	_ =	shalt  }

</sc_bundles>
